<compile_context>
chip_gen: v7x
topology: tpu7x:2x2x1
jax: 0.10.2.dev20260603
libtpu: 0.0.44.dev20260713+nightly
codegen_flags: <defaults>
</compile_context>

<pallas_src>
import functools

import jax
import jax.numpy as jnp
from jax import lax
from jax.experimental import pallas as pl
from jax.experimental.pallas import tpu as pltpu
from jax.experimental.pallas import tpu_sc as plsc

_NUM_IMAGES = 1000
_NUM_GRADIENT = 2
_IMAGE_SIZE = 128
_BATCH = 1024

_NC, _NS, _L = 2, 16, 16
_NW = _NC * _NS

_SL = 32
_SPLIT = 3 * _IMAGE_SIZE // _SL
_TROWS = _NUM_IMAGES * _NUM_GRADIENT * _SPLIT
_ITEMS = _BATCH * _SPLIT
_IPW = _ITEMS // _NW
_CHUNK = 8
_STEPS = _IPW // _CHUNK
_NBUF = 3
_BPW = _BATCH // _NW

@functools.cache
def _build_sc_gather():
  mesh = plsc.VectorSubcoreMesh(
      core_axis_name="c", subcore_axis_name="s", num_cores=_NC)

  @functools.partial(
      pl.kernel,
      mesh=mesh,
      compiler_params=pltpu.CompilerParams(needs_layout_passes=False),
      out_type=jax.ShapeDtypeStruct((_ITEMS, _SL, _IMAGE_SIZE), jnp.float32),
      scratch_types=[
          pltpu.VMEM((_BPW,), jnp.int32),
          pltpu.VMEM((_L,), jnp.int32),
          pltpu.VMEM((_IPW,), jnp.int32),
          [pltpu.VMEM((_CHUNK, _SL, _IMAGE_SIZE), jnp.float32)
           for _ in range(_NBUF)],
          [pltpu.SemaphoreType.DMA for _ in range(2 * _NBUF)],
      ],
  )
  def _sc_gather(table_hbm, idx_hbm, gid_hbm, out_hbm,
                 idx_v, gid_v, flat_v, bufs, sems):
      wid = lax.axis_index("s") * _NC + lax.axis_index("c")
      item_base = wid * _IPW

      pltpu.sync_copy(idx_hbm.at[pl.ds(wid * _BPW, _BPW)], idx_v)
      pltpu.sync_copy(gid_hbm, gid_v)
      gid = gid_v[...]

      vsplit = jnp.full((_L,), _SPLIT, jnp.int32)
      vgrad = jnp.full((_L,), _NUM_GRADIENT, jnp.int32)
      for k in range(_IPW // _L):
          t = lax.add(jnp.full((_L,), k * _L, jnp.int32), lax.iota(jnp.int32, _L))
          r = lax.div(t, vsplit)
          s = lax.sub(t, lax.mul(r, vsplit))
          rows = plsc.load_gather(idx_v, [r])
          flat_v[pl.ds(k * _L, _L)] = lax.add(
              lax.mul(lax.add(lax.mul(rows, vgrad), gid), vsplit), s)

      gsem = sems[:_NBUF]
      ssem = sems[_NBUF:]

      def start_gather(j):
          b = j % _NBUF
          return pltpu.async_copy(
              table_hbm.at[flat_v.at[pl.ds(j * _CHUNK, _CHUNK)]], bufs[b], gsem[b])

      gathers = [None] * _STEPS
      scatters = [None] * _STEPS
      for j in range(_NBUF):
          gathers[j] = start_gather(j)
      for j in range(_STEPS):
          b = j % _NBUF
          gathers[j].wait()
          scatters[j] = pltpu.async_copy(
              bufs[b], out_hbm.at[pl.ds(item_base + j * _CHUNK, _CHUNK)], ssem[b])
          if j + _NBUF < _STEPS:
              scatters[j].wait()
              gathers[j + _NBUF] = start_gather(j + _NBUF)
      for j in range(_STEPS - _NBUF, _STEPS):
          scatters[j].wait()

  return _sc_gather


def kernel(idx, gradient_id, params):
    table = params.reshape(_TROWS, _SL, _IMAGE_SIZE)
    idx32 = idx.astype(jnp.int32)
    gid16 = jnp.broadcast_to(
        jnp.asarray(gradient_id, jnp.int32).reshape(()), (_L,))
    out = _build_sc_gather()(table, idx32, gid16)
    return out.reshape(_BATCH, 3, _IMAGE_SIZE, _IMAGE_SIZE)

# --- scband reference (transcript-rebuilt; emitter-appended) ---
"""Pipeline reference for scband-gradient-config-19542101197250 (READ-ONLY COPY).

The authoritative reference and input builder live on the scoring server;
editing this copy changes nothing except your own understanding.
"""

import jax, jax.numpy as jnp
import numpy as np

NUM_IMAGES = 1000
NUM_GRADIENT = 2
IMAGE_SIZE = 128
BATCH = 1024


def setup_inputs(seed: int = 0) -> dict:
    key = jax.random.key(seed)
    k_params, k_idx = jax.random.split(key)
    params = jax.random.normal(
        k_params, (NUM_IMAGES, NUM_GRADIENT, 3, IMAGE_SIZE, IMAGE_SIZE), dtype=jnp.float32
    )
    idx = jax.random.randint(k_idx, (BATCH,), 0, NUM_IMAGES, dtype=jnp.int64 if jax.config.jax_enable_x64 else jnp.int32)
    return {"idx": idx, "gradient_id": 1, "params": params}


def reference(idx, gradient_id, params):
    # Faithful translation of GradientConfig.forward with mode='train':
    #   return self._params[idx, gradient_id]
    # Gather rows of the big parameter table by idx, then select the
    # gradient_id slice along axis 1.
    gathered = jnp.take(params, idx, axis=0)          # [B, num_gradient, 3, H, W]
    out = gathered[:, gradient_id]                    # [B, 3, H, W]
    return out

if __name__ == "__main__":
    import jax
    _d = setup_inputs()
    print(jax.jit(kernel)(*tuple(_d.values())))

</pallas_src>

<mosaic_0001>
#map = affine_map<(d0, d1) -> (0, 0, 0)>
#map1 = affine_map<(d0, d1) -> (0)>
module attributes {stable_mosaic.version = 14 : i64} {
  func.func @_sc_gather(%arg0: i32, %arg1: i32, %arg2: memref<24000x32x128xf32, #tpu.memory_space<hbm>>, %arg3: memref<1024xi32, #tpu.memory_space<hbm>>, %arg4: memref<16xi32, #tpu.memory_space<hbm>>, %arg5: memref<12288x32x128xf32, #tpu.memory_space<hbm>>, %arg6: memref<32xi32, #tpu.memory_space<vmem>>, %arg7: memref<16xi32, #tpu.memory_space<vmem>>, %arg8: memref<384xi32, #tpu.memory_space<vmem>>, %arg9: memref<8x32x128xf32, #tpu.memory_space<vmem>>, %arg10: memref<8x32x128xf32, #tpu.memory_space<vmem>>, %arg11: memref<8x32x128xf32, #tpu.memory_space<vmem>>, %arg12: memref<!tpu.dma_semaphore, #tpu.memory_space<semaphore_mem>>, %arg13: memref<!tpu.dma_semaphore, #tpu.memory_space<semaphore_mem>>, %arg14: memref<!tpu.dma_semaphore, #tpu.memory_space<semaphore_mem>>, %arg15: memref<!tpu.dma_semaphore, #tpu.memory_space<semaphore_mem>>, %arg16: memref<!tpu.dma_semaphore, #tpu.memory_space<semaphore_mem>>, %arg17: memref<!tpu.dma_semaphore, #tpu.memory_space<semaphore_mem>>) attributes {dimension_semantics = [#tpu.dimension_semantics<core_parallel>, #tpu.dimension_semantics<subcore_parallel>], iteration_bounds = array<i64: 2, 16>, scalar_prefetch = 0 : i64, scratch_operands = 12 : i64, tpu.core_type = #tpu.core_type<sc_vector_subcore>, window_params = [{transform_indices = #map}, {transform_indices = #map1}, {transform_indices = #map1}, {transform_indices = #map}]} {
    %mul3A = arith.constant 2 : i32
    %mul3A_0 = arith.muli %arg1, %mul3A : i32
    %add3A = arith.addi %mul3A_0, %arg0 : i32
    %mul3A_1 = arith.constant 384 : i32
    %mul3A_2 = arith.muli %add3A, %mul3A_1 : i32
    %mul3A_3 = arith.constant 32 : i32
    %mul3A_4 = arith.muli %add3A, %mul3A_3 : i32
    "tpu.region"() ({
      %run_scoped3A = tpu.sem_alloc : memref<!tpu.dma_semaphore, #tpu.memory_space<semaphore_mem>>
      %dma_start3A_1586 = tpu.memref_slice %arg3[%mul3A_4] : memref<1024xi32, #tpu.memory_space<hbm>> -> memref<32xi32, #tpu.memory_space<hbm>>
      %dma_start3A_1587 = tpu.memref_slice %arg3[%mul3A_4] : memref<1024xi32, #tpu.memory_space<hbm>> -> memref<32xi32, #tpu.memory_space<hbm>>
      tpu.enqueue_dma source(%dma_start3A_1587 : memref<32xi32, #tpu.memory_space<hbm>>) target(%arg6 : memref<32xi32, #tpu.memory_space<vmem>>) target_semaphore(%run_scoped3A : memref<!tpu.dma_semaphore, #tpu.memory_space<semaphore_mem>>)
      %dma_wait3A_1588 = tpu.memref_slice %arg3[%mul3A_4] : memref<1024xi32, #tpu.memory_space<hbm>> -> memref<32xi32, #tpu.memory_space<hbm>>
      %dma_wait3A_1589 = tpu.memref_slice %arg3[%mul3A_4] : memref<1024xi32, #tpu.memory_space<hbm>> -> memref<32xi32, #tpu.memory_space<hbm>>
      tpu.wait_dma2 semaphore(%run_scoped3A : memref<!tpu.dma_semaphore, #tpu.memory_space<semaphore_mem>>) src(%dma_wait3A_1589 : memref<32xi32, #tpu.memory_space<hbm>>) dst(%arg6 : memref<32xi32, #tpu.memory_space<vmem>>)
      tpu.yield
    }) : () -> ()
    "tpu.region"() ({
      %run_scoped3A = tpu.sem_alloc : memref<!tpu.dma_semaphore, #tpu.memory_space<semaphore_mem>>
      tpu.enqueue_dma source(%arg4 : memref<16xi32, #tpu.memory_space<hbm>>) target(%arg7 : memref<16xi32, #tpu.memory_space<vmem>>) target_semaphore(%run_scoped3A : memref<!tpu.dma_semaphore, #tpu.memory_space<semaphore_mem>>)
      tpu.wait_dma2 semaphore(%run_scoped3A : memref<!tpu.dma_semaphore, #tpu.memory_space<semaphore_mem>>) src(%arg4 : memref<16xi32, #tpu.memory_space<hbm>>) dst(%arg7 : memref<16xi32, #tpu.memory_space<vmem>>)
      tpu.yield
    }) : () -> ()
    %get3A = arith.constant 0 : index
    %get3A_5 = tpu.vector_load %arg7[%get3A] {strides = array<i32>} : memref<16xi32, #tpu.memory_space<vmem>>, vector<16xi32>,
    %broadcast_in_dim3A = arith.constant 12 : i32
    %broadcast_in_dim3A_6 = vector.broadcast %broadcast_in_dim3A : i32 to vector<16xi32>
    %broadcast_in_dim3A_7 = arith.constant 2 : i32
    %broadcast_in_dim3A_8 = vector.broadcast %broadcast_in_dim3A_7 : i32 to vector<16xi32>
    %broadcast_in_dim3A_9 = arith.constant 0 : i32
    %broadcast_in_dim3A_10 = vector.broadcast %broadcast_in_dim3A_9 : i32 to vector<16xi32>
    %iota3A = tpu.iota {dimensions = array<i32: 0>} : vector<16xi32>
    %add3A_11 = arith.addi %broadcast_in_dim3A_10, %iota3A : vector<16xi32>
    %div3A = arith.divsi %add3A_11, %broadcast_in_dim3A_6 : vector<16xi32>
    %mul3A_12 = arith.muli %div3A, %broadcast_in_dim3A_6 : vector<16xi32>
    %sub3A = arith.subi %add3A_11, %mul3A_12 : vector<16xi32>
    %gather3A = tpu.vector_load_idx %arg6[%div3A] : memref<32xi32, #tpu.memory_space<vmem>>[vector<16xi32>], vector<16xi32>,
    %mul3A_13 = arith.muli %gather3A, %broadcast_in_dim3A_8 : vector<16xi32>
    %add3A_14 = arith.addi %mul3A_13, %get3A_5 : vector<16xi32>
    %mul3A_15 = arith.muli %add3A_14, %broadcast_in_dim3A_6 : vector<16xi32>
    %add3A_16 = arith.addi %mul3A_15, %sub3A : vector<16xi32>
    %swap3A = arith.constant 0 : index
    %swap3A_17 = tpu.vector_load %arg8[%swap3A] {strides = array<i32>} : memref<384xi32, #tpu.memory_space<vmem>>, vector<16xi32>,
    tpu.vector_store %arg8[%swap3A], %add3A_16 {strides = array<i32>} : memref<384xi32, #tpu.memory_space<vmem>>, vector<16xi32>,
    %broadcast_in_dim3A_18 = arith.constant 16 : i32
    %broadcast_in_dim3A_19 = vector.broadcast %broadcast_in_dim3A_18 : i32 to vector<16xi32>
    %iota3A_20 = tpu.iota {dimensions = array<i32: 0>} : vector<16xi32>
    %add3A_21 = arith.addi %broadcast_in_dim3A_19, %iota3A_20 : vector<16xi32>
    %div3A_22 = arith.divsi %add3A_21, %broadcast_in_dim3A_6 : vector<16xi32>
    %mul3A_23 = arith.muli %div3A_22, %broadcast_in_dim3A_6 : vector<16xi32>
    %sub3A_24 = arith.subi %add3A_21, %mul3A_23 : vector<16xi32>
    %gather3A_25 = tpu.vector_load_idx %arg6[%div3A_22] : memref<32xi32, #tpu.memory_space<vmem>>[vector<16xi32>], vector<16xi32>,
    %mul3A_26 = arith.muli %gather3A_25, %broadcast_in_dim3A_8 : vector<16xi32>
    %add3A_27 = arith.addi %mul3A_26, %get3A_5 : vector<16xi32>
    %mul3A_28 = arith.muli %add3A_27, %broadcast_in_dim3A_6 : vector<16xi32>
    %add3A_29 = arith.addi %mul3A_28, %sub3A_24 : vector<16xi32>
    %swap3A_30 = arith.constant 16 : index
    %swap3A_31 = tpu.vector_load %arg8[%swap3A_30] {strides = array<i32>} : memref<384xi32, #tpu.memory_space<vmem>>, vector<16xi32>,
    tpu.vector_store %arg8[%swap3A_30], %add3A_29 {strides = array<i32>} : memref<384xi32, #tpu.memory_space<vmem>>, vector<16xi32>,
    %broadcast_in_dim3A_32 = arith.constant 32 : i32
    %broadcast_in_dim3A_33 = vector.broadcast %broadcast_in_dim3A_32 : i32 to vector<16xi32>
    %iota3A_34 = tpu.iota {dimensions = array<i32: 0>} : vector<16xi32>
    %add3A_35 = arith.addi %broadcast_in_dim3A_33, %iota3A_34 : vector<16xi32>
    %div3A_36 = arith.divsi %add3A_35, %broadcast_in_dim3A_6 : vector<16xi32>
    %mul3A_37 = arith.muli %div3A_36, %broadcast_in_dim3A_6 : vector<16xi32>
    %sub3A_38 = arith.subi %add3A_35, %mul3A_37 : vector<16xi32>
    %gather3A_39 = tpu.vector_load_idx %arg6[%div3A_36] : memref<32xi32, #tpu.memory_space<vmem>>[vector<16xi32>], vector<16xi32>,
    %mul3A_40 = arith.muli %gather3A_39, %broadcast_in_dim3A_8 : vector<16xi32>
    %add3A_41 = arith.addi %mul3A_40, %get3A_5 : vector<16xi32>
    %mul3A_42 = arith.muli %add3A_41, %broadcast_in_dim3A_6 : vector<16xi32>
    %add3A_43 = arith.addi %mul3A_42, %sub3A_38 : vector<16xi32>
    %swap3A_44 = arith.constant 32 : index
    %swap3A_45 = tpu.vector_load %arg8[%swap3A_44] {strides = array<i32>} : memref<384xi32, #tpu.memory_space<vmem>>, vector<16xi32>,
    tpu.vector_store %arg8[%swap3A_44], %add3A_43 {strides = array<i32>} : memref<384xi32, #tpu.memory_space<vmem>>, vector<16xi32>,
    %broadcast_in_dim3A_46 = arith.constant 48 : i32
    %broadcast_in_dim3A_47 = vector.broadcast %broadcast_in_dim3A_46 : i32 to vector<16xi32>
    %iota3A_48 = tpu.iota {dimensions = array<i32: 0>} : vector<16xi32>
    %add3A_49 = arith.addi %broadcast_in_dim3A_47, %iota3A_48 : vector<16xi32>
    %div3A_50 = arith.divsi %add3A_49, %broadcast_in_dim3A_6 : vector<16xi32>
    %mul3A_51 = arith.muli %div3A_50, %broadcast_in_dim3A_6 : vector<16xi32>
    %sub3A_52 = arith.subi %add3A_49, %mul3A_51 : vector<16xi32>
    %gather3A_53 = tpu.vector_load_idx %arg6[%div3A_50] : memref<32xi32, #tpu.memory_space<vmem>>[vector<16xi32>], vector<16xi32>,
    %mul3A_54 = arith.muli %gather3A_53, %broadcast_in_dim3A_8 : vector<16xi32>
    %add3A_55 = arith.addi %mul3A_54, %get3A_5 : vector<16xi32>
    %mul3A_56 = arith.muli %add3A_55, %broadcast_in_dim3A_6 : vector<16xi32>
    %add3A_57 = arith.addi %mul3A_56, %sub3A_52 : vector<16xi32>
    %swap3A_58 = arith.constant 48 : index
    %swap3A_59 = tpu.vector_load %arg8[%swap3A_58] {strides = array<i32>} : memref<384xi32, #tpu.memory_space<vmem>>, vector<16xi32>,
    tpu.vector_store %arg8[%swap3A_58], %add3A_57 {strides = array<i32>} : memref<384xi32, #tpu.memory_space<vmem>>, vector<16xi32>,
    %broadcast_in_dim3A_60 = arith.constant 64 : i32
    %broadcast_in_dim3A_61 = vector.broadcast %broadcast_in_dim3A_60 : i32 to vector<16xi32>
    %iota3A_62 = tpu.iota {dimensions = array<i32: 0>} : vector<16xi32>
    %add3A_63 = arith.addi %broadcast_in_dim3A_61, %iota3A_62 : vector<16xi32>
    %div3A_64 = arith.divsi %add3A_63, %broadcast_in_dim3A_6 : vector<16xi32>
    %mul3A_65 = arith.muli %div3A_64, %broadcast_in_dim3A_6 : vector<16xi32>
    %sub3A_66 = arith.subi %add3A_63, %mul3A_65 : vector<16xi32>
    %gather3A_67 = tpu.vector_load_idx %arg6[%div3A_64] : memref<32xi32, #tpu.memory_space<vmem>>[vector<16xi32>], vector<16xi32>,
    %mul3A_68 = arith.muli %gather3A_67, %broadcast_in_dim3A_8 : vector<16xi32>
    %add3A_69 = arith.addi %mul3A_68, %get3A_5 : vector<16xi32>
    %mul3A_70 = arith.muli %add3A_69, %broadcast_in_dim3A_6 : vector<16xi32>
    %add3A_71 = arith.addi %mul3A_70, %sub3A_66 : vector<16xi32>
    %swap3A_72 = arith.constant 64 : index
    %swap3A_73 = tpu.vector_load %arg8[%swap3A_72] {strides = array<i32>} : memref<384xi32, #tpu.memory_space<vmem>>, vector<16xi32>,
    tpu.vector_store %arg8[%swap3A_72], %add3A_71 {strides = array<i32>} : memref<384xi32, #tpu.memory_space<vmem>>, vector<16xi32>,
    %broadcast_in_dim3A_74 = arith.constant 80 : i32
    %broadcast_in_dim3A_75 = vector.broadcast %broadcast_in_dim3A_74 : i32 to vector<16xi32>
    %iota3A_76 = tpu.iota {dimensions = array<i32: 0>} : vector<16xi32>
    %add3A_77 = arith.addi %broadcast_in_dim3A_75, %iota3A_76 : vector<16xi32>
    %div3A_78 = arith.divsi %add3A_77, %broadcast_in_dim3A_6 : vector<16xi32>
    %mul3A_79 = arith.muli %div3A_78, %broadcast_in_dim3A_6 : vector<16xi32>
    %sub3A_80 = arith.subi %add3A_77, %mul3A_79 : vector<16xi32>
    %gather3A_81 = tpu.vector_load_idx %arg6[%div3A_78] : memref<32xi32, #tpu.memory_space<vmem>>[vector<16xi32>], vector<16xi32>,
    %mul3A_82 = arith.muli %gather3A_81, %broadcast_in_dim3A_8 : vector<16xi32>
    %add3A_83 = arith.addi %mul3A_82, %get3A_5 : vector<16xi32>
    %mul3A_84 = arith.muli %add3A_83, %broadcast_in_dim3A_6 : vector<16xi32>
    %add3A_85 = arith.addi %mul3A_84, %sub3A_80 : vector<16xi32>
    %swap3A_86 = arith.constant 80 : index
    %swap3A_87 = tpu.vector_load %arg8[%swap3A_86] {strides = array<i32>} : memref<384xi32, #tpu.memory_space<vmem>>, vector<16xi32>,
    tpu.vector_store %arg8[%swap3A_86], %add3A_85 {strides = array<i32>} : memref<384xi32, #tpu.memory_space<vmem>>, vector<16xi32>,
    %broadcast_in_dim3A_88 = arith.constant 96 : i32
    %broadcast_in_dim3A_89 = vector.broadcast %broadcast_in_dim3A_88 : i32 to vector<16xi32>
    %iota3A_90 = tpu.iota {dimensions = array<i32: 0>} : vector<16xi32>
    %add3A_91 = arith.addi %broadcast_in_dim3A_89, %iota3A_90 : vector<16xi32>
    %div3A_92 = arith.divsi %add3A_91, %broadcast_in_dim3A_6 : vector<16xi32>
    %mul3A_93 = arith.muli %div3A_92, %broadcast_in_dim3A_6 : vector<16xi32>
    %sub3A_94 = arith.subi %add3A_91, %mul3A_93 : vector<16xi32>
    %gather3A_95 = tpu.vector_load_idx %arg6[%div3A_92] : memref<32xi32, #tpu.memory_space<vmem>>[vector<16xi32>], vector<16xi32>,
    %mul3A_96 = arith.muli %gather3A_95, %broadcast_in_dim3A_8 : vector<16xi32>
    %add3A_97 = arith.addi %mul3A_96, %get3A_5 : vector<16xi32>
    %mul3A_98 = arith.muli %add3A_97, %broadcast_in_dim3A_6 : vector<16xi32>
    %add3A_99 = arith.addi %mul3A_98, %sub3A_94 : vector<16xi32>
    %swap3A_100 = arith.constant 96 : index
    %swap3A_101 = tpu.vector_load %arg8[%swap3A_100] {strides = array<i32>} : memref<384xi32, #tpu.memory_space<vmem>>, vector<16xi32>,
    tpu.vector_store %arg8[%swap3A_100], %add3A_99 {strides = array<i32>} : memref<384xi32, #tpu.memory_space<vmem>>, vector<16xi32>,
    %broadcast_in_dim3A_102 = arith.constant 112 : i32
    %broadcast_in_dim3A_103 = vector.broadcast %broadcast_in_dim3A_102 : i32 to vector<16xi32>
    %iota3A_104 = tpu.iota {dimensions = array<i32: 0>} : vector<16xi32>
    %add3A_105 = arith.addi %broadcast_in_dim3A_103, %iota3A_104 : vector<16xi32>
    %div3A_106 = arith.divsi %add3A_105, %broadcast_in_dim3A_6 : vector<16xi32>
    %mul3A_107 = arith.muli %div3A_106, %broadcast_in_dim3A_6 : vector<16xi32>
    %sub3A_108 = arith.subi %add3A_105, %mul3A_107 : vector<16xi32>
    %gather3A_109 = tpu.vector_load_idx %arg6[%div3A_106] : memref<32xi32, #tpu.memory_space<vmem>>[vector<16xi32>], vector<16xi32>,
    %mul3A_110 = arith.muli %gather3A_109, %broadcast_in_dim3A_8 : vector<16xi32>
    %add3A_111 = arith.addi %mul3A_110, %get3A_5 : vector<16xi32>
    %mul3A_112 = arith.muli %add3A_111, %broadcast_in_dim3A_6 : vector<16xi32>
    %add3A_113 = arith.addi %mul3A_112, %sub3A_108 : vector<16xi32>
    %swap3A_114 = arith.constant 112 : index
    %swap3A_115 = tpu.vector_load %arg8[%swap3A_114] {strides = array<i32>} : memref<384xi32, #tpu.memory_space<vmem>>, vector<16xi32>,
    tpu.vector_store %arg8[%swap3A_114], %add3A_113 {strides = array<i32>} : memref<384xi32, #tpu.memory_space<vmem>>, vector<16xi32>,
    %broadcast_in_dim3A_116 = arith.constant 128 : i32
    %broadcast_in_dim3A_117 = vector.broadcast %broadcast_in_dim3A_116 : i32 to vector<16xi32>
    %iota3A_118 = tpu.iota {dimensions = array<i32: 0>} : vector<16xi32>
    %add3A_119 = arith.addi %broadcast_in_dim3A_117, %iota3A_118 : vector<16xi32>
    %div3A_120 = arith.divsi %add3A_119, %broadcast_in_dim3A_6 : vector<16xi32>
    %mul3A_121 = arith.muli %div3A_120, %broadcast_in_dim3A_6 : vector<16xi32>
    %sub3A_122 = arith.subi %add3A_119, %mul3A_121 : vector<16xi32>
    %gather3A_123 = tpu.vector_load_idx %arg6[%div3A_120] : memref<32xi32, #tpu.memory_space<vmem>>[vector<16xi32>], vector<16xi32>,
    %mul3A_124 = arith.muli %gather3A_123, %broadcast_in_dim3A_8 : vector<16xi32>
    %add3A_125 = arith.addi %mul3A_124, %get3A_5 : vector<16xi32>
    %mul3A_126 = arith.muli %add3A_125, %broadcast_in_dim3A_6 : vector<16xi32>
    %add3A_127 = arith.addi %mul3A_126, %sub3A_122 : vector<16xi32>
    %swap3A_128 = arith.constant 128 : index
    %swap3A_129 = tpu.vector_load %arg8[%swap3A_128] {strides = array<i32>} : memref<384xi32, #tpu.memory_space<vmem>>, vector<16xi32>,
    tpu.vector_store %arg8[%swap3A_128], %add3A_127 {strides = array<i32>} : memref<384xi32, #tpu.memory_space<vmem>>, vector<16xi32>,
    %broadcast_in_dim3A_130 = arith.constant 144 : i32
    %broadcast_in_dim3A_131 = vector.broadcast %broadcast_in_dim3A_130 : i32 to vector<16xi32>
    %iota3A_132 = tpu.iota {dimensions = array<i32: 0>} : vector<16xi32>
    %add3A_133 = arith.addi %broadcast_in_dim3A_131, %iota3A_132 : vector<16xi32>
    %div3A_134 = arith.divsi %add3A_133, %broadcast_in_dim3A_6 : vector<16xi32>
    %mul3A_135 = arith.muli %div3A_134, %broadcast_in_dim3A_6 : vector<16xi32>
    %sub3A_136 = arith.subi %add3A_133, %mul3A_135 : vector<16xi32>
    %gather3A_137 = tpu.vector_load_idx %arg6[%div3A_134] : memref<32xi32, #tpu.memory_space<vmem>>[vector<16xi32>], vector<16xi32>,
    %mul3A_138 = arith.muli %gather3A_137, %broadcast_in_dim3A_8 : vector<16xi32>
    %add3A_139 = arith.addi %mul3A_138, %get3A_5 : vector<16xi32>
    %mul3A_140 = arith.muli %add3A_139, %broadcast_in_dim3A_6 : vector<16xi32>
    %add3A_141 = arith.addi %mul3A_140, %sub3A_136 : vector<16xi32>
    %swap3A_142 = arith.constant 144 : index
    %swap3A_143 = tpu.vector_load %arg8[%swap3A_142] {strides = array<i32>} : memref<384xi32, #tpu.memory_space<vmem>>, vector<16xi32>,
    tpu.vector_store %arg8[%swap3A_142], %add3A_141 {strides = array<i32>} : memref<384xi32, #tpu.memory_space<vmem>>, vector<16xi32>,
    %broadcast_in_dim3A_144 = arith.constant 160 : i32
    %broadcast_in_dim3A_145 = vector.broadcast %broadcast_in_dim3A_144 : i32 to vector<16xi32>
    %iota3A_146 = tpu.iota {dimensions = array<i32: 0>} : vector<16xi32>
    %add3A_147 = arith.addi %broadcast_in_dim3A_145, %iota3A_146 : vector<16xi32>
    %div3A_148 = arith.divsi %add3A_147, %broadcast_in_dim3A_6 : vector<16xi32>
    %mul3A_149 = arith.muli %div3A_148, %broadcast_in_dim3A_6 : vector<16xi32>
    %sub3A_150 = arith.subi %add3A_147, %mul3A_149 : vector<16xi32>
    %gather3A_151 = tpu.vector_load_idx %arg6[%div3A_148] : memref<32xi32, #tpu.memory_space<vmem>>[vector<16xi32>], vector<16xi32>,
    %mul3A_152 = arith.muli %gather3A_151, %broadcast_in_dim3A_8 : vector<16xi32>
    %add3A_153 = arith.addi %mul3A_152, %get3A_5 : vector<16xi32>
    %mul3A_154 = arith.muli %add3A_153, %broadcast_in_dim3A_6 : vector<16xi32>
    %add3A_155 = arith.addi %mul3A_154, %sub3A_150 : vector<16xi32>
    %swap3A_156 = arith.constant 160 : index
    %swap3A_157 = tpu.vector_load %arg8[%swap3A_156] {strides = array<i32>} : memref<384xi32, #tpu.memory_space<vmem>>, vector<16xi32>,
    tpu.vector_store %arg8[%swap3A_156], %add3A_155 {strides = array<i32>} : memref<384xi32, #tpu.memory_space<vmem>>, vector<16xi32>,
    %broadcast_in_dim3A_158 = arith.constant 176 : i32
    %broadcast_in_dim3A_159 = vector.broadcast %broadcast_in_dim3A_158 : i32 to vector<16xi32>
    %iota3A_160 = tpu.iota {dimensions = array<i32: 0>} : vector<16xi32>
    %add3A_161 = arith.addi %broadcast_in_dim3A_159, %iota3A_160 : vector<16xi32>
    %div3A_162 = arith.divsi %add3A_161, %broadcast_in_dim3A_6 : vector<16xi32>
    %mul3A_163 = arith.muli %div3A_162, %broadcast_in_dim3A_6 : vector<16xi32>
    %sub3A_164 = arith.subi %add3A_161, %mul3A_163 : vector<16xi32>
    %gather3A_165 = tpu.vector_load_idx %arg6[%div3A_162] : memref<32xi32, #tpu.memory_space<vmem>>[vector<16xi32>], vector<16xi32>,
    %mul3A_166 = arith.muli %gather3A_165, %broadcast_in_dim3A_8 : vector<16xi32>
    %add3A_167 = arith.addi %mul3A_166, %get3A_5 : vector<16xi32>
    %mul3A_168 = arith.muli %add3A_167, %broadcast_in_dim3A_6 : vector<16xi32>
    %add3A_169 = arith.addi %mul3A_168, %sub3A_164 : vector<16xi32>
    %swap3A_170 = arith.constant 176 : index
    %swap3A_171 = tpu.vector_load %arg8[%swap3A_170] {strides = array<i32>} : memref<384xi32, #tpu.memory_space<vmem>>, vector<16xi32>,
    tpu.vector_store %arg8[%swap3A_170], %add3A_169 {strides = array<i32>} : memref<384xi32, #tpu.memory_space<vmem>>, vector<16xi32>,
    %broadcast_in_dim3A_172 = arith.constant 192 : i32
    %broadcast_in_dim3A_173 = vector.broadcast %broadcast_in_dim3A_172 : i32 to vector<16xi32>
    %iota3A_174 = tpu.iota {dimensions = array<i32: 0>} : vector<16xi32>
    %add3A_175 = arith.addi %broadcast_in_dim3A_173, %iota3A_174 : vector<16xi32>
    %div3A_176 = arith.divsi %add3A_175, %broadcast_in_dim3A_6 : vector<16xi32>
    %mul3A_177 = arith.muli %div3A_176, %broadcast_in_dim3A_6 : vector<16xi32>
    %sub3A_178 = arith.subi %add3A_175, %mul3A_177 : vector<16xi32>
    %gather3A_179 = tpu.vector_load_idx %arg6[%div3A_176] : memref<32xi32, #tpu.memory_space<vmem>>[vector<16xi32>], vector<16xi32>,
    %mul3A_180 = arith.muli %gather3A_179, %broadcast_in_dim3A_8 : vector<16xi32>
    %add3A_181 = arith.addi %mul3A_180, %get3A_5 : vector<16xi32>
    %mul3A_182 = arith.muli %add3A_181, %broadcast_in_dim3A_6 : vector<16xi32>
    %add3A_183 = arith.addi %mul3A_182, %sub3A_178 : vector<16xi32>
    %swap3A_184 = arith.constant 192 : index
    %swap3A_185 = tpu.vector_load %arg8[%swap3A_184] {strides = array<i32>} : memref<384xi32, #tpu.memory_space<vmem>>, vector<16xi32>,
    tpu.vector_store %arg8[%swap3A_184], %add3A_183 {strides = array<i32>} : memref<384xi32, #tpu.memory_space<vmem>>, vector<16xi32>,
    %broadcast_in_dim3A_186 = arith.constant 208 : i32
    %broadcast_in_dim3A_187 = vector.broadcast %broadcast_in_dim3A_186 : i32 to vector<16xi32>
    %iota3A_188 = tpu.iota {dimensions = array<i32: 0>} : vector<16xi32>
    %add3A_189 = arith.addi %broadcast_in_dim3A_187, %iota3A_188 : vector<16xi32>
    %div3A_190 = arith.divsi %add3A_189, %broadcast_in_dim3A_6 : vector<16xi32>
    %mul3A_191 = arith.muli %div3A_190, %broadcast_in_dim3A_6 : vector<16xi32>
    %sub3A_192 = arith.subi %add3A_189, %mul3A_191 : vector<16xi32>
    %gather3A_193 = tpu.vector_load_idx %arg6[%div3A_190] : memref<32xi32, #tpu.memory_space<vmem>>[vector<16xi32>], vector<16xi32>,
    %mul3A_194 = arith.muli %gather3A_193, %broadcast_in_dim3A_8 : vector<16xi32>
    %add3A_195 = arith.addi %mul3A_194, %get3A_5 : vector<16xi32>
    %mul3A_196 = arith.muli %add3A_195, %broadcast_in_dim3A_6 : vector<16xi32>
    %add3A_197 = arith.addi %mul3A_196, %sub3A_192 : vector<16xi32>
    %swap3A_198 = arith.constant 208 : index
    %swap3A_199 = tpu.vector_load %arg8[%swap3A_198] {strides = array<i32>} : memref<384xi32, #tpu.memory_space<vmem>>, vector<16xi32>,
    tpu.vector_store %arg8[%swap3A_198], %add3A_197 {strides = array<i32>} : memref<384xi32, #tpu.memory_space<vmem>>, vector<16xi32>,
    %broadcast_in_dim3A_200 = arith.constant 224 : i32
    %broadcast_in_dim3A_201 = vector.broadcast %broadcast_in_dim3A_200 : i32 to vector<16xi32>
    %iota3A_202 = tpu.iota {dimensions = array<i32: 0>} : vector<16xi32>
    %add3A_203 = arith.addi %broadcast_in_dim3A_201, %iota3A_202 : vector<16xi32>
    %div3A_204 = arith.divsi %add3A_203, %broadcast_in_dim3A_6 : vector<16xi32>
    %mul3A_205 = arith.muli %div3A_204, %broadcast_in_dim3A_6 : vector<16xi32>
    %sub3A_206 = arith.subi %add3A_203, %mul3A_205 : vector<16xi32>
    %gather3A_207 = tpu.vector_load_idx %arg6[%div3A_204] : memref<32xi32, #tpu.memory_space<vmem>>[vector<16xi32>], vector<16xi32>,
    %mul3A_208 = arith.muli %gather3A_207, %broadcast_in_dim3A_8 : vector<16xi32>
    %add3A_209 = arith.addi %mul3A_208, %get3A_5 : vector<16xi32>
    %mul3A_210 = arith.muli %add3A_209, %broadcast_in_dim3A_6 : vector<16xi32>
    %add3A_211 = arith.addi %mul3A_210, %sub3A_206 : vector<16xi32>
    %swap3A_212 = arith.constant 224 : index
    %swap3A_213 = tpu.vector_load %arg8[%swap3A_212] {strides = array<i32>} : memref<384xi32, #tpu.memory_space<vmem>>, vector<16xi32>,
    tpu.vector_store %arg8[%swap3A_212], %add3A_211 {strides = array<i32>} : memref<384xi32, #tpu.memory_space<vmem>>, vector<16xi32>,
    %broadcast_in_dim3A_214 = arith.constant 240 : i32
    %broadcast_in_dim3A_215 = vector.broadcast %broadcast_in_dim3A_214 : i32 to vector<16xi32>
    %iota3A_216 = tpu.iota {dimensions = array<i32: 0>} : vector<16xi32>
    %add3A_217 = arith.addi %broadcast_in_dim3A_215, %iota3A_216 : vector<16xi32>
    %div3A_218 = arith.divsi %add3A_217, %broadcast_in_dim3A_6 : vector<16xi32>
    %mul3A_219 = arith.muli %div3A_218, %broadcast_in_dim3A_6 : vector<16xi32>
    %sub3A_220 = arith.subi %add3A_217, %mul3A_219 : vector<16xi32>
    %gather3A_221 = tpu.vector_load_idx %arg6[%div3A_218] : memref<32xi32, #tpu.memory_space<vmem>>[vector<16xi32>], vector<16xi32>,
    %mul3A_222 = arith.muli %gather3A_221, %broadcast_in_dim3A_8 : vector<16xi32>
    %add3A_223 = arith.addi %mul3A_222, %get3A_5 : vector<16xi32>
    %mul3A_224 = arith.muli %add3A_223, %broadcast_in_dim3A_6 : vector<16xi32>
    %add3A_225 = arith.addi %mul3A_224, %sub3A_220 : vector<16xi32>
    %swap3A_226 = arith.constant 240 : index
    %swap3A_227 = tpu.vector_load %arg8[%swap3A_226] {strides = array<i32>} : memref<384xi32, #tpu.memory_space<vmem>>, vector<16xi32>,
    tpu.vector_store %arg8[%swap3A_226], %add3A_225 {strides = array<i32>} : memref<384xi32, #tpu.memory_space<vmem>>, vector<16xi32>,
    %broadcast_in_dim3A_228 = arith.constant 256 : i32
    %broadcast_in_dim3A_229 = vector.broadcast %broadcast_in_dim3A_228 : i32 to vector<16xi32>
    %iota3A_230 = tpu.iota {dimensions = array<i32: 0>} : vector<16xi32>
    %add3A_231 = arith.addi %broadcast_in_dim3A_229, %iota3A_230 : vector<16xi32>
    %div3A_232 = arith.divsi %add3A_231, %broadcast_in_dim3A_6 : vector<16xi32>
    %mul3A_233 = arith.muli %div3A_232, %broadcast_in_dim3A_6 : vector<16xi32>
    %sub3A_234 = arith.subi %add3A_231, %mul3A_233 : vector<16xi32>
    %gather3A_235 = tpu.vector_load_idx %arg6[%div3A_232] : memref<32xi32, #tpu.memory_space<vmem>>[vector<16xi32>], vector<16xi32>,
    %mul3A_236 = arith.muli %gather3A_235, %broadcast_in_dim3A_8 : vector<16xi32>
    %add3A_237 = arith.addi %mul3A_236, %get3A_5 : vector<16xi32>
    %mul3A_238 = arith.muli %add3A_237, %broadcast_in_dim3A_6 : vector<16xi32>
    %add3A_239 = arith.addi %mul3A_238, %sub3A_234 : vector<16xi32>
    %swap3A_240 = arith.constant 256 : index
    %swap3A_241 = tpu.vector_load %arg8[%swap3A_240] {strides = array<i32>} : memref<384xi32, #tpu.memory_space<vmem>>, vector<16xi32>,
    tpu.vector_store %arg8[%swap3A_240], %add3A_239 {strides = array<i32>} : memref<384xi32, #tpu.memory_space<vmem>>, vector<16xi32>,
    %broadcast_in_dim3A_242 = arith.constant 272 : i32
    %broadcast_in_dim3A_243 = vector.broadcast %broadcast_in_dim3A_242 : i32 to vector<16xi32>
    %iota3A_244 = tpu.iota {dimensions = array<i32: 0>} : vector<16xi32>
    %add3A_245 = arith.addi %broadcast_in_dim3A_243, %iota3A_244 : vector<16xi32>
    %div3A_246 = arith.divsi %add3A_245, %broadcast_in_dim3A_6 : vector<16xi32>
    %mul3A_247 = arith.muli %div3A_246, %broadcast_in_dim3A_6 : vector<16xi32>
    %sub3A_248 = arith.subi %add3A_245, %mul3A_247 : vector<16xi32>
    %gather3A_249 = tpu.vector_load_idx %arg6[%div3A_246] : memref<32xi32, #tpu.memory_space<vmem>>[vector<16xi32>], vector<16xi32>,
    %mul3A_250 = arith.muli %gather3A_249, %broadcast_in_dim3A_8 : vector<16xi32>
    %add3A_251 = arith.addi %mul3A_250, %get3A_5 : vector<16xi32>
    %mul3A_252 = arith.muli %add3A_251, %broadcast_in_dim3A_6 : vector<16xi32>
    %add3A_253 = arith.addi %mul3A_252, %sub3A_248 : vector<16xi32>
    %swap3A_254 = arith.constant 272 : index
    %swap3A_255 = tpu.vector_load %arg8[%swap3A_254] {strides = array<i32>} : memref<384xi32, #tpu.memory_space<vmem>>, vector<16xi32>,
    tpu.vector_store %arg8[%swap3A_254], %add3A_253 {strides = array<i32>} : memref<384xi32, #tpu.memory_space<vmem>>, vector<16xi32>,
    %broadcast_in_dim3A_256 = arith.constant 288 : i32
    %broadcast_in_dim3A_257 = vector.broadcast %broadcast_in_dim3A_256 : i32 to vector<16xi32>
    %iota3A_258 = tpu.iota {dimensions = array<i32: 0>} : vector<16xi32>
    %add3A_259 = arith.addi %broadcast_in_dim3A_257, %iota3A_258 : vector<16xi32>
    %div3A_260 = arith.divsi %add3A_259, %broadcast_in_dim3A_6 : vector<16xi32>
    %mul3A_261 = arith.muli %div3A_260, %broadcast_in_dim3A_6 : vector<16xi32>
    %sub3A_262 = arith.subi %add3A_259, %mul3A_261 : vector<16xi32>
    %gather3A_263 = tpu.vector_load_idx %arg6[%div3A_260] : memref<32xi32, #tpu.memory_space<vmem>>[vector<16xi32>], vector<16xi32>,
    %mul3A_264 = arith.muli %gather3A_263, %broadcast_in_dim3A_8 : vector<16xi32>
    %add3A_265 = arith.addi %mul3A_264, %get3A_5 : vector<16xi32>
    %mul3A_266 = arith.muli %add3A_265, %broadcast_in_dim3A_6 : vector<16xi32>
    %add3A_267 = arith.addi %mul3A_266, %sub3A_262 : vector<16xi32>
    %swap3A_268 = arith.constant 288 : index
    %swap3A_269 = tpu.vector_load %arg8[%swap3A_268] {strides = array<i32>} : memref<384xi32, #tpu.memory_space<vmem>>, vector<16xi32>,
    tpu.vector_store %arg8[%swap3A_268], %add3A_267 {strides = array<i32>} : memref<384xi32, #tpu.memory_space<vmem>>, vector<16xi32>,
    %broadcast_in_dim3A_270 = arith.constant 304 : i32
    %broadcast_in_dim3A_271 = vector.broadcast %broadcast_in_dim3A_270 : i32 to vector<16xi32>
    %iota3A_272 = tpu.iota {dimensions = array<i32: 0>} : vector<16xi32>
    %add3A_273 = arith.addi %broadcast_in_dim3A_271, %iota3A_272 : vector<16xi32>
    %div3A_274 = arith.divsi %add3A_273, %broadcast_in_dim3A_6 : vector<16xi32>
    %mul3A_275 = arith.muli %div3A_274, %broadcast_in_dim3A_6 : vector<16xi32>
    %sub3A_276 = arith.subi %add3A_273, %mul3A_275 : vector<16xi32>
    %gather3A_277 = tpu.vector_load_idx %arg6[%div3A_274] : memref<32xi32, #tpu.memory_space<vmem>>[vector<16xi32>], vector<16xi32>,
    %mul3A_278 = arith.muli %gather3A_277, %broadcast_in_dim3A_8 : vector<16xi32>
    %add3A_279 = arith.addi %mul3A_278, %get3A_5 : vector<16xi32>
    %mul3A_280 = arith.muli %add3A_279, %broadcast_in_dim3A_6 : vector<16xi32>
    %add3A_281 = arith.addi %mul3A_280, %sub3A_276 : vector<16xi32>
    %swap3A_282 = arith.constant 304 : index
    %swap3A_283 = tpu.vector_load %arg8[%swap3A_282] {strides = array<i32>} : memref<384xi32, #tpu.memory_space<vmem>>, vector<16xi32>,
    tpu.vector_store %arg8[%swap3A_282], %add3A_281 {strides = array<i32>} : memref<384xi32, #tpu.memory_space<vmem>>, vector<16xi32>,
    %broadcast_in_dim3A_284 = arith.constant 320 : i32
    %broadcast_in_dim3A_285 = vector.broadcast %broadcast_in_dim3A_284 : i32 to vector<16xi32>
    %iota3A_286 = tpu.iota {dimensions = array<i32: 0>} : vector<16xi32>
    %add3A_287 = arith.addi %broadcast_in_dim3A_285, %iota3A_286 : vector<16xi32>
    %div3A_288 = arith.divsi %add3A_287, %broadcast_in_dim3A_6 : vector<16xi32>
    %mul3A_289 = arith.muli %div3A_288, %broadcast_in_dim3A_6 : vector<16xi32>
    %sub3A_290 = arith.subi %add3A_287, %mul3A_289 : vector<16xi32>
    %gather3A_291 = tpu.vector_load_idx %arg6[%div3A_288] : memref<32xi32, #tpu.memory_space<vmem>>[vector<16xi32>], vector<16xi32>,
    %mul3A_292 = arith.muli %gather3A_291, %broadcast_in_dim3A_8 : vector<16xi32>
    %add3A_293 = arith.addi %mul3A_292, %get3A_5 : vector<16xi32>
    %mul3A_294 = arith.muli %add3A_293, %broadcast_in_dim3A_6 : vector<16xi32>
    %add3A_295 = arith.addi %mul3A_294, %sub3A_290 : vector<16xi32>
    %swap3A_296 = arith.constant 320 : index
    %swap3A_297 = tpu.vector_load %arg8[%swap3A_296] {strides = array<i32>} : memref<384xi32, #tpu.memory_space<vmem>>, vector<16xi32>,
    tpu.vector_store %arg8[%swap3A_296], %add3A_295 {strides = array<i32>} : memref<384xi32, #tpu.memory_space<vmem>>, vector<16xi32>,
    %broadcast_in_dim3A_298 = arith.constant 336 : i32
    %broadcast_in_dim3A_299 = vector.broadcast %broadcast_in_dim3A_298 : i32 to vector<16xi32>
    %iota3A_300 = tpu.iota {dimensions = array<i32: 0>} : vector<16xi32>
    %add3A_301 = arith.addi %broadcast_in_dim3A_299, %iota3A_300 : vector<16xi32>
    %div3A_302 = arith.divsi %add3A_301, %broadcast_in_dim3A_6 : vector<16xi32>
    %mul3A_303 = arith.muli %div3A_302, %broadcast_in_dim3A_6 : vector<16xi32>
    %sub3A_304 = arith.subi %add3A_301, %mul3A_303 : vector<16xi32>
    %gather3A_305 = tpu.vector_load_idx %arg6[%div3A_302] : memref<32xi32, #tpu.memory_space<vmem>>[vector<16xi32>], vector<16xi32>,
    %mul3A_306 = arith.muli %gather3A_305, %broadcast_in_dim3A_8 : vector<16xi32>
    %add3A_307 = arith.addi %mul3A_306, %get3A_5 : vector<16xi32>
    %mul3A_308 = arith.muli %add3A_307, %broadcast_in_dim3A_6 : vector<16xi32>
    %add3A_309 = arith.addi %mul3A_308, %sub3A_304 : vector<16xi32>
    %swap3A_310 = arith.constant 336 : index
    %swap3A_311 = tpu.vector_load %arg8[%swap3A_310] {strides = array<i32>} : memref<384xi32, #tpu.memory_space<vmem>>, vector<16xi32>,
    tpu.vector_store %arg8[%swap3A_310], %add3A_309 {strides = array<i32>} : memref<384xi32, #tpu.memory_space<vmem>>, vector<16xi32>,
    %broadcast_in_dim3A_312 = arith.constant 352 : i32
    %broadcast_in_dim3A_313 = vector.broadcast %broadcast_in_dim3A_312 : i32 to vector<16xi32>
    %iota3A_314 = tpu.iota {dimensions = array<i32: 0>} : vector<16xi32>
    %add3A_315 = arith.addi %broadcast_in_dim3A_313, %iota3A_314 : vector<16xi32>
    %div3A_316 = arith.divsi %add3A_315, %broadcast_in_dim3A_6 : vector<16xi32>
    %mul3A_317 = arith.muli %div3A_316, %broadcast_in_dim3A_6 : vector<16xi32>
    %sub3A_318 = arith.subi %add3A_315, %mul3A_317 : vector<16xi32>
    %gather3A_319 = tpu.vector_load_idx %arg6[%div3A_316] : memref<32xi32, #tpu.memory_space<vmem>>[vector<16xi32>], vector<16xi32>,
    %mul3A_320 = arith.muli %gather3A_319, %broadcast_in_dim3A_8 : vector<16xi32>
    %add3A_321 = arith.addi %mul3A_320, %get3A_5 : vector<16xi32>
    %mul3A_322 = arith.muli %add3A_321, %broadcast_in_dim3A_6 : vector<16xi32>
    %add3A_323 = arith.addi %mul3A_322, %sub3A_318 : vector<16xi32>
    %swap3A_324 = arith.constant 352 : index
    %swap3A_325 = tpu.vector_load %arg8[%swap3A_324] {strides = array<i32>} : memref<384xi32, #tpu.memory_space<vmem>>, vector<16xi32>,
    tpu.vector_store %arg8[%swap3A_324], %add3A_323 {strides = array<i32>} : memref<384xi32, #tpu.memory_space<vmem>>, vector<16xi32>,
    %broadcast_in_dim3A_326 = arith.constant 368 : i32
    %broadcast_in_dim3A_327 = vector.broadcast %broadcast_in_dim3A_326 : i32 to vector<16xi32>
    %iota3A_328 = tpu.iota {dimensions = array<i32: 0>} : vector<16xi32>
    %add3A_329 = arith.addi %broadcast_in_dim3A_327, %iota3A_328 : vector<16xi32>
    %div3A_330 = arith.divsi %add3A_329, %broadcast_in_dim3A_6 : vector<16xi32>
    %mul3A_331 = arith.muli %div3A_330, %broadcast_in_dim3A_6 : vector<16xi32>
    %sub3A_332 = arith.subi %add3A_329, %mul3A_331 : vector<16xi32>
    %gather3A_333 = tpu.vector_load_idx %arg6[%div3A_330] : memref<32xi32, #tpu.memory_space<vmem>>[vector<16xi32>], vector<16xi32>,
    %mul3A_334 = arith.muli %gather3A_333, %broadcast_in_dim3A_8 : vector<16xi32>
    %add3A_335 = arith.addi %mul3A_334, %get3A_5 : vector<16xi32>
    %mul3A_336 = arith.muli %add3A_335, %broadcast_in_dim3A_6 : vector<16xi32>
    %add3A_337 = arith.addi %mul3A_336, %sub3A_332 : vector<16xi32>
    %swap3A_338 = arith.constant 368 : index
    %swap3A_339 = tpu.vector_load %arg8[%swap3A_338] {strides = array<i32>} : memref<384xi32, #tpu.memory_space<vmem>>, vector<16xi32>,
    tpu.vector_store %arg8[%swap3A_338], %add3A_337 {strides = array<i32>} : memref<384xi32, #tpu.memory_space<vmem>>, vector<16xi32>,
    %dma_start3A = arith.constant 0 : i32
    %dma_start3A_340 = tpu.memref_slice %arg8[%dma_start3A] : memref<384xi32, #tpu.memory_space<vmem>> -> memref<8xi32, #tpu.memory_space<vmem>>
    %dma_start3A_341 = arith.constant 0 : i32
    %dma_start3A_342 = arith.constant 0 : i32
    %dma_start3A_343 = arith.constant 0 : i32
    %dma_start3A_344 = tpu.memref_slice %arg2[%dma_start3A_341, %dma_start3A_342, %dma_start3A_343] : memref<24000x32x128xf32, #tpu.memory_space<hbm>> -> memref<24000x32x128xf32, #tpu.memory_space<hbm>>
    tpu.enqueue_indirect_dma source(%dma_start3A_344 : memref<24000x32x128xf32, #tpu.memory_space<hbm>>) target(%arg9 : memref<8x32x128xf32, #tpu.memory_space<vmem>>) offsets(%dma_start3A_340 : memref<8xi32, #tpu.memory_space<vmem>>) semaphore(%arg12 : memref<!tpu.dma_semaphore, #tpu.memory_space<semaphore_mem>>)
    %dma_start3A_345 = arith.constant 8 : i32
    %dma_start3A_346 = tpu.memref_slice %arg8[%dma_start3A_345] : memref<384xi32, #tpu.memory_space<vmem>> -> memref<8xi32, #tpu.memory_space<vmem>>
    %dma_start3A_347 = arith.constant 0 : i32
    %dma_start3A_348 = arith.constant 0 : i32
    %dma_start3A_349 = arith.constant 0 : i32
    %dma_start3A_350 = tpu.memref_slice %arg2[%dma_start3A_347, %dma_start3A_348, %dma_start3A_349] : memref<24000x32x128xf32, #tpu.memory_space<hbm>> -> memref<24000x32x128xf32, #tpu.memory_space<hbm>>
    tpu.enqueue_indirect_dma source(%dma_start3A_350 : memref<24000x32x128xf32, #tpu.memory_space<hbm>>) target(%arg10 : memref<8x32x128xf32, #tpu.memory_space<vmem>>) offsets(%dma_start3A_346 : memref<8xi32, #tpu.memory_space<vmem>>) semaphore(%arg13 : memref<!tpu.dma_semaphore, #tpu.memory_space<semaphore_mem>>)
    %dma_start3A_351 = arith.constant 16 : i32
    %dma_start3A_352 = tpu.memref_slice %arg8[%dma_start3A_351] : memref<384xi32, #tpu.memory_space<vmem>> -> memref<8xi32, #tpu.memory_space<vmem>>
    %dma_start3A_353 = arith.constant 0 : i32
    %dma_start3A_354 = arith.constant 0 : i32
    %dma_start3A_355 = arith.constant 0 : i32
    %dma_start3A_356 = tpu.memref_slice %arg2[%dma_start3A_353, %dma_start3A_354, %dma_start3A_355] : memref<24000x32x128xf32, #tpu.memory_space<hbm>> -> memref<24000x32x128xf32, #tpu.memory_space<hbm>>
    tpu.enqueue_indirect_dma source(%dma_start3A_356 : memref<24000x32x128xf32, #tpu.memory_space<hbm>>) target(%arg11 : memref<8x32x128xf32, #tpu.memory_space<vmem>>) offsets(%dma_start3A_352 : memref<8xi32, #tpu.memory_space<vmem>>) semaphore(%arg14 : memref<!tpu.dma_semaphore, #tpu.memory_space<semaphore_mem>>)
    %dma_wait3A = arith.constant 0 : i32
    %dma_wait3A_357 = tpu.memref_slice %arg8[%dma_wait3A] : memref<384xi32, #tpu.memory_space<vmem>> -> memref<8xi32, #tpu.memory_space<vmem>>
    %dma_wait3A_358 = arith.constant 0 : i32
    %dma_wait3A_359 = arith.constant 0 : i32
    %dma_wait3A_360 = arith.constant 0 : i32
    %dma_wait3A_361 = tpu.memref_slice %arg2[%dma_wait3A_358, %dma_wait3A_359, %dma_wait3A_360] : memref<24000x32x128xf32, #tpu.memory_space<hbm>> -> memref<24000x32x128xf32, #tpu.memory_space<hbm>>
    tpu.wait_indirect_dma semaphore(%arg12 : memref<!tpu.dma_semaphore, #tpu.memory_space<semaphore_mem>>) src(%dma_wait3A_361 : memref<24000x32x128xf32, #tpu.memory_space<hbm>>) dst(%arg9 : memref<8x32x128xf32, #tpu.memory_space<vmem>>)
    %add3A_362 = arith.constant 0 : i32
    %add3A_363 = arith.addi %mul3A_2, %add3A_362 : i32
    %dma_start3A_364 = arith.constant 0 : i32
    %dma_start3A_365 = arith.constant 0 : i32
    %dma_start3A_366 = tpu.memref_slice %arg5[%add3A_363, %dma_start3A_364, %dma_start3A_365] : memref<12288x32x128xf32, #tpu.memory_space<hbm>> -> memref<8x32x128xf32, #tpu.memory_space<hbm>>
    %dma_start3A_367 = arith.constant 0 : i32
    %dma_start3A_368 = arith.constant 0 : i32
    %dma_start3A_369 = tpu.memref_slice %arg5[%add3A_363, %dma_start3A_367, %dma_start3A_368] : memref<12288x32x128xf32, #tpu.memory_space<hbm>> -> memref<8x32x128xf32, #tpu.memory_space<hbm>>
    tpu.enqueue_dma source(%arg9 : memref<8x32x128xf32, #tpu.memory_space<vmem>>) target(%dma_start3A_369 : memref<8x32x128xf32, #tpu.memory_space<hbm>>) target_semaphore(%arg15 : memref<!tpu.dma_semaphore, #tpu.memory_space<semaphore_mem>>)
    %dma_wait3A_370 = arith.constant 0 : i32
    %dma_wait3A_371 = arith.constant 0 : i32
    %dma_wait3A_372 = tpu.memref_slice %arg5[%add3A_363, %dma_wait3A_370, %dma_wait3A_371] : memref<12288x32x128xf32, #tpu.memory_space<hbm>> -> memref<8x32x128xf32, #tpu.memory_space<hbm>>
    %dma_wait3A_373 = arith.constant 0 : i32
    %dma_wait3A_374 = arith.constant 0 : i32
    %dma_wait3A_375 = tpu.memref_slice %arg5[%add3A_363, %dma_wait3A_373, %dma_wait3A_374] : memref<12288x32x128xf32, #tpu.memory_space<hbm>> -> memref<8x32x128xf32, #tpu.memory_space<hbm>>
    tpu.wait_dma2 semaphore(%arg15 : memref<!tpu.dma_semaphore, #tpu.memory_space<semaphore_mem>>) src(%arg9 : memref<8x32x128xf32, #tpu.memory_space<vmem>>) dst(%dma_wait3A_375 : memref<8x32x128xf32, #tpu.memory_space<hbm>>)
    %dma_start3A_376 = arith.constant 24 : i32
    %dma_start3A_377 = tpu.memref_slice %arg8[%dma_start3A_376] : memref<384xi32, #tpu.memory_space<vmem>> -> memref<8xi32, #tpu.memory_space<vmem>>
    %dma_start3A_378 = arith.constant 0 : i32
    %dma_start3A_379 = arith.constant 0 : i32
    %dma_start3A_380 = arith.constant 0 : i32
    %dma_start3A_381 = tpu.memref_slice %arg2[%dma_start3A_378, %dma_start3A_379, %dma_start3A_380] : memref<24000x32x128xf32, #tpu.memory_space<hbm>> -> memref<24000x32x128xf32, #tpu.memory_space<hbm>>
    tpu.enqueue_indirect_dma source(%dma_start3A_381 : memref<24000x32x128xf32, #tpu.memory_space<hbm>>) target(%arg9 : memref<8x32x128xf32, #tpu.memory_space<vmem>>) offsets(%dma_start3A_377 : memref<8xi32, #tpu.memory_space<vmem>>) semaphore(%arg12 : memref<!tpu.dma_semaphore, #tpu.memory_space<semaphore_mem>>)
    %dma_wait3A_382 = arith.constant 8 : i32
    %dma_wait3A_383 = tpu.memref_slice %arg8[%dma_wait3A_382] : memref<384xi32, #tpu.memory_space<vmem>> -> memref<8xi32, #tpu.memory_space<vmem>>
    %dma_wait3A_384 = arith.constant 0 : i32
    %dma_wait3A_385 = arith.constant 0 : i32
    %dma_wait3A_386 = arith.constant 0 : i32
    %dma_wait3A_387 = tpu.memref_slice %arg2[%dma_wait3A_384, %dma_wait3A_385, %dma_wait3A_386] : memref<24000x32x128xf32, #tpu.memory_space<hbm>> -> memref<24000x32x128xf32, #tpu.memory_space<hbm>>
    tpu.wait_indirect_dma semaphore(%arg13 : memref<!tpu.dma_semaphore, #tpu.memory_space<semaphore_mem>>) src(%dma_wait3A_387 : memref<24000x32x128xf32, #tpu.memory_space<hbm>>) dst(%arg10 : memref<8x32x128xf32, #tpu.memory_space<vmem>>)
    %add3A_388 = arith.constant 8 : i32
    %add3A_389 = arith.addi %mul3A_2, %add3A_388 : i32
    %dma_start3A_390 = arith.constant 0 : i32
    %dma_start3A_391 = arith.constant 0 : i32
    %dma_start3A_392 = tpu.memref_slice %arg5[%add3A_389, %dma_start3A_390, %dma_start3A_391] : memref<12288x32x128xf32, #tpu.memory_space<hbm>> -> memref<8x32x128xf32, #tpu.memory_space<hbm>>
    %dma_start3A_393 = arith.constant 0 : i32
    %dma_start3A_394 = arith.constant 0 : i32
    %dma_start3A_395 = tpu.memref_slice %arg5[%add3A_389, %dma_start3A_393, %dma_start3A_394] : memref<12288x32x128xf32, #tpu.memory_space<hbm>> -> memref<8x32x128xf32, #tpu.memory_space<hbm>>
    tpu.enqueue_dma source(%arg10 : memref<8x32x128xf32, #tpu.memory_space<vmem>>) target(%dma_start3A_395 : memref<8x32x128xf32, #tpu.memory_space<hbm>>) target_semaphore(%arg16 : memref<!tpu.dma_semaphore, #tpu.memory_space<semaphore_mem>>)
    %dma_wait3A_396 = arith.constant 0 : i32
    %dma_wait3A_397 = arith.constant 0 : i32
    %dma_wait3A_398 = tpu.memref_slice %arg5[%add3A_389, %dma_wait3A_396, %dma_wait3A_397] : memref<12288x32x128xf32, #tpu.memory_space<hbm>> -> memref<8x32x128xf32, #tpu.memory_space<hbm>>
    %dma_wait3A_399 = arith.constant 0 : i32
    %dma_wait3A_400 = arith.constant 0 : i32
    %dma_wait3A_401 = tpu.memref_slice %arg5[%add3A_389, %dma_wait3A_399, %dma_wait3A_400] : memref<12288x32x128xf32, #tpu.memory_space<hbm>> -> memref<8x32x128xf32, #tpu.memory_space<hbm>>
    tpu.wait_dma2 semaphore(%arg16 : memref<!tpu.dma_semaphore, #tpu.memory_space<semaphore_mem>>) src(%arg10 : memref<8x32x128xf32, #tpu.memory_space<vmem>>) dst(%dma_wait3A_401 : memref<8x32x128xf32, #tpu.memory_space<hbm>>)
    %dma_start3A_402 = arith.constant 32 : i32
    %dma_start3A_403 = tpu.memref_slice %arg8[%dma_start3A_402] : memref<384xi32, #tpu.memory_space<vmem>> -> memref<8xi32, #tpu.memory_space<vmem>>
    %dma_start3A_404 = arith.constant 0 : i32
    %dma_start3A_405 = arith.constant 0 : i32
    %dma_start3A_406 = arith.constant 0 : i32
    %dma_start3A_407 = tpu.memref_slice %arg2[%dma_start3A_404, %dma_start3A_405, %dma_start3A_406] : memref<24000x32x128xf32, #tpu.memory_space<hbm>> -> memref<24000x32x128xf32, #tpu.memory_space<hbm>>
    tpu.enqueue_indirect_dma source(%dma_start3A_407 : memref<24000x32x128xf32, #tpu.memory_space<hbm>>) target(%arg10 : memref<8x32x128xf32, #tpu.memory_space<vmem>>) offsets(%dma_start3A_403 : memref<8xi32, #tpu.memory_space<vmem>>) semaphore(%arg13 : memref<!tpu.dma_semaphore, #tpu.memory_space<semaphore_mem>>)
    %dma_wait3A_408 = arith.constant 16 : i32
    %dma_wait3A_409 = tpu.memref_slice %arg8[%dma_wait3A_408] : memref<384xi32, #tpu.memory_space<vmem>> -> memref<8xi32, #tpu.memory_space<vmem>>
    %dma_wait3A_410 = arith.constant 0 : i32
    %dma_wait3A_411 = arith.constant 0 : i32
    %dma_wait3A_412 = arith.constant 0 : i32
    %dma_wait3A_413 = tpu.memref_slice %arg2[%dma_wait3A_410, %dma_wait3A_411, %dma_wait3A_412] : memref<24000x32x128xf32, #tpu.memory_space<hbm>> -> memref<24000x32x128xf32, #tpu.memory_space<hbm>>
    tpu.wait_indirect_dma semaphore(%arg14 : memref<!tpu.dma_semaphore, #tpu.memory_space<semaphore_mem>>) src(%dma_wait3A_413 : memref<24000x32x128xf32, #tpu.memory_space<hbm>>) dst(%arg11 : memref<8x32x128xf32, #tpu.memory_space<vmem>>)
    %add3A_414 = arith.constant 16 : i32
    %add3A_415 = arith.addi %mul3A_2, %add3A_414 : i32
    %dma_start3A_416 = arith.constant 0 : i32
    %dma_start3A_417 = arith.constant 0 : i32
    %dma_start3A_418 = tpu.memref_slice %arg5[%add3A_415, %dma_start3A_416, %dma_start3A_417] : memref<12288x32x128xf32, #tpu.memory_space<hbm>> -> memref<8x32x128xf32, #tpu.memory_space<hbm>>
    %dma_start3A_419 = arith.constant 0 : i32
    %dma_start3A_420 = arith.constant 0 : i32
    %dma_start3A_421 = tpu.memref_slice %arg5[%add3A_415, %dma_start3A_419, %dma_start3A_420] : memref<12288x32x128xf32, #tpu.memory_space<hbm>> -> memref<8x32x128xf32, #tpu.memory_space<hbm>>
    tpu.enqueue_dma source(%arg11 : memref<8x32x128xf32, #tpu.memory_space<vmem>>) target(%dma_start3A_421 : memref<8x32x128xf32, #tpu.memory_space<hbm>>) target_semaphore(%arg17 : memref<!tpu.dma_semaphore, #tpu.memory_space<semaphore_mem>>)
    %dma_wait3A_422 = arith.constant 0 : i32
    %dma_wait3A_423 = arith.constant 0 : i32
    %dma_wait3A_424 = tpu.memref_slice %arg5[%add3A_415, %dma_wait3A_422, %dma_wait3A_423] : memref<12288x32x128xf32, #tpu.memory_space<hbm>> -> memref<8x32x128xf32, #tpu.memory_space<hbm>>
    %dma_wait3A_425 = arith.constant 0 : i32
    %dma_wait3A_426 = arith.constant 0 : i32
    %dma_wait3A_427 = tpu.memref_slice %arg5[%add3A_415, %dma_wait3A_425, %dma_wait3A_426] : memref<12288x32x128xf32, #tpu.memory_space<hbm>> -> memref<8x32x128xf32, #tpu.memory_space<hbm>>
    tpu.wait_dma2 semaphore(%arg17 : memref<!tpu.dma_semaphore, #tpu.memory_space<semaphore_mem>>) src(%arg11 : memref<8x32x128xf32, #tpu.memory_space<vmem>>) dst(%dma_wait3A_427 : memref<8x32x128xf32, #tpu.memory_space<hbm>>)
    %dma_start3A_428 = arith.constant 40 : i32
    %dma_start3A_429 = tpu.memref_slice %arg8[%dma_start3A_428] : memref<384xi32, #tpu.memory_space<vmem>> -> memref<8xi32, #tpu.memory_space<vmem>>
    %dma_start3A_430 = arith.constant 0 : i32
    %dma_start3A_431 = arith.constant 0 : i32
    %dma_start3A_432 = arith.constant 0 : i32
    %dma_start3A_433 = tpu.memref_slice %arg2[%dma_start3A_430, %dma_start3A_431, %dma_start3A_432] : memref<24000x32x128xf32, #tpu.memory_space<hbm>> -> memref<24000x32x128xf32, #tpu.memory_space<hbm>>
    tpu.enqueue_indirect_dma source(%dma_start3A_433 : memref<24000x32x128xf32, #tpu.memory_space<hbm>>) target(%arg11 : memref<8x32x128xf32, #tpu.memory_space<vmem>>) offsets(%dma_start3A_429 : memref<8xi32, #tpu.memory_space<vmem>>) semaphore(%arg14 : memref<!tpu.dma_semaphore, #tpu.memory_space<semaphore_mem>>)
    %dma_wait3A_434 = arith.constant 24 : i32
    %dma_wait3A_435 = tpu.memref_slice %arg8[%dma_wait3A_434] : memref<384xi32, #tpu.memory_space<vmem>> -> memref<8xi32, #tpu.memory_space<vmem>>
    %dma_wait3A_436 = arith.constant 0 : i32
    %dma_wait3A_437 = arith.constant 0 : i32
    %dma_wait3A_438 = arith.constant 0 : i32
    %dma_wait3A_439 = tpu.memref_slice %arg2[%dma_wait3A_436, %dma_wait3A_437, %dma_wait3A_438] : memref<24000x32x128xf32, #tpu.memory_space<hbm>> -> memref<24000x32x128xf32, #tpu.memory_space<hbm>>
    tpu.wait_indirect_dma semaphore(%arg12 : memref<!tpu.dma_semaphore, #tpu.memory_space<semaphore_mem>>) src(%dma_wait3A_439 : memref<24000x32x128xf32, #tpu.memory_space<hbm>>) dst(%arg9 : memref<8x32x128xf32, #tpu.memory_space<vmem>>)
    %add3A_440 = arith.constant 24 : i32
    %add3A_441 = arith.addi %mul3A_2, %add3A_440 : i32
    %dma_start3A_442 = arith.constant 0 : i32
    %dma_start3A_443 = arith.constant 0 : i32
    %dma_start3A_444 = tpu.memref_slice %arg5[%add3A_441, %dma_start3A_442, %dma_start3A_443] : memref<12288x32x128xf32, #tpu.memory_space<hbm>> -> memref<8x32x128xf32, #tpu.memory_space<hbm>>
    %dma_start3A_445 = arith.constant 0 : i32
    %dma_start3A_446 = arith.constant 0 : i32
    %dma_start3A_447 = tpu.memref_slice %arg5[%add3A_441, %dma_start3A_445, %dma_start3A_446] : memref<12288x32x128xf32, #tpu.memory_space<hbm>> -> memref<8x32x128xf32, #tpu.memory_space<hbm>>
    tpu.enqueue_dma source(%arg9 : memref<8x32x128xf32, #tpu.memory_space<vmem>>) target(%dma_start3A_447 : memref<8x32x128xf32, #tpu.memory_space<hbm>>) target_semaphore(%arg15 : memref<!tpu.dma_semaphore, #tpu.memory_space<semaphore_mem>>)
    %dma_wait3A_448 = arith.constant 0 : i32
    %dma_wait3A_449 = arith.constant 0 : i32
    %dma_wait3A_450 = tpu.memref_slice %arg5[%add3A_441, %dma_wait3A_448, %dma_wait3A_449] : memref<12288x32x128xf32, #tpu.memory_space<hbm>> -> memref<8x32x128xf32, #tpu.memory_space<hbm>>
    %dma_wait3A_451 = arith.constant 0 : i32
    %dma_wait3A_452 = arith.constant 0 : i32
    %dma_wait3A_453 = tpu.memref_slice %arg5[%add3A_441, %dma_wait3A_451, %dma_wait3A_452] : memref<12288x32x128xf32, #tpu.memory_space<hbm>> -> memref<8x32x128xf32, #tpu.memory_space<hbm>>
    tpu.wait_dma2 semaphore(%arg15 : memref<!tpu.dma_semaphore, #tpu.memory_space<semaphore_mem>>) src(%arg9 : memref<8x32x128xf32, #tpu.memory_space<vmem>>) dst(%dma_wait3A_453 : memref<8x32x128xf32, #tpu.memory_space<hbm>>)
    %dma_start3A_454 = arith.constant 48 : i32
    %dma_start3A_455 = tpu.memref_slice %arg8[%dma_start3A_454] : memref<384xi32, #tpu.memory_space<vmem>> -> memref<8xi32, #tpu.memory_space<vmem>>
    %dma_start3A_456 = arith.constant 0 : i32
    %dma_start3A_457 = arith.constant 0 : i32
    %dma_start3A_458 = arith.constant 0 : i32
    %dma_start3A_459 = tpu.memref_slice %arg2[%dma_start3A_456, %dma_start3A_457, %dma_start3A_458] : memref<24000x32x128xf32, #tpu.memory_space<hbm>> -> memref<24000x32x128xf32, #tpu.memory_space<hbm>>
    tpu.enqueue_indirect_dma source(%dma_start3A_459 : memref<24000x32x128xf32, #tpu.memory_space<hbm>>) target(%arg9 : memref<8x32x128xf32, #tpu.memory_space<vmem>>) offsets(%dma_start3A_455 : memref<8xi32, #tpu.memory_space<vmem>>) semaphore(%arg12 : memref<!tpu.dma_semaphore, #tpu.memory_space<semaphore_mem>>)
    %dma_wait3A_460 = arith.constant 32 : i32
    %dma_wait3A_461 = tpu.memref_slice %arg8[%dma_wait3A_460] : memref<384xi32, #tpu.memory_space<vmem>> -> memref<8xi32, #tpu.memory_space<vmem>>
    %dma_wait3A_462 = arith.constant 0 : i32
    %dma_wait3A_463 = arith.constant 0 : i32
    %dma_wait3A_464 = arith.constant 0 : i32
    %dma_wait3A_465 = tpu.memref_slice %arg2[%dma_wait3A_462, %dma_wait3A_463, %dma_wait3A_464] : memref<24000x32x128xf32, #tpu.memory_space<hbm>> -> memref<24000x32x128xf32, #tpu.memory_space<hbm>>
    tpu.wait_indirect_dma semaphore(%arg13 : memref<!tpu.dma_semaphore, #tpu.memory_space<semaphore_mem>>) src(%dma_wait3A_465 : memref<24000x32x128xf32, #tpu.memory_space<hbm>>) dst(%arg10 : memref<8x32x128xf32, #tpu.memory_space<vmem>>)
    %add3A_466 = arith.constant 32 : i32
    %add3A_467 = arith.addi %mul3A_2, %add3A_466 : i32
    %dma_start3A_468 = arith.constant 0 : i32
    %dma_start3A_469 = arith.constant 0 : i32
    %dma_start3A_470 = tpu.memref_slice %arg5[%add3A_467, %dma_start3A_468, %dma_start3A_469] : memref<12288x32x128xf32, #tpu.memory_space<hbm>> -> memref<8x32x128xf32, #tpu.memory_space<hbm>>
    %dma_start3A_471 = arith.constant 0 : i32
    %dma_start3A_472 = arith.constant 0 : i32
    %dma_start3A_473 = tpu.memref_slice %arg5[%add3A_467, %dma_start3A_471, %dma_start3A_472] : memref<12288x32x128xf32, #tpu.memory_space<hbm>> -> memref<8x32x128xf32, #tpu.memory_space<hbm>>
    tpu.enqueue_dma source(%arg10 : memref<8x32x128xf32, #tpu.memory_space<vmem>>) target(%dma_start3A_473 : memref<8x32x128xf32, #tpu.memory_space<hbm>>) target_semaphore(%arg16 : memref<!tpu.dma_semaphore, #tpu.memory_space<semaphore_mem>>)
    %dma_wait3A_474 = arith.constant 0 : i32
    %dma_wait3A_475 = arith.constant 0 : i32
    %dma_wait3A_476 = tpu.memref_slice %arg5[%add3A_467, %dma_wait3A_474, %dma_wait3A_475] : memref<12288x32x128xf32, #tpu.memory_space<hbm>> -> memref<8x32x128xf32, #tpu.memory_space<hbm>>
    %dma_wait3A_477 = arith.constant 0 : i32
    %dma_wait3A_478 = arith.constant 0 : i32
    %dma_wait3A_479 = tpu.memref_slice %arg5[%add3A_467, %dma_wait3A_477, %dma_wait3A_478] : memref<12288x32x128xf32, #tpu.memory_space<hbm>> -> memref<8x32x128xf32, #tpu.memory_space<hbm>>
    tpu.wait_dma2 semaphore(%arg16 : memref<!tpu.dma_semaphore, #tpu.memory_space<semaphore_mem>>) src(%arg10 : memref<8x32x128xf32, #tpu.memory_space<vmem>>) dst(%dma_wait3A_479 : memref<8x32x128xf32, #tpu.memory_space<hbm>>)
    %dma_start3A_480 = arith.constant 56 : i32
    %dma_start3A_481 = tpu.memref_slice %arg8[%dma_start3A_480] : memref<384xi32, #tpu.memory_space<vmem>> -> memref<8xi32, #tpu.memory_space<vmem>>
    %dma_start3A_482 = arith.constant 0 : i32
    %dma_start3A_483 = arith.constant 0 : i32
    %dma_start3A_484 = arith.constant 0 : i32
    %dma_start3A_485 = tpu.memref_slice %arg2[%dma_start3A_482, %dma_start3A_483, %dma_start3A_484] : memref<24000x32x128xf32, #tpu.memory_space<hbm>> -> memref<24000x32x128xf32, #tpu.memory_space<hbm>>
    tpu.enqueue_indirect_dma source(%dma_start3A_485 : memref<24000x32x128xf32, #tpu.memory_space<hbm>>) target(%arg10 : memref<8x32x128xf32, #tpu.memory_space<vmem>>) offsets(%dma_start3A_481 : memref<8xi32, #tpu.memory_space<vmem>>) semaphore(%arg13 : memref<!tpu.dma_semaphore, #tpu.memory_space<semaphore_mem>>)
    %dma_wait3A_486 = arith.constant 40 : i32
    %dma_wait3A_487 = tpu.memref_slice %arg8[%dma_wait3A_486] : memref<384xi32, #tpu.memory_space<vmem>> -> memref<8xi32, #tpu.memory_space<vmem>>
    %dma_wait3A_488 = arith.constant 0 : i32
    %dma_wait3A_489 = arith.constant 0 : i32
    %dma_wait3A_490 = arith.constant 0 : i32
    %dma_wait3A_491 = tpu.memref_slice %arg2[%dma_wait3A_488, %dma_wait3A_489, %dma_wait3A_490] : memref<24000x32x128xf32, #tpu.memory_space<hbm>> -> memref<24000x32x128xf32, #tpu.memory_space<hbm>>
    tpu.wait_indirect_dma semaphore(%arg14 : memref<!tpu.dma_semaphore, #tpu.memory_space<semaphore_mem>>) src(%dma_wait3A_491 : memref<24000x32x128xf32, #tpu.memory_space<hbm>>) dst(%arg11 : memref<8x32x128xf32, #tpu.memory_space<vmem>>)
    %add3A_492 = arith.constant 40 : i32
    %add3A_493 = arith.addi %mul3A_2, %add3A_492 : i32
    %dma_start3A_494 = arith.constant 0 : i32
    %dma_start3A_495 = arith.constant 0 : i32
    %dma_start3A_496 = tpu.memref_slice %arg5[%add3A_493, %dma_start3A_494, %dma_start3A_495] : memref<12288x32x128xf32, #tpu.memory_space<hbm>> -> memref<8x32x128xf32, #tpu.memory_space<hbm>>
    %dma_start3A_497 = arith.constant 0 : i32
    %dma_start3A_498 = arith.constant 0 : i32
    %dma_start3A_499 = tpu.memref_slice %arg5[%add3A_493, %dma_start3A_497, %dma_start3A_498] : memref<12288x32x128xf32, #tpu.memory_space<hbm>> -> memref<8x32x128xf32, #tpu.memory_space<hbm>>
    tpu.enqueue_dma source(%arg11 : memref<8x32x128xf32, #tpu.memory_space<vmem>>) target(%dma_start3A_499 : memref<8x32x128xf32, #tpu.memory_space<hbm>>) target_semaphore(%arg17 : memref<!tpu.dma_semaphore, #tpu.memory_space<semaphore_mem>>)
    %dma_wait3A_500 = arith.constant 0 : i32
    %dma_wait3A_501 = arith.constant 0 : i32
    %dma_wait3A_502 = tpu.memref_slice %arg5[%add3A_493, %dma_wait3A_500, %dma_wait3A_501] : memref<12288x32x128xf32, #tpu.memory_space<hbm>> -> memref<8x32x128xf32, #tpu.memory_space<hbm>>
    %dma_wait3A_503 = arith.constant 0 : i32
    %dma_wait3A_504 = arith.constant 0 : i32
    %dma_wait3A_505 = tpu.memref_slice %arg5[%add3A_493, %dma_wait3A_503, %dma_wait3A_504] : memref<12288x32x128xf32, #tpu.memory_space<hbm>> -> memref<8x32x128xf32, #tpu.memory_space<hbm>>
    tpu.wait_dma2 semaphore(%arg17 : memref<!tpu.dma_semaphore, #tpu.memory_space<semaphore_mem>>) src(%arg11 : memref<8x32x128xf32, #tpu.memory_space<vmem>>) dst(%dma_wait3A_505 : memref<8x32x128xf32, #tpu.memory_space<hbm>>)
    %dma_start3A_506 = arith.constant 64 : i32
    %dma_start3A_507 = tpu.memref_slice %arg8[%dma_start3A_506] : memref<384xi32, #tpu.memory_space<vmem>> -> memref<8xi32, #tpu.memory_space<vmem>>
    %dma_start3A_508 = arith.constant 0 : i32
    %dma_start3A_509 = arith.constant 0 : i32
    %dma_start3A_510 = arith.constant 0 : i32
    %dma_start3A_511 = tpu.memref_slice %arg2[%dma_start3A_508, %dma_start3A_509, %dma_start3A_510] : memref<24000x32x128xf32, #tpu.memory_space<hbm>> -> memref<24000x32x128xf32, #tpu.memory_space<hbm>>
    tpu.enqueue_indirect_dma source(%dma_start3A_511 : memref<24000x32x128xf32, #tpu.memory_space<hbm>>) target(%arg11 : memref<8x32x128xf32, #tpu.memory_space<vmem>>) offsets(%dma_start3A_507 : memref<8xi32, #tpu.memory_space<vmem>>) semaphore(%arg14 : memref<!tpu.dma_semaphore, #tpu.memory_space<semaphore_mem>>)
    %dma_wait3A_512 = arith.constant 48 : i32
    %dma_wait3A_513 = tpu.memref_slice %arg8[%dma_wait3A_512] : memref<384xi32, #tpu.memory_space<vmem>> -> memref<8xi32, #tpu.memory_space<vmem>>
    %dma_wait3A_514 = arith.constant 0 : i32
    %dma_wait3A_515 = arith.constant 0 : i32
    %dma_wait3A_516 = arith.constant 0 : i32
    %dma_wait3A_517 = tpu.memref_slice %arg2[%dma_wait3A_514, %dma_wait3A_515, %dma_wait3A_516] : memref<24000x32x128xf32, #tpu.memory_space<hbm>> -> memref<24000x32x128xf32, #tpu.memory_space<hbm>>
    tpu.wait_indirect_dma semaphore(%arg12 : memref<!tpu.dma_semaphore, #tpu.memory_space<semaphore_mem>>) src(%dma_wait3A_517 : memref<24000x32x128xf32, #tpu.memory_space<hbm>>) dst(%arg9 : memref<8x32x128xf32, #tpu.memory_space<vmem>>)
    %add3A_518 = arith.constant 48 : i32
    %add3A_519 = arith.addi %mul3A_2, %add3A_518 : i32
    %dma_start3A_520 = arith.constant 0 : i32
    %dma_start3A_521 = arith.constant 0 : i32
    %dma_start3A_522 = tpu.memref_slice %arg5[%add3A_519, %dma_start3A_520, %dma_start3A_521] : memref<12288x32x128xf32, #tpu.memory_space<hbm>> -> memref<8x32x128xf32, #tpu.memory_space<hbm>>
    %dma_start3A_523 = arith.constant 0 : i32
    %dma_start3A_524 = arith.constant 0 : i32
    %dma_start3A_525 = tpu.memref_slice %arg5[%add3A_519, %dma_start3A_523, %dma_start3A_524] : memref<12288x32x128xf32, #tpu.memory_space<hbm>> -> memref<8x32x128xf32, #tpu.memory_space<hbm>>
    tpu.enqueue_dma source(%arg9 : memref<8x32x128xf32, #tpu.memory_space<vmem>>) target(%dma_start3A_525 : memref<8x32x128xf32, #tpu.memory_space<hbm>>) target_semaphore(%arg15 : memref<!tpu.dma_semaphore, #tpu.memory_space<semaphore_mem>>)
    %dma_wait3A_526 = arith.constant 0 : i32
    %dma_wait3A_527 = arith.constant 0 : i32
    %dma_wait3A_528 = tpu.memref_slice %arg5[%add3A_519, %dma_wait3A_526, %dma_wait3A_527] : memref<12288x32x128xf32, #tpu.memory_space<hbm>> -> memref<8x32x128xf32, #tpu.memory_space<hbm>>
    %dma_wait3A_529 = arith.constant 0 : i32
    %dma_wait3A_530 = arith.constant 0 : i32
    %dma_wait3A_531 = tpu.memref_slice %arg5[%add3A_519, %dma_wait3A_529, %dma_wait3A_530] : memref<12288x32x128xf32, #tpu.memory_space<hbm>> -> memref<8x32x128xf32, #tpu.memory_space<hbm>>
    tpu.wait_dma2 semaphore(%arg15 : memref<!tpu.dma_semaphore, #tpu.memory_space<semaphore_mem>>) src(%arg9 : memref<8x32x128xf32, #tpu.memory_space<vmem>>) dst(%dma_wait3A_531 : memref<8x32x128xf32, #tpu.memory_space<hbm>>)
    %dma_start3A_532 = arith.constant 72 : i32
    %dma_start3A_533 = tpu.memref_slice %arg8[%dma_start3A_532] : memref<384xi32, #tpu.memory_space<vmem>> -> memref<8xi32, #tpu.memory_space<vmem>>
    %dma_start3A_534 = arith.constant 0 : i32
    %dma_start3A_535 = arith.constant 0 : i32
    %dma_start3A_536 = arith.constant 0 : i32
    %dma_start3A_537 = tpu.memref_slice %arg2[%dma_start3A_534, %dma_start3A_535, %dma_start3A_536] : memref<24000x32x128xf32, #tpu.memory_space<hbm>> -> memref<24000x32x128xf32, #tpu.memory_space<hbm>>
    tpu.enqueue_indirect_dma source(%dma_start3A_537 : memref<24000x32x128xf32, #tpu.memory_space<hbm>>) target(%arg9 : memref<8x32x128xf32, #tpu.memory_space<vmem>>) offsets(%dma_start3A_533 : memref<8xi32, #tpu.memory_space<vmem>>) semaphore(%arg12 : memref<!tpu.dma_semaphore, #tpu.memory_space<semaphore_mem>>)
    %dma_wait3A_538 = arith.constant 56 : i32
    %dma_wait3A_539 = tpu.memref_slice %arg8[%dma_wait3A_538] : memref<384xi32, #tpu.memory_space<vmem>> -> memref<8xi32, #tpu.memory_space<vmem>>
    %dma_wait3A_540 = arith.constant 0 : i32
    %dma_wait3A_541 = arith.constant 0 : i32
    %dma_wait3A_542 = arith.constant 0 : i32
    %dma_wait3A_543 = tpu.memref_slice %arg2[%dma_wait3A_540, %dma_wait3A_541, %dma_wait3A_542] : memref<24000x32x128xf32, #tpu.memory_space<hbm>> -> memref<24000x32x128xf32, #tpu.memory_space<hbm>>
    tpu.wait_indirect_dma semaphore(%arg13 : memref<!tpu.dma_semaphore, #tpu.memory_space<semaphore_mem>>) src(%dma_wait3A_543 : memref<24000x32x128xf32, #tpu.memory_space<hbm>>) dst(%arg10 : memref<8x32x128xf32, #tpu.memory_space<vmem>>)
    %add3A_544 = arith.constant 56 : i32
    %add3A_545 = arith.addi %mul3A_2, %add3A_544 : i32
    %dma_start3A_546 = arith.constant 0 : i32
    %dma_start3A_547 = arith.constant 0 : i32
    %dma_start3A_548 = tpu.memref_slice %arg5[%add3A_545, %dma_start3A_546, %dma_start3A_547] : memref<12288x32x128xf32, #tpu.memory_space<hbm>> -> memref<8x32x128xf32, #tpu.memory_space<hbm>>
    %dma_start3A_549 = arith.constant 0 : i32
    %dma_start3A_550 = arith.constant 0 : i32
    %dma_start3A_551 = tpu.memref_slice %arg5[%add3A_545, %dma_start3A_549, %dma_start3A_550] : memref<12288x32x128xf32, #tpu.memory_space<hbm>> -> memref<8x32x128xf32, #tpu.memory_space<hbm>>
    tpu.enqueue_dma source(%arg10 : memref<8x32x128xf32, #tpu.memory_space<vmem>>) target(%dma_start3A_551 : memref<8x32x128xf32, #tpu.memory_space<hbm>>) target_semaphore(%arg16 : memref<!tpu.dma_semaphore, #tpu.memory_space<semaphore_mem>>)
    %dma_wait3A_552 = arith.constant 0 : i32
    %dma_wait3A_553 = arith.constant 0 : i32
    %dma_wait3A_554 = tpu.memref_slice %arg5[%add3A_545, %dma_wait3A_552, %dma_wait3A_553] : memref<12288x32x128xf32, #tpu.memory_space<hbm>> -> memref<8x32x128xf32, #tpu.memory_space<hbm>>
    %dma_wait3A_555 = arith.constant 0 : i32
    %dma_wait3A_556 = arith.constant 0 : i32
    %dma_wait3A_557 = tpu.memref_slice %arg5[%add3A_545, %dma_wait3A_555, %dma_wait3A_556] : memref<12288x32x128xf32, #tpu.memory_space<hbm>> -> memref<8x32x128xf32, #tpu.memory_space<hbm>>
    tpu.wait_dma2 semaphore(%arg16 : memref<!tpu.dma_semaphore, #tpu.memory_space<semaphore_mem>>) src(%arg10 : memref<8x32x128xf32, #tpu.memory_space<vmem>>) dst(%dma_wait3A_557 : memref<8x32x128xf32, #tpu.memory_space<hbm>>)
    %dma_start3A_558 = arith.constant 80 : i32
    %dma_start3A_559 = tpu.memref_slice %arg8[%dma_start3A_558] : memref<384xi32, #tpu.memory_space<vmem>> -> memref<8xi32, #tpu.memory_space<vmem>>
    %dma_start3A_560 = arith.constant 0 : i32
    %dma_start3A_561 = arith.constant 0 : i32
    %dma_start3A_562 = arith.constant 0 : i32
    %dma_start3A_563 = tpu.memref_slice %arg2[%dma_start3A_560, %dma_start3A_561, %dma_start3A_562] : memref<24000x32x128xf32, #tpu.memory_space<hbm>> -> memref<24000x32x128xf32, #tpu.memory_space<hbm>>
    tpu.enqueue_indirect_dma source(%dma_start3A_563 : memref<24000x32x128xf32, #tpu.memory_space<hbm>>) target(%arg10 : memref<8x32x128xf32, #tpu.memory_space<vmem>>) offsets(%dma_start3A_559 : memref<8xi32, #tpu.memory_space<vmem>>) semaphore(%arg13 : memref<!tpu.dma_semaphore, #tpu.memory_space<semaphore_mem>>)
    %dma_wait3A_564 = arith.constant 64 : i32
    %dma_wait3A_565 = tpu.memref_slice %arg8[%dma_wait3A_564] : memref<384xi32, #tpu.memory_space<vmem>> -> memref<8xi32, #tpu.memory_space<vmem>>
    %dma_wait3A_566 = arith.constant 0 : i32
    %dma_wait3A_567 = arith.constant 0 : i32
    %dma_wait3A_568 = arith.constant 0 : i32
    %dma_wait3A_569 = tpu.memref_slice %arg2[%dma_wait3A_566, %dma_wait3A_567, %dma_wait3A_568] : memref<24000x32x128xf32, #tpu.memory_space<hbm>> -> memref<24000x32x128xf32, #tpu.memory_space<hbm>>
    tpu.wait_indirect_dma semaphore(%arg14 : memref<!tpu.dma_semaphore, #tpu.memory_space<semaphore_mem>>) src(%dma_wait3A_569 : memref<24000x32x128xf32, #tpu.memory_space<hbm>>) dst(%arg11 : memref<8x32x128xf32, #tpu.memory_space<vmem>>)
    %add3A_570 = arith.constant 64 : i32
    %add3A_571 = arith.addi %mul3A_2, %add3A_570 : i32
    %dma_start3A_572 = arith.constant 0 : i32
    %dma_start3A_573 = arith.constant 0 : i32
    %dma_start3A_574 = tpu.memref_slice %arg5[%add3A_571, %dma_start3A_572, %dma_start3A_573] : memref<12288x32x128xf32, #tpu.memory_space<hbm>> -> memref<8x32x128xf32, #tpu.memory_space<hbm>>
    %dma_start3A_575 = arith.constant 0 : i32
    %dma_start3A_576 = arith.constant 0 : i32
    %dma_start3A_577 = tpu.memref_slice %arg5[%add3A_571, %dma_start3A_575, %dma_start3A_576] : memref<12288x32x128xf32, #tpu.memory_space<hbm>> -> memref<8x32x128xf32, #tpu.memory_space<hbm>>
    tpu.enqueue_dma source(%arg11 : memref<8x32x128xf32, #tpu.memory_space<vmem>>) target(%dma_start3A_577 : memref<8x32x128xf32, #tpu.memory_space<hbm>>) target_semaphore(%arg17 : memref<!tpu.dma_semaphore, #tpu.memory_space<semaphore_mem>>)
    %dma_wait3A_578 = arith.constant 0 : i32
    %dma_wait3A_579 = arith.constant 0 : i32
    %dma_wait3A_580 = tpu.memref_slice %arg5[%add3A_571, %dma_wait3A_578, %dma_wait3A_579] : memref<12288x32x128xf32, #tpu.memory_space<hbm>> -> memref<8x32x128xf32, #tpu.memory_space<hbm>>
    %dma_wait3A_581 = arith.constant 0 : i32
    %dma_wait3A_582 = arith.constant 0 : i32
    %dma_wait3A_583 = tpu.memref_slice %arg5[%add3A_571, %dma_wait3A_581, %dma_wait3A_582] : memref<12288x32x128xf32, #tpu.memory_space<hbm>> -> memref<8x32x128xf32, #tpu.memory_space<hbm>>
    tpu.wait_dma2 semaphore(%arg17 : memref<!tpu.dma_semaphore, #tpu.memory_space<semaphore_mem>>) src(%arg11 : memref<8x32x128xf32, #tpu.memory_space<vmem>>) dst(%dma_wait3A_583 : memref<8x32x128xf32, #tpu.memory_space<hbm>>)
    %dma_start3A_584 = arith.constant 88 : i32
    %dma_start3A_585 = tpu.memref_slice %arg8[%dma_start3A_584] : memref<384xi32, #tpu.memory_space<vmem>> -> memref<8xi32, #tpu.memory_space<vmem>>
    %dma_start3A_586 = arith.constant 0 : i32
    %dma_start3A_587 = arith.constant 0 : i32
    %dma_start3A_588 = arith.constant 0 : i32
    %dma_start3A_589 = tpu.memref_slice %arg2[%dma_start3A_586, %dma_start3A_587, %dma_start3A_588] : memref<24000x32x128xf32, #tpu.memory_space<hbm>> -> memref<24000x32x128xf32, #tpu.memory_space<hbm>>
    tpu.enqueue_indirect_dma source(%dma_start3A_589 : memref<24000x32x128xf32, #tpu.memory_space<hbm>>) target(%arg11 : memref<8x32x128xf32, #tpu.memory_space<vmem>>) offsets(%dma_start3A_585 : memref<8xi32, #tpu.memory_space<vmem>>) semaphore(%arg14 : memref<!tpu.dma_semaphore, #tpu.memory_space<semaphore_mem>>)
    %dma_wait3A_590 = arith.constant 72 : i32
    %dma_wait3A_591 = tpu.memref_slice %arg8[%dma_wait3A_590] : memref<384xi32, #tpu.memory_space<vmem>> -> memref<8xi32, #tpu.memory_space<vmem>>
    %dma_wait3A_592 = arith.constant 0 : i32
    %dma_wait3A_593 = arith.constant 0 : i32
    %dma_wait3A_594 = arith.constant 0 : i32
    %dma_wait3A_595 = tpu.memref_slice %arg2[%dma_wait3A_592, %dma_wait3A_593, %dma_wait3A_594] : memref<24000x32x128xf32, #tpu.memory_space<hbm>> -> memref<24000x32x128xf32, #tpu.memory_space<hbm>>
    tpu.wait_indirect_dma semaphore(%arg12 : memref<!tpu.dma_semaphore, #tpu.memory_space<semaphore_mem>>) src(%dma_wait3A_595 : memref<24000x32x128xf32, #tpu.memory_space<hbm>>) dst(%arg9 : memref<8x32x128xf32, #tpu.memory_space<vmem>>)
    %add3A_596 = arith.constant 72 : i32
    %add3A_597 = arith.addi %mul3A_2, %add3A_596 : i32
    %dma_start3A_598 = arith.constant 0 : i32
    %dma_start3A_599 = arith.constant 0 : i32
    %dma_start3A_600 = tpu.memref_slice %arg5[%add3A_597, %dma_start3A_598, %dma_start3A_599] : memref<12288x32x128xf32, #tpu.memory_space<hbm>> -> memref<8x32x128xf32, #tpu.memory_space<hbm>>
    %dma_start3A_601 = arith.constant 0 : i32
    %dma_start3A_602 = arith.constant 0 : i32
    %dma_start3A_603 = tpu.memref_slice %arg5[%add3A_597, %dma_start3A_601, %dma_start3A_602] : memref<12288x32x128xf32, #tpu.memory_space<hbm>> -> memref<8x32x128xf32, #tpu.memory_space<hbm>>
    tpu.enqueue_dma source(%arg9 : memref<8x32x128xf32, #tpu.memory_space<vmem>>) target(%dma_start3A_603 : memref<8x32x128xf32, #tpu.memory_space<hbm>>) target_semaphore(%arg15 : memref<!tpu.dma_semaphore, #tpu.memory_space<semaphore_mem>>)
    %dma_wait3A_604 = arith.constant 0 : i32
    %dma_wait3A_605 = arith.constant 0 : i32
    %dma_wait3A_606 = tpu.memref_slice %arg5[%add3A_597, %dma_wait3A_604, %dma_wait3A_605] : memref<12288x32x128xf32, #tpu.memory_space<hbm>> -> memref<8x32x128xf32, #tpu.memory_space<hbm>>
    %dma_wait3A_607 = arith.constant 0 : i32
    %dma_wait3A_608 = arith.constant 0 : i32
    %dma_wait3A_609 = tpu.memref_slice %arg5[%add3A_597, %dma_wait3A_607, %dma_wait3A_608] : memref<12288x32x128xf32, #tpu.memory_space<hbm>> -> memref<8x32x128xf32, #tpu.memory_space<hbm>>
    tpu.wait_dma2 semaphore(%arg15 : memref<!tpu.dma_semaphore, #tpu.memory_space<semaphore_mem>>) src(%arg9 : memref<8x32x128xf32, #tpu.memory_space<vmem>>) dst(%dma_wait3A_609 : memref<8x32x128xf32, #tpu.memory_space<hbm>>)
    %dma_start3A_610 = arith.constant 96 : i32
    %dma_start3A_611 = tpu.memref_slice %arg8[%dma_start3A_610] : memref<384xi32, #tpu.memory_space<vmem>> -> memref<8xi32, #tpu.memory_space<vmem>>
    %dma_start3A_612 = arith.constant 0 : i32
    %dma_start3A_613 = arith.constant 0 : i32
    %dma_start3A_614 = arith.constant 0 : i32
    %dma_start3A_615 = tpu.memref_slice %arg2[%dma_start3A_612, %dma_start3A_613, %dma_start3A_614] : memref<24000x32x128xf32, #tpu.memory_space<hbm>> -> memref<24000x32x128xf32, #tpu.memory_space<hbm>>
    tpu.enqueue_indirect_dma source(%dma_start3A_615 : memref<24000x32x128xf32, #tpu.memory_space<hbm>>) target(%arg9 : memref<8x32x128xf32, #tpu.memory_space<vmem>>) offsets(%dma_start3A_611 : memref<8xi32, #tpu.memory_space<vmem>>) semaphore(%arg12 : memref<!tpu.dma_semaphore, #tpu.memory_space<semaphore_mem>>)
    %dma_wait3A_616 = arith.constant 80 : i32
    %dma_wait3A_617 = tpu.memref_slice %arg8[%dma_wait3A_616] : memref<384xi32, #tpu.memory_space<vmem>> -> memref<8xi32, #tpu.memory_space<vmem>>
    %dma_wait3A_618 = arith.constant 0 : i32
    %dma_wait3A_619 = arith.constant 0 : i32
    %dma_wait3A_620 = arith.constant 0 : i32
    %dma_wait3A_621 = tpu.memref_slice %arg2[%dma_wait3A_618, %dma_wait3A_619, %dma_wait3A_620] : memref<24000x32x128xf32, #tpu.memory_space<hbm>> -> memref<24000x32x128xf32, #tpu.memory_space<hbm>>
    tpu.wait_indirect_dma semaphore(%arg13 : memref<!tpu.dma_semaphore, #tpu.memory_space<semaphore_mem>>) src(%dma_wait3A_621 : memref<24000x32x128xf32, #tpu.memory_space<hbm>>) dst(%arg10 : memref<8x32x128xf32, #tpu.memory_space<vmem>>)
    %add3A_622 = arith.constant 80 : i32
    %add3A_623 = arith.addi %mul3A_2, %add3A_622 : i32
    %dma_start3A_624 = arith.constant 0 : i32
    %dma_start3A_625 = arith.constant 0 : i32
    %dma_start3A_626 = tpu.memref_slice %arg5[%add3A_623, %dma_start3A_624, %dma_start3A_625] : memref<12288x32x128xf32, #tpu.memory_space<hbm>> -> memref<8x32x128xf32, #tpu.memory_space<hbm>>
    %dma_start3A_627 = arith.constant 0 : i32
    %dma_start3A_628 = arith.constant 0 : i32
    %dma_start3A_629 = tpu.memref_slice %arg5[%add3A_623, %dma_start3A_627, %dma_start3A_628] : memref<12288x32x128xf32, #tpu.memory_space<hbm>> -> memref<8x32x128xf32, #tpu.memory_space<hbm>>
    tpu.enqueue_dma source(%arg10 : memref<8x32x128xf32, #tpu.memory_space<vmem>>) target(%dma_start3A_629 : memref<8x32x128xf32, #tpu.memory_space<hbm>>) target_semaphore(%arg16 : memref<!tpu.dma_semaphore, #tpu.memory_space<semaphore_mem>>)
    %dma_wait3A_630 = arith.constant 0 : i32
    %dma_wait3A_631 = arith.constant 0 : i32
    %dma_wait3A_632 = tpu.memref_slice %arg5[%add3A_623, %dma_wait3A_630, %dma_wait3A_631] : memref<12288x32x128xf32, #tpu.memory_space<hbm>> -> memref<8x32x128xf32, #tpu.memory_space<hbm>>
    %dma_wait3A_633 = arith.constant 0 : i32
    %dma_wait3A_634 = arith.constant 0 : i32
    %dma_wait3A_635 = tpu.memref_slice %arg5[%add3A_623, %dma_wait3A_633, %dma_wait3A_634] : memref<12288x32x128xf32, #tpu.memory_space<hbm>> -> memref<8x32x128xf32, #tpu.memory_space<hbm>>
    tpu.wait_dma2 semaphore(%arg16 : memref<!tpu.dma_semaphore, #tpu.memory_space<semaphore_mem>>) src(%arg10 : memref<8x32x128xf32, #tpu.memory_space<vmem>>) dst(%dma_wait3A_635 : memref<8x32x128xf32, #tpu.memory_space<hbm>>)
    %dma_start3A_636 = arith.constant 104 : i32
    %dma_start3A_637 = tpu.memref_slice %arg8[%dma_start3A_636] : memref<384xi32, #tpu.memory_space<vmem>> -> memref<8xi32, #tpu.memory_space<vmem>>
    %dma_start3A_638 = arith.constant 0 : i32
    %dma_start3A_639 = arith.constant 0 : i32
    %dma_start3A_640 = arith.constant 0 : i32
    %dma_start3A_641 = tpu.memref_slice %arg2[%dma_start3A_638, %dma_start3A_639, %dma_start3A_640] : memref<24000x32x128xf32, #tpu.memory_space<hbm>> -> memref<24000x32x128xf32, #tpu.memory_space<hbm>>
    tpu.enqueue_indirect_dma source(%dma_start3A_641 : memref<24000x32x128xf32, #tpu.memory_space<hbm>>) target(%arg10 : memref<8x32x128xf32, #tpu.memory_space<vmem>>) offsets(%dma_start3A_637 : memref<8xi32, #tpu.memory_space<vmem>>) semaphore(%arg13 : memref<!tpu.dma_semaphore, #tpu.memory_space<semaphore_mem>>)
    %dma_wait3A_642 = arith.constant 88 : i32
    %dma_wait3A_643 = tpu.memref_slice %arg8[%dma_wait3A_642] : memref<384xi32, #tpu.memory_space<vmem>> -> memref<8xi32, #tpu.memory_space<vmem>>
    %dma_wait3A_644 = arith.constant 0 : i32
    %dma_wait3A_645 = arith.constant 0 : i32
    %dma_wait3A_646 = arith.constant 0 : i32
    %dma_wait3A_647 = tpu.memref_slice %arg2[%dma_wait3A_644, %dma_wait3A_645, %dma_wait3A_646] : memref<24000x32x128xf32, #tpu.memory_space<hbm>> -> memref<24000x32x128xf32, #tpu.memory_space<hbm>>
    tpu.wait_indirect_dma semaphore(%arg14 : memref<!tpu.dma_semaphore, #tpu.memory_space<semaphore_mem>>) src(%dma_wait3A_647 : memref<24000x32x128xf32, #tpu.memory_space<hbm>>) dst(%arg11 : memref<8x32x128xf32, #tpu.memory_space<vmem>>)
    %add3A_648 = arith.constant 88 : i32
    %add3A_649 = arith.addi %mul3A_2, %add3A_648 : i32
    %dma_start3A_650 = arith.constant 0 : i32
    %dma_start3A_651 = arith.constant 0 : i32
    %dma_start3A_652 = tpu.memref_slice %arg5[%add3A_649, %dma_start3A_650, %dma_start3A_651] : memref<12288x32x128xf32, #tpu.memory_space<hbm>> -> memref<8x32x128xf32, #tpu.memory_space<hbm>>
    %dma_start3A_653 = arith.constant 0 : i32
    %dma_start3A_654 = arith.constant 0 : i32
    %dma_start3A_655 = tpu.memref_slice %arg5[%add3A_649, %dma_start3A_653, %dma_start3A_654] : memref<12288x32x128xf32, #tpu.memory_space<hbm>> -> memref<8x32x128xf32, #tpu.memory_space<hbm>>
    tpu.enqueue_dma source(%arg11 : memref<8x32x128xf32, #tpu.memory_space<vmem>>) target(%dma_start3A_655 : memref<8x32x128xf32, #tpu.memory_space<hbm>>) target_semaphore(%arg17 : memref<!tpu.dma_semaphore, #tpu.memory_space<semaphore_mem>>)
    %dma_wait3A_656 = arith.constant 0 : i32
    %dma_wait3A_657 = arith.constant 0 : i32
    %dma_wait3A_658 = tpu.memref_slice %arg5[%add3A_649, %dma_wait3A_656, %dma_wait3A_657] : memref<12288x32x128xf32, #tpu.memory_space<hbm>> -> memref<8x32x128xf32, #tpu.memory_space<hbm>>
    %dma_wait3A_659 = arith.constant 0 : i32
    %dma_wait3A_660 = arith.constant 0 : i32
    %dma_wait3A_661 = tpu.memref_slice %arg5[%add3A_649, %dma_wait3A_659, %dma_wait3A_660] : memref<12288x32x128xf32, #tpu.memory_space<hbm>> -> memref<8x32x128xf32, #tpu.memory_space<hbm>>
    tpu.wait_dma2 semaphore(%arg17 : memref<!tpu.dma_semaphore, #tpu.memory_space<semaphore_mem>>) src(%arg11 : memref<8x32x128xf32, #tpu.memory_space<vmem>>) dst(%dma_wait3A_661 : memref<8x32x128xf32, #tpu.memory_space<hbm>>)
    %dma_start3A_662 = arith.constant 112 : i32
    %dma_start3A_663 = tpu.memref_slice %arg8[%dma_start3A_662] : memref<384xi32, #tpu.memory_space<vmem>> -> memref<8xi32, #tpu.memory_space<vmem>>
    %dma_start3A_664 = arith.constant 0 : i32
    %dma_start3A_665 = arith.constant 0 : i32
    %dma_start3A_666 = arith.constant 0 : i32
    %dma_start3A_667 = tpu.memref_slice %arg2[%dma_start3A_664, %dma_start3A_665, %dma_start3A_666] : memref<24000x32x128xf32, #tpu.memory_space<hbm>> -> memref<24000x32x128xf32, #tpu.memory_space<hbm>>
    tpu.enqueue_indirect_dma source(%dma_start3A_667 : memref<24000x32x128xf32, #tpu.memory_space<hbm>>) target(%arg11 : memref<8x32x128xf32, #tpu.memory_space<vmem>>) offsets(%dma_start3A_663 : memref<8xi32, #tpu.memory_space<vmem>>) semaphore(%arg14 : memref<!tpu.dma_semaphore, #tpu.memory_space<semaphore_mem>>)
    %dma_wait3A_668 = arith.constant 96 : i32
    %dma_wait3A_669 = tpu.memref_slice %arg8[%dma_wait3A_668] : memref<384xi32, #tpu.memory_space<vmem>> -> memref<8xi32, #tpu.memory_space<vmem>>
    %dma_wait3A_670 = arith.constant 0 : i32
    %dma_wait3A_671 = arith.constant 0 : i32
    %dma_wait3A_672 = arith.constant 0 : i32
    %dma_wait3A_673 = tpu.memref_slice %arg2[%dma_wait3A_670, %dma_wait3A_671, %dma_wait3A_672] : memref<24000x32x128xf32, #tpu.memory_space<hbm>> -> memref<24000x32x128xf32, #tpu.memory_space<hbm>>
    tpu.wait_indirect_dma semaphore(%arg12 : memref<!tpu.dma_semaphore, #tpu.memory_space<semaphore_mem>>) src(%dma_wait3A_673 : memref<24000x32x128xf32, #tpu.memory_space<hbm>>) dst(%arg9 : memref<8x32x128xf32, #tpu.memory_space<vmem>>)
    %add3A_674 = arith.constant 96 : i32
    %add3A_675 = arith.addi %mul3A_2, %add3A_674 : i32
    %dma_start3A_676 = arith.constant 0 : i32
    %dma_start3A_677 = arith.constant 0 : i32
    %dma_start3A_678 = tpu.memref_slice %arg5[%add3A_675, %dma_start3A_676, %dma_start3A_677] : memref<12288x32x128xf32, #tpu.memory_space<hbm>> -> memref<8x32x128xf32, #tpu.memory_space<hbm>>
    %dma_start3A_679 = arith.constant 0 : i32
    %dma_start3A_680 = arith.constant 0 : i32
    %dma_start3A_681 = tpu.memref_slice %arg5[%add3A_675, %dma_start3A_679, %dma_start3A_680] : memref<12288x32x128xf32, #tpu.memory_space<hbm>> -> memref<8x32x128xf32, #tpu.memory_space<hbm>>
    tpu.enqueue_dma source(%arg9 : memref<8x32x128xf32, #tpu.memory_space<vmem>>) target(%dma_start3A_681 : memref<8x32x128xf32, #tpu.memory_space<hbm>>) target_semaphore(%arg15 : memref<!tpu.dma_semaphore, #tpu.memory_space<semaphore_mem>>)
    %dma_wait3A_682 = arith.constant 0 : i32
    %dma_wait3A_683 = arith.constant 0 : i32
    %dma_wait3A_684 = tpu.memref_slice %arg5[%add3A_675, %dma_wait3A_682, %dma_wait3A_683] : memref<12288x32x128xf32, #tpu.memory_space<hbm>> -> memref<8x32x128xf32, #tpu.memory_space<hbm>>
    %dma_wait3A_685 = arith.constant 0 : i32
    %dma_wait3A_686 = arith.constant 0 : i32
    %dma_wait3A_687 = tpu.memref_slice %arg5[%add3A_675, %dma_wait3A_685, %dma_wait3A_686] : memref<12288x32x128xf32, #tpu.memory_space<hbm>> -> memref<8x32x128xf32, #tpu.memory_space<hbm>>
    tpu.wait_dma2 semaphore(%arg15 : memref<!tpu.dma_semaphore, #tpu.memory_space<semaphore_mem>>) src(%arg9 : memref<8x32x128xf32, #tpu.memory_space<vmem>>) dst(%dma_wait3A_687 : memref<8x32x128xf32, #tpu.memory_space<hbm>>)
    %dma_start3A_688 = arith.constant 120 : i32
    %dma_start3A_689 = tpu.memref_slice %arg8[%dma_start3A_688] : memref<384xi32, #tpu.memory_space<vmem>> -> memref<8xi32, #tpu.memory_space<vmem>>
    %dma_start3A_690 = arith.constant 0 : i32
    %dma_start3A_691 = arith.constant 0 : i32
    %dma_start3A_692 = arith.constant 0 : i32
    %dma_start3A_693 = tpu.memref_slice %arg2[%dma_start3A_690, %dma_start3A_691, %dma_start3A_692] : memref<24000x32x128xf32, #tpu.memory_space<hbm>> -> memref<24000x32x128xf32, #tpu.memory_space<hbm>>
    tpu.enqueue_indirect_dma source(%dma_start3A_693 : memref<24000x32x128xf32, #tpu.memory_space<hbm>>) target(%arg9 : memref<8x32x128xf32, #tpu.memory_space<vmem>>) offsets(%dma_start3A_689 : memref<8xi32, #tpu.memory_space<vmem>>) semaphore(%arg12 : memref<!tpu.dma_semaphore, #tpu.memory_space<semaphore_mem>>)
    %dma_wait3A_694 = arith.constant 104 : i32
    %dma_wait3A_695 = tpu.memref_slice %arg8[%dma_wait3A_694] : memref<384xi32, #tpu.memory_space<vmem>> -> memref<8xi32, #tpu.memory_space<vmem>>
    %dma_wait3A_696 = arith.constant 0 : i32
    %dma_wait3A_697 = arith.constant 0 : i32
    %dma_wait3A_698 = arith.constant 0 : i32
    %dma_wait3A_699 = tpu.memref_slice %arg2[%dma_wait3A_696, %dma_wait3A_697, %dma_wait3A_698] : memref<24000x32x128xf32, #tpu.memory_space<hbm>> -> memref<24000x32x128xf32, #tpu.memory_space<hbm>>
    tpu.wait_indirect_dma semaphore(%arg13 : memref<!tpu.dma_semaphore, #tpu.memory_space<semaphore_mem>>) src(%dma_wait3A_699 : memref<24000x32x128xf32, #tpu.memory_space<hbm>>) dst(%arg10 : memref<8x32x128xf32, #tpu.memory_space<vmem>>)
    %add3A_700 = arith.constant 104 : i32
    %add3A_701 = arith.addi %mul3A_2, %add3A_700 : i32
    %dma_start3A_702 = arith.constant 0 : i32
    %dma_start3A_703 = arith.constant 0 : i32
    %dma_start3A_704 = tpu.memref_slice %arg5[%add3A_701, %dma_start3A_702, %dma_start3A_703] : memref<12288x32x128xf32, #tpu.memory_space<hbm>> -> memref<8x32x128xf32, #tpu.memory_space<hbm>>
    %dma_start3A_705 = arith.constant 0 : i32
    %dma_start3A_706 = arith.constant 0 : i32
    %dma_start3A_707 = tpu.memref_slice %arg5[%add3A_701, %dma_start3A_705, %dma_start3A_706] : memref<12288x32x128xf32, #tpu.memory_space<hbm>> -> memref<8x32x128xf32, #tpu.memory_space<hbm>>
    tpu.enqueue_dma source(%arg10 : memref<8x32x128xf32, #tpu.memory_space<vmem>>) target(%dma_start3A_707 : memref<8x32x128xf32, #tpu.memory_space<hbm>>) target_semaphore(%arg16 : memref<!tpu.dma_semaphore, #tpu.memory_space<semaphore_mem>>)
    %dma_wait3A_708 = arith.constant 0 : i32
    %dma_wait3A_709 = arith.constant 0 : i32
    %dma_wait3A_710 = tpu.memref_slice %arg5[%add3A_701, %dma_wait3A_708, %dma_wait3A_709] : memref<12288x32x128xf32, #tpu.memory_space<hbm>> -> memref<8x32x128xf32, #tpu.memory_space<hbm>>
    %dma_wait3A_711 = arith.constant 0 : i32
    %dma_wait3A_712 = arith.constant 0 : i32
    %dma_wait3A_713 = tpu.memref_slice %arg5[%add3A_701, %dma_wait3A_711, %dma_wait3A_712] : memref<12288x32x128xf32, #tpu.memory_space<hbm>> -> memref<8x32x128xf32, #tpu.memory_space<hbm>>
    tpu.wait_dma2 semaphore(%arg16 : memref<!tpu.dma_semaphore, #tpu.memory_space<semaphore_mem>>) src(%arg10 : memref<8x32x128xf32, #tpu.memory_space<vmem>>) dst(%dma_wait3A_713 : memref<8x32x128xf32, #tpu.memory_space<hbm>>)
    %dma_start3A_714 = arith.constant 128 : i32
    %dma_start3A_715 = tpu.memref_slice %arg8[%dma_start3A_714] : memref<384xi32, #tpu.memory_space<vmem>> -> memref<8xi32, #tpu.memory_space<vmem>>
    %dma_start3A_716 = arith.constant 0 : i32
    %dma_start3A_717 = arith.constant 0 : i32
    %dma_start3A_718 = arith.constant 0 : i32
    %dma_start3A_719 = tpu.memref_slice %arg2[%dma_start3A_716, %dma_start3A_717, %dma_start3A_718] : memref<24000x32x128xf32, #tpu.memory_space<hbm>> -> memref<24000x32x128xf32, #tpu.memory_space<hbm>>
    tpu.enqueue_indirect_dma source(%dma_start3A_719 : memref<24000x32x128xf32, #tpu.memory_space<hbm>>) target(%arg10 : memref<8x32x128xf32, #tpu.memory_space<vmem>>) offsets(%dma_start3A_715 : memref<8xi32, #tpu.memory_space<vmem>>) semaphore(%arg13 : memref<!tpu.dma_semaphore, #tpu.memory_space<semaphore_mem>>)
    %dma_wait3A_720 = arith.constant 112 : i32
    %dma_wait3A_721 = tpu.memref_slice %arg8[%dma_wait3A_720] : memref<384xi32, #tpu.memory_space<vmem>> -> memref<8xi32, #tpu.memory_space<vmem>>
    %dma_wait3A_722 = arith.constant 0 : i32
    %dma_wait3A_723 = arith.constant 0 : i32
    %dma_wait3A_724 = arith.constant 0 : i32
    %dma_wait3A_725 = tpu.memref_slice %arg2[%dma_wait3A_722, %dma_wait3A_723, %dma_wait3A_724] : memref<24000x32x128xf32, #tpu.memory_space<hbm>> -> memref<24000x32x128xf32, #tpu.memory_space<hbm>>
    tpu.wait_indirect_dma semaphore(%arg14 : memref<!tpu.dma_semaphore, #tpu.memory_space<semaphore_mem>>) src(%dma_wait3A_725 : memref<24000x32x128xf32, #tpu.memory_space<hbm>>) dst(%arg11 : memref<8x32x128xf32, #tpu.memory_space<vmem>>)
    %add3A_726 = arith.constant 112 : i32
    %add3A_727 = arith.addi %mul3A_2, %add3A_726 : i32
    %dma_start3A_728 = arith.constant 0 : i32
    %dma_start3A_729 = arith.constant 0 : i32
    %dma_start3A_730 = tpu.memref_slice %arg5[%add3A_727, %dma_start3A_728, %dma_start3A_729] : memref<12288x32x128xf32, #tpu.memory_space<hbm>> -> memref<8x32x128xf32, #tpu.memory_space<hbm>>
    %dma_start3A_731 = arith.constant 0 : i32
    %dma_start3A_732 = arith.constant 0 : i32
    %dma_start3A_733 = tpu.memref_slice %arg5[%add3A_727, %dma_start3A_731, %dma_start3A_732] : memref<12288x32x128xf32, #tpu.memory_space<hbm>> -> memref<8x32x128xf32, #tpu.memory_space<hbm>>
    tpu.enqueue_dma source(%arg11 : memref<8x32x128xf32, #tpu.memory_space<vmem>>) target(%dma_start3A_733 : memref<8x32x128xf32, #tpu.memory_space<hbm>>) target_semaphore(%arg17 : memref<!tpu.dma_semaphore, #tpu.memory_space<semaphore_mem>>)
    %dma_wait3A_734 = arith.constant 0 : i32
    %dma_wait3A_735 = arith.constant 0 : i32
    %dma_wait3A_736 = tpu.memref_slice %arg5[%add3A_727, %dma_wait3A_734, %dma_wait3A_735] : memref<12288x32x128xf32, #tpu.memory_space<hbm>> -> memref<8x32x128xf32, #tpu.memory_space<hbm>>
    %dma_wait3A_737 = arith.constant 0 : i32
    %dma_wait3A_738 = arith.constant 0 : i32
    %dma_wait3A_739 = tpu.memref_slice %arg5[%add3A_727, %dma_wait3A_737, %dma_wait3A_738] : memref<12288x32x128xf32, #tpu.memory_space<hbm>> -> memref<8x32x128xf32, #tpu.memory_space<hbm>>
    tpu.wait_dma2 semaphore(%arg17 : memref<!tpu.dma_semaphore, #tpu.memory_space<semaphore_mem>>) src(%arg11 : memref<8x32x128xf32, #tpu.memory_space<vmem>>) dst(%dma_wait3A_739 : memref<8x32x128xf32, #tpu.memory_space<hbm>>)
    %dma_start3A_740 = arith.constant 136 : i32
    %dma_start3A_741 = tpu.memref_slice %arg8[%dma_start3A_740] : memref<384xi32, #tpu.memory_space<vmem>> -> memref<8xi32, #tpu.memory_space<vmem>>
    %dma_start3A_742 = arith.constant 0 : i32
    %dma_start3A_743 = arith.constant 0 : i32
    %dma_start3A_744 = arith.constant 0 : i32
    %dma_start3A_745 = tpu.memref_slice %arg2[%dma_start3A_742, %dma_start3A_743, %dma_start3A_744] : memref<24000x32x128xf32, #tpu.memory_space<hbm>> -> memref<24000x32x128xf32, #tpu.memory_space<hbm>>
    tpu.enqueue_indirect_dma source(%dma_start3A_745 : memref<24000x32x128xf32, #tpu.memory_space<hbm>>) target(%arg11 : memref<8x32x128xf32, #tpu.memory_space<vmem>>) offsets(%dma_start3A_741 : memref<8xi32, #tpu.memory_space<vmem>>) semaphore(%arg14 : memref<!tpu.dma_semaphore, #tpu.memory_space<semaphore_mem>>)
    %dma_wait3A_746 = arith.constant 120 : i32
    %dma_wait3A_747 = tpu.memref_slice %arg8[%dma_wait3A_746] : memref<384xi32, #tpu.memory_space<vmem>> -> memref<8xi32, #tpu.memory_space<vmem>>
    %dma_wait3A_748 = arith.constant 0 : i32
    %dma_wait3A_749 = arith.constant 0 : i32
    %dma_wait3A_750 = arith.constant 0 : i32
    %dma_wait3A_751 = tpu.memref_slice %arg2[%dma_wait3A_748, %dma_wait3A_749, %dma_wait3A_750] : memref<24000x32x128xf32, #tpu.memory_space<hbm>> -> memref<24000x32x128xf32, #tpu.memory_space<hbm>>
    tpu.wait_indirect_dma semaphore(%arg12 : memref<!tpu.dma_semaphore, #tpu.memory_space<semaphore_mem>>) src(%dma_wait3A_751 : memref<24000x32x128xf32, #tpu.memory_space<hbm>>) dst(%arg9 : memref<8x32x128xf32, #tpu.memory_space<vmem>>)
    %add3A_752 = arith.constant 120 : i32
    %add3A_753 = arith.addi %mul3A_2, %add3A_752 : i32
    %dma_start3A_754 = arith.constant 0 : i32
    %dma_start3A_755 = arith.constant 0 : i32
    %dma_start3A_756 = tpu.memref_slice %arg5[%add3A_753, %dma_start3A_754, %dma_start3A_755] : memref<12288x32x128xf32, #tpu.memory_space<hbm>> -> memref<8x32x128xf32, #tpu.memory_space<hbm>>
    %dma_start3A_757 = arith.constant 0 : i32
    %dma_start3A_758 = arith.constant 0 : i32
    %dma_start3A_759 = tpu.memref_slice %arg5[%add3A_753, %dma_start3A_757, %dma_start3A_758] : memref<12288x32x128xf32, #tpu.memory_space<hbm>> -> memref<8x32x128xf32, #tpu.memory_space<hbm>>
    tpu.enqueue_dma source(%arg9 : memref<8x32x128xf32, #tpu.memory_space<vmem>>) target(%dma_start3A_759 : memref<8x32x128xf32, #tpu.memory_space<hbm>>) target_semaphore(%arg15 : memref<!tpu.dma_semaphore, #tpu.memory_space<semaphore_mem>>)
    %dma_wait3A_760 = arith.constant 0 : i32
    %dma_wait3A_761 = arith.constant 0 : i32
    %dma_wait3A_762 = tpu.memref_slice %arg5[%add3A_753, %dma_wait3A_760, %dma_wait3A_761] : memref<12288x32x128xf32, #tpu.memory_space<hbm>> -> memref<8x32x128xf32, #tpu.memory_space<hbm>>
    %dma_wait3A_763 = arith.constant 0 : i32
    %dma_wait3A_764 = arith.constant 0 : i32
    %dma_wait3A_765 = tpu.memref_slice %arg5[%add3A_753, %dma_wait3A_763, %dma_wait3A_764] : memref<12288x32x128xf32, #tpu.memory_space<hbm>> -> memref<8x32x128xf32, #tpu.memory_space<hbm>>
    tpu.wait_dma2 semaphore(%arg15 : memref<!tpu.dma_semaphore, #tpu.memory_space<semaphore_mem>>) src(%arg9 : memref<8x32x128xf32, #tpu.memory_space<vmem>>) dst(%dma_wait3A_765 : memref<8x32x128xf32, #tpu.memory_space<hbm>>)
    %dma_start3A_766 = arith.constant 144 : i32
    %dma_start3A_767 = tpu.memref_slice %arg8[%dma_start3A_766] : memref<384xi32, #tpu.memory_space<vmem>> -> memref<8xi32, #tpu.memory_space<vmem>>
    %dma_start3A_768 = arith.constant 0 : i32
    %dma_start3A_769 = arith.constant 0 : i32
    %dma_start3A_770 = arith.constant 0 : i32
    %dma_start3A_771 = tpu.memref_slice %arg2[%dma_start3A_768, %dma_start3A_769, %dma_start3A_770] : memref<24000x32x128xf32, #tpu.memory_space<hbm>> -> memref<24000x32x128xf32, #tpu.memory_space<hbm>>
    tpu.enqueue_indirect_dma source(%dma_start3A_771 : memref<24000x32x128xf32, #tpu.memory_space<hbm>>) target(%arg9 : memref<8x32x128xf32, #tpu.memory_space<vmem>>) offsets(%dma_start3A_767 : memref<8xi32, #tpu.memory_space<vmem>>) semaphore(%arg12 : memref<!tpu.dma_semaphore, #tpu.memory_space<semaphore_mem>>)
    %dma_wait3A_772 = arith.constant 128 : i32
    %dma_wait3A_773 = tpu.memref_slice %arg8[%dma_wait3A_772] : memref<384xi32, #tpu.memory_space<vmem>> -> memref<8xi32, #tpu.memory_space<vmem>>
    %dma_wait3A_774 = arith.constant 0 : i32
    %dma_wait3A_775 = arith.constant 0 : i32
    %dma_wait3A_776 = arith.constant 0 : i32
    %dma_wait3A_777 = tpu.memref_slice %arg2[%dma_wait3A_774, %dma_wait3A_775, %dma_wait3A_776] : memref<24000x32x128xf32, #tpu.memory_space<hbm>> -> memref<24000x32x128xf32, #tpu.memory_space<hbm>>
    tpu.wait_indirect_dma semaphore(%arg13 : memref<!tpu.dma_semaphore, #tpu.memory_space<semaphore_mem>>) src(%dma_wait3A_777 : memref<24000x32x128xf32, #tpu.memory_space<hbm>>) dst(%arg10 : memref<8x32x128xf32, #tpu.memory_space<vmem>>)
    %add3A_778 = arith.constant 128 : i32
    %add3A_779 = arith.addi %mul3A_2, %add3A_778 : i32
    %dma_start3A_780 = arith.constant 0 : i32
    %dma_start3A_781 = arith.constant 0 : i32
    %dma_start3A_782 = tpu.memref_slice %arg5[%add3A_779, %dma_start3A_780, %dma_start3A_781] : memref<12288x32x128xf32, #tpu.memory_space<hbm>> -> memref<8x32x128xf32, #tpu.memory_space<hbm>>
    %dma_start3A_783 = arith.constant 0 : i32
    %dma_start3A_784 = arith.constant 0 : i32
    %dma_start3A_785 = tpu.memref_slice %arg5[%add3A_779, %dma_start3A_783, %dma_start3A_784] : memref<12288x32x128xf32, #tpu.memory_space<hbm>> -> memref<8x32x128xf32, #tpu.memory_space<hbm>>
    tpu.enqueue_dma source(%arg10 : memref<8x32x128xf32, #tpu.memory_space<vmem>>) target(%dma_start3A_785 : memref<8x32x128xf32, #tpu.memory_space<hbm>>) target_semaphore(%arg16 : memref<!tpu.dma_semaphore, #tpu.memory_space<semaphore_mem>>)
    %dma_wait3A_786 = arith.constant 0 : i32
    %dma_wait3A_787 = arith.constant 0 : i32
    %dma_wait3A_788 = tpu.memref_slice %arg5[%add3A_779, %dma_wait3A_786, %dma_wait3A_787] : memref<12288x32x128xf32, #tpu.memory_space<hbm>> -> memref<8x32x128xf32, #tpu.memory_space<hbm>>
    %dma_wait3A_789 = arith.constant 0 : i32
    %dma_wait3A_790 = arith.constant 0 : i32
    %dma_wait3A_791 = tpu.memref_slice %arg5[%add3A_779, %dma_wait3A_789, %dma_wait3A_790] : memref<12288x32x128xf32, #tpu.memory_space<hbm>> -> memref<8x32x128xf32, #tpu.memory_space<hbm>>
    tpu.wait_dma2 semaphore(%arg16 : memref<!tpu.dma_semaphore, #tpu.memory_space<semaphore_mem>>) src(%arg10 : memref<8x32x128xf32, #tpu.memory_space<vmem>>) dst(%dma_wait3A_791 : memref<8x32x128xf32, #tpu.memory_space<hbm>>)
    %dma_start3A_792 = arith.constant 152 : i32
    %dma_start3A_793 = tpu.memref_slice %arg8[%dma_start3A_792] : memref<384xi32, #tpu.memory_space<vmem>> -> memref<8xi32, #tpu.memory_space<vmem>>
    %dma_start3A_794 = arith.constant 0 : i32
    %dma_start3A_795 = arith.constant 0 : i32
    %dma_start3A_796 = arith.constant 0 : i32
    %dma_start3A_797 = tpu.memref_slice %arg2[%dma_start3A_794, %dma_start3A_795, %dma_start3A_796] : memref<24000x32x128xf32, #tpu.memory_space<hbm>> -> memref<24000x32x128xf32, #tpu.memory_space<hbm>>
    tpu.enqueue_indirect_dma source(%dma_start3A_797 : memref<24000x32x128xf32, #tpu.memory_space<hbm>>) target(%arg10 : memref<8x32x128xf32, #tpu.memory_space<vmem>>) offsets(%dma_start3A_793 : memref<8xi32, #tpu.memory_space<vmem>>) semaphore(%arg13 : memref<!tpu.dma_semaphore, #tpu.memory_space<semaphore_mem>>)
    %dma_wait3A_798 = arith.constant 136 : i32
    %dma_wait3A_799 = tpu.memref_slice %arg8[%dma_wait3A_798] : memref<384xi32, #tpu.memory_space<vmem>> -> memref<8xi32, #tpu.memory_space<vmem>>
    %dma_wait3A_800 = arith.constant 0 : i32
    %dma_wait3A_801 = arith.constant 0 : i32
    %dma_wait3A_802 = arith.constant 0 : i32
    %dma_wait3A_803 = tpu.memref_slice %arg2[%dma_wait3A_800, %dma_wait3A_801, %dma_wait3A_802] : memref<24000x32x128xf32, #tpu.memory_space<hbm>> -> memref<24000x32x128xf32, #tpu.memory_space<hbm>>
    tpu.wait_indirect_dma semaphore(%arg14 : memref<!tpu.dma_semaphore, #tpu.memory_space<semaphore_mem>>) src(%dma_wait3A_803 : memref<24000x32x128xf32, #tpu.memory_space<hbm>>) dst(%arg11 : memref<8x32x128xf32, #tpu.memory_space<vmem>>)
    %add3A_804 = arith.constant 136 : i32
    %add3A_805 = arith.addi %mul3A_2, %add3A_804 : i32
    %dma_start3A_806 = arith.constant 0 : i32
    %dma_start3A_807 = arith.constant 0 : i32
    %dma_start3A_808 = tpu.memref_slice %arg5[%add3A_805, %dma_start3A_806, %dma_start3A_807] : memref<12288x32x128xf32, #tpu.memory_space<hbm>> -> memref<8x32x128xf32, #tpu.memory_space<hbm>>
    %dma_start3A_809 = arith.constant 0 : i32
    %dma_start3A_810 = arith.constant 0 : i32
    %dma_start3A_811 = tpu.memref_slice %arg5[%add3A_805, %dma_start3A_809, %dma_start3A_810] : memref<12288x32x128xf32, #tpu.memory_space<hbm>> -> memref<8x32x128xf32, #tpu.memory_space<hbm>>
    tpu.enqueue_dma source(%arg11 : memref<8x32x128xf32, #tpu.memory_space<vmem>>) target(%dma_start3A_811 : memref<8x32x128xf32, #tpu.memory_space<hbm>>) target_semaphore(%arg17 : memref<!tpu.dma_semaphore, #tpu.memory_space<semaphore_mem>>)
    %dma_wait3A_812 = arith.constant 0 : i32
    %dma_wait3A_813 = arith.constant 0 : i32
    %dma_wait3A_814 = tpu.memref_slice %arg5[%add3A_805, %dma_wait3A_812, %dma_wait3A_813] : memref<12288x32x128xf32, #tpu.memory_space<hbm>> -> memref<8x32x128xf32, #tpu.memory_space<hbm>>
    %dma_wait3A_815 = arith.constant 0 : i32
    %dma_wait3A_816 = arith.constant 0 : i32
    %dma_wait3A_817 = tpu.memref_slice %arg5[%add3A_805, %dma_wait3A_815, %dma_wait3A_816] : memref<12288x32x128xf32, #tpu.memory_space<hbm>> -> memref<8x32x128xf32, #tpu.memory_space<hbm>>
    tpu.wait_dma2 semaphore(%arg17 : memref<!tpu.dma_semaphore, #tpu.memory_space<semaphore_mem>>) src(%arg11 : memref<8x32x128xf32, #tpu.memory_space<vmem>>) dst(%dma_wait3A_817 : memref<8x32x128xf32, #tpu.memory_space<hbm>>)
    %dma_start3A_818 = arith.constant 160 : i32
    %dma_start3A_819 = tpu.memref_slice %arg8[%dma_start3A_818] : memref<384xi32, #tpu.memory_space<vmem>> -> memref<8xi32, #tpu.memory_space<vmem>>
    %dma_start3A_820 = arith.constant 0 : i32
    %dma_start3A_821 = arith.constant 0 : i32
    %dma_start3A_822 = arith.constant 0 : i32
    %dma_start3A_823 = tpu.memref_slice %arg2[%dma_start3A_820, %dma_start3A_821, %dma_start3A_822] : memref<24000x32x128xf32, #tpu.memory_space<hbm>> -> memref<24000x32x128xf32, #tpu.memory_space<hbm>>
    tpu.enqueue_indirect_dma source(%dma_start3A_823 : memref<24000x32x128xf32, #tpu.memory_space<hbm>>) target(%arg11 : memref<8x32x128xf32, #tpu.memory_space<vmem>>) offsets(%dma_start3A_819 : memref<8xi32, #tpu.memory_space<vmem>>) semaphore(%arg14 : memref<!tpu.dma_semaphore, #tpu.memory_space<semaphore_mem>>)
    %dma_wait3A_824 = arith.constant 144 : i32
    %dma_wait3A_825 = tpu.memref_slice %arg8[%dma_wait3A_824] : memref<384xi32, #tpu.memory_space<vmem>> -> memref<8xi32, #tpu.memory_space<vmem>>
    %dma_wait3A_826 = arith.constant 0 : i32
    %dma_wait3A_827 = arith.constant 0 : i32
    %dma_wait3A_828 = arith.constant 0 : i32
    %dma_wait3A_829 = tpu.memref_slice %arg2[%dma_wait3A_826, %dma_wait3A_827, %dma_wait3A_828] : memref<24000x32x128xf32, #tpu.memory_space<hbm>> -> memref<24000x32x128xf32, #tpu.memory_space<hbm>>
    tpu.wait_indirect_dma semaphore(%arg12 : memref<!tpu.dma_semaphore, #tpu.memory_space<semaphore_mem>>) src(%dma_wait3A_829 : memref<24000x32x128xf32, #tpu.memory_space<hbm>>) dst(%arg9 : memref<8x32x128xf32, #tpu.memory_space<vmem>>)
    %add3A_830 = arith.constant 144 : i32
    %add3A_831 = arith.addi %mul3A_2, %add3A_830 : i32
    %dma_start3A_832 = arith.constant 0 : i32
    %dma_start3A_833 = arith.constant 0 : i32
    %dma_start3A_834 = tpu.memref_slice %arg5[%add3A_831, %dma_start3A_832, %dma_start3A_833] : memref<12288x32x128xf32, #tpu.memory_space<hbm>> -> memref<8x32x128xf32, #tpu.memory_space<hbm>>
    %dma_start3A_835 = arith.constant 0 : i32
    %dma_start3A_836 = arith.constant 0 : i32
    %dma_start3A_837 = tpu.memref_slice %arg5[%add3A_831, %dma_start3A_835, %dma_start3A_836] : memref<12288x32x128xf32, #tpu.memory_space<hbm>> -> memref<8x32x128xf32, #tpu.memory_space<hbm>>
    tpu.enqueue_dma source(%arg9 : memref<8x32x128xf32, #tpu.memory_space<vmem>>) target(%dma_start3A_837 : memref<8x32x128xf32, #tpu.memory_space<hbm>>) target_semaphore(%arg15 : memref<!tpu.dma_semaphore, #tpu.memory_space<semaphore_mem>>)
    %dma_wait3A_838 = arith.constant 0 : i32
    %dma_wait3A_839 = arith.constant 0 : i32
    %dma_wait3A_840 = tpu.memref_slice %arg5[%add3A_831, %dma_wait3A_838, %dma_wait3A_839] : memref<12288x32x128xf32, #tpu.memory_space<hbm>> -> memref<8x32x128xf32, #tpu.memory_space<hbm>>
    %dma_wait3A_841 = arith.constant 0 : i32
    %dma_wait3A_842 = arith.constant 0 : i32
    %dma_wait3A_843 = tpu.memref_slice %arg5[%add3A_831, %dma_wait3A_841, %dma_wait3A_842] : memref<12288x32x128xf32, #tpu.memory_space<hbm>> -> memref<8x32x128xf32, #tpu.memory_space<hbm>>
    tpu.wait_dma2 semaphore(%arg15 : memref<!tpu.dma_semaphore, #tpu.memory_space<semaphore_mem>>) src(%arg9 : memref<8x32x128xf32, #tpu.memory_space<vmem>>) dst(%dma_wait3A_843 : memref<8x32x128xf32, #tpu.memory_space<hbm>>)
    %dma_start3A_844 = arith.constant 168 : i32
    %dma_start3A_845 = tpu.memref_slice %arg8[%dma_start3A_844] : memref<384xi32, #tpu.memory_space<vmem>> -> memref<8xi32, #tpu.memory_space<vmem>>
    %dma_start3A_846 = arith.constant 0 : i32
    %dma_start3A_847 = arith.constant 0 : i32
    %dma_start3A_848 = arith.constant 0 : i32
    %dma_start3A_849 = tpu.memref_slice %arg2[%dma_start3A_846, %dma_start3A_847, %dma_start3A_848] : memref<24000x32x128xf32, #tpu.memory_space<hbm>> -> memref<24000x32x128xf32, #tpu.memory_space<hbm>>
    tpu.enqueue_indirect_dma source(%dma_start3A_849 : memref<24000x32x128xf32, #tpu.memory_space<hbm>>) target(%arg9 : memref<8x32x128xf32, #tpu.memory_space<vmem>>) offsets(%dma_start3A_845 : memref<8xi32, #tpu.memory_space<vmem>>) semaphore(%arg12 : memref<!tpu.dma_semaphore, #tpu.memory_space<semaphore_mem>>)
    %dma_wait3A_850 = arith.constant 152 : i32
    %dma_wait3A_851 = tpu.memref_slice %arg8[%dma_wait3A_850] : memref<384xi32, #tpu.memory_space<vmem>> -> memref<8xi32, #tpu.memory_space<vmem>>
    %dma_wait3A_852 = arith.constant 0 : i32
    %dma_wait3A_853 = arith.constant 0 : i32
    %dma_wait3A_854 = arith.constant 0 : i32
    %dma_wait3A_855 = tpu.memref_slice %arg2[%dma_wait3A_852, %dma_wait3A_853, %dma_wait3A_854] : memref<24000x32x128xf32, #tpu.memory_space<hbm>> -> memref<24000x32x128xf32, #tpu.memory_space<hbm>>
    tpu.wait_indirect_dma semaphore(%arg13 : memref<!tpu.dma_semaphore, #tpu.memory_space<semaphore_mem>>) src(%dma_wait3A_855 : memref<24000x32x128xf32, #tpu.memory_space<hbm>>) dst(%arg10 : memref<8x32x128xf32, #tpu.memory_space<vmem>>)
    %add3A_856 = arith.constant 152 : i32
    %add3A_857 = arith.addi %mul3A_2, %add3A_856 : i32
    %dma_start3A_858 = arith.constant 0 : i32
    %dma_start3A_859 = arith.constant 0 : i32
    %dma_start3A_860 = tpu.memref_slice %arg5[%add3A_857, %dma_start3A_858, %dma_start3A_859] : memref<12288x32x128xf32, #tpu.memory_space<hbm>> -> memref<8x32x128xf32, #tpu.memory_space<hbm>>
    %dma_start3A_861 = arith.constant 0 : i32
    %dma_start3A_862 = arith.constant 0 : i32
    %dma_start3A_863 = tpu.memref_slice %arg5[%add3A_857, %dma_start3A_861, %dma_start3A_862] : memref<12288x32x128xf32, #tpu.memory_space<hbm>> -> memref<8x32x128xf32, #tpu.memory_space<hbm>>
    tpu.enqueue_dma source(%arg10 : memref<8x32x128xf32, #tpu.memory_space<vmem>>) target(%dma_start3A_863 : memref<8x32x128xf32, #tpu.memory_space<hbm>>) target_semaphore(%arg16 : memref<!tpu.dma_semaphore, #tpu.memory_space<semaphore_mem>>)
    %dma_wait3A_864 = arith.constant 0 : i32
    %dma_wait3A_865 = arith.constant 0 : i32
    %dma_wait3A_866 = tpu.memref_slice %arg5[%add3A_857, %dma_wait3A_864, %dma_wait3A_865] : memref<12288x32x128xf32, #tpu.memory_space<hbm>> -> memref<8x32x128xf32, #tpu.memory_space<hbm>>
    %dma_wait3A_867 = arith.constant 0 : i32
    %dma_wait3A_868 = arith.constant 0 : i32
    %dma_wait3A_869 = tpu.memref_slice %arg5[%add3A_857, %dma_wait3A_867, %dma_wait3A_868] : memref<12288x32x128xf32, #tpu.memory_space<hbm>> -> memref<8x32x128xf32, #tpu.memory_space<hbm>>
    tpu.wait_dma2 semaphore(%arg16 : memref<!tpu.dma_semaphore, #tpu.memory_space<semaphore_mem>>) src(%arg10 : memref<8x32x128xf32, #tpu.memory_space<vmem>>) dst(%dma_wait3A_869 : memref<8x32x128xf32, #tpu.memory_space<hbm>>)
    %dma_start3A_870 = arith.constant 176 : i32
    %dma_start3A_871 = tpu.memref_slice %arg8[%dma_start3A_870] : memref<384xi32, #tpu.memory_space<vmem>> -> memref<8xi32, #tpu.memory_space<vmem>>
    %dma_start3A_872 = arith.constant 0 : i32
    %dma_start3A_873 = arith.constant 0 : i32
    %dma_start3A_874 = arith.constant 0 : i32
    %dma_start3A_875 = tpu.memref_slice %arg2[%dma_start3A_872, %dma_start3A_873, %dma_start3A_874] : memref<24000x32x128xf32, #tpu.memory_space<hbm>> -> memref<24000x32x128xf32, #tpu.memory_space<hbm>>
    tpu.enqueue_indirect_dma source(%dma_start3A_875 : memref<24000x32x128xf32, #tpu.memory_space<hbm>>) target(%arg10 : memref<8x32x128xf32, #tpu.memory_space<vmem>>) offsets(%dma_start3A_871 : memref<8xi32, #tpu.memory_space<vmem>>) semaphore(%arg13 : memref<!tpu.dma_semaphore, #tpu.memory_space<semaphore_mem>>)
    %dma_wait3A_876 = arith.constant 160 : i32
    %dma_wait3A_877 = tpu.memref_slice %arg8[%dma_wait3A_876] : memref<384xi32, #tpu.memory_space<vmem>> -> memref<8xi32, #tpu.memory_space<vmem>>
    %dma_wait3A_878 = arith.constant 0 : i32
    %dma_wait3A_879 = arith.constant 0 : i32
    %dma_wait3A_880 = arith.constant 0 : i32
    %dma_wait3A_881 = tpu.memref_slice %arg2[%dma_wait3A_878, %dma_wait3A_879, %dma_wait3A_880] : memref<24000x32x128xf32, #tpu.memory_space<hbm>> -> memref<24000x32x128xf32, #tpu.memory_space<hbm>>
    tpu.wait_indirect_dma semaphore(%arg14 : memref<!tpu.dma_semaphore, #tpu.memory_space<semaphore_mem>>) src(%dma_wait3A_881 : memref<24000x32x128xf32, #tpu.memory_space<hbm>>) dst(%arg11 : memref<8x32x128xf32, #tpu.memory_space<vmem>>)
    %add3A_882 = arith.constant 160 : i32
    %add3A_883 = arith.addi %mul3A_2, %add3A_882 : i32
    %dma_start3A_884 = arith.constant 0 : i32
    %dma_start3A_885 = arith.constant 0 : i32
    %dma_start3A_886 = tpu.memref_slice %arg5[%add3A_883, %dma_start3A_884, %dma_start3A_885] : memref<12288x32x128xf32, #tpu.memory_space<hbm>> -> memref<8x32x128xf32, #tpu.memory_space<hbm>>
    %dma_start3A_887 = arith.constant 0 : i32
    %dma_start3A_888 = arith.constant 0 : i32
    %dma_start3A_889 = tpu.memref_slice %arg5[%add3A_883, %dma_start3A_887, %dma_start3A_888] : memref<12288x32x128xf32, #tpu.memory_space<hbm>> -> memref<8x32x128xf32, #tpu.memory_space<hbm>>
    tpu.enqueue_dma source(%arg11 : memref<8x32x128xf32, #tpu.memory_space<vmem>>) target(%dma_start3A_889 : memref<8x32x128xf32, #tpu.memory_space<hbm>>) target_semaphore(%arg17 : memref<!tpu.dma_semaphore, #tpu.memory_space<semaphore_mem>>)
    %dma_wait3A_890 = arith.constant 0 : i32
    %dma_wait3A_891 = arith.constant 0 : i32
    %dma_wait3A_892 = tpu.memref_slice %arg5[%add3A_883, %dma_wait3A_890, %dma_wait3A_891] : memref<12288x32x128xf32, #tpu.memory_space<hbm>> -> memref<8x32x128xf32, #tpu.memory_space<hbm>>
    %dma_wait3A_893 = arith.constant 0 : i32
    %dma_wait3A_894 = arith.constant 0 : i32
    %dma_wait3A_895 = tpu.memref_slice %arg5[%add3A_883, %dma_wait3A_893, %dma_wait3A_894] : memref<12288x32x128xf32, #tpu.memory_space<hbm>> -> memref<8x32x128xf32, #tpu.memory_space<hbm>>
    tpu.wait_dma2 semaphore(%arg17 : memref<!tpu.dma_semaphore, #tpu.memory_space<semaphore_mem>>) src(%arg11 : memref<8x32x128xf32, #tpu.memory_space<vmem>>) dst(%dma_wait3A_895 : memref<8x32x128xf32, #tpu.memory_space<hbm>>)
    %dma_start3A_896 = arith.constant 184 : i32
    %dma_start3A_897 = tpu.memref_slice %arg8[%dma_start3A_896] : memref<384xi32, #tpu.memory_space<vmem>> -> memref<8xi32, #tpu.memory_space<vmem>>
    %dma_start3A_898 = arith.constant 0 : i32
    %dma_start3A_899 = arith.constant 0 : i32
    %dma_start3A_900 = arith.constant 0 : i32
    %dma_start3A_901 = tpu.memref_slice %arg2[%dma_start3A_898, %dma_start3A_899, %dma_start3A_900] : memref<24000x32x128xf32, #tpu.memory_space<hbm>> -> memref<24000x32x128xf32, #tpu.memory_space<hbm>>
    tpu.enqueue_indirect_dma source(%dma_start3A_901 : memref<24000x32x128xf32, #tpu.memory_space<hbm>>) target(%arg11 : memref<8x32x128xf32, #tpu.memory_space<vmem>>) offsets(%dma_start3A_897 : memref<8xi32, #tpu.memory_space<vmem>>) semaphore(%arg14 : memref<!tpu.dma_semaphore, #tpu.memory_space<semaphore_mem>>)
    %dma_wait3A_902 = arith.constant 168 : i32
    %dma_wait3A_903 = tpu.memref_slice %arg8[%dma_wait3A_902] : memref<384xi32, #tpu.memory_space<vmem>> -> memref<8xi32, #tpu.memory_space<vmem>>
    %dma_wait3A_904 = arith.constant 0 : i32
    %dma_wait3A_905 = arith.constant 0 : i32
    %dma_wait3A_906 = arith.constant 0 : i32
    %dma_wait3A_907 = tpu.memref_slice %arg2[%dma_wait3A_904, %dma_wait3A_905, %dma_wait3A_906] : memref<24000x32x128xf32, #tpu.memory_space<hbm>> -> memref<24000x32x128xf32, #tpu.memory_space<hbm>>
    tpu.wait_indirect_dma semaphore(%arg12 : memref<!tpu.dma_semaphore, #tpu.memory_space<semaphore_mem>>) src(%dma_wait3A_907 : memref<24000x32x128xf32, #tpu.memory_space<hbm>>) dst(%arg9 : memref<8x32x128xf32, #tpu.memory_space<vmem>>)
    %add3A_908 = arith.constant 168 : i32
    %add3A_909 = arith.addi %mul3A_2, %add3A_908 : i32
    %dma_start3A_910 = arith.constant 0 : i32
    %dma_start3A_911 = arith.constant 0 : i32
    %dma_start3A_912 = tpu.memref_slice %arg5[%add3A_909, %dma_start3A_910, %dma_start3A_911] : memref<12288x32x128xf32, #tpu.memory_space<hbm>> -> memref<8x32x128xf32, #tpu.memory_space<hbm>>
    %dma_start3A_913 = arith.constant 0 : i32
    %dma_start3A_914 = arith.constant 0 : i32
    %dma_start3A_915 = tpu.memref_slice %arg5[%add3A_909, %dma_start3A_913, %dma_start3A_914] : memref<12288x32x128xf32, #tpu.memory_space<hbm>> -> memref<8x32x128xf32, #tpu.memory_space<hbm>>
    tpu.enqueue_dma source(%arg9 : memref<8x32x128xf32, #tpu.memory_space<vmem>>) target(%dma_start3A_915 : memref<8x32x128xf32, #tpu.memory_space<hbm>>) target_semaphore(%arg15 : memref<!tpu.dma_semaphore, #tpu.memory_space<semaphore_mem>>)
    %dma_wait3A_916 = arith.constant 0 : i32
    %dma_wait3A_917 = arith.constant 0 : i32
    %dma_wait3A_918 = tpu.memref_slice %arg5[%add3A_909, %dma_wait3A_916, %dma_wait3A_917] : memref<12288x32x128xf32, #tpu.memory_space<hbm>> -> memref<8x32x128xf32, #tpu.memory_space<hbm>>
    %dma_wait3A_919 = arith.constant 0 : i32
    %dma_wait3A_920 = arith.constant 0 : i32
    %dma_wait3A_921 = tpu.memref_slice %arg5[%add3A_909, %dma_wait3A_919, %dma_wait3A_920] : memref<12288x32x128xf32, #tpu.memory_space<hbm>> -> memref<8x32x128xf32, #tpu.memory_space<hbm>>
    tpu.wait_dma2 semaphore(%arg15 : memref<!tpu.dma_semaphore, #tpu.memory_space<semaphore_mem>>) src(%arg9 : memref<8x32x128xf32, #tpu.memory_space<vmem>>) dst(%dma_wait3A_921 : memref<8x32x128xf32, #tpu.memory_space<hbm>>)
    %dma_start3A_922 = arith.constant 192 : i32
    %dma_start3A_923 = tpu.memref_slice %arg8[%dma_start3A_922] : memref<384xi32, #tpu.memory_space<vmem>> -> memref<8xi32, #tpu.memory_space<vmem>>
    %dma_start3A_924 = arith.constant 0 : i32
    %dma_start3A_925 = arith.constant 0 : i32
    %dma_start3A_926 = arith.constant 0 : i32
    %dma_start3A_927 = tpu.memref_slice %arg2[%dma_start3A_924, %dma_start3A_925, %dma_start3A_926] : memref<24000x32x128xf32, #tpu.memory_space<hbm>> -> memref<24000x32x128xf32, #tpu.memory_space<hbm>>
    tpu.enqueue_indirect_dma source(%dma_start3A_927 : memref<24000x32x128xf32, #tpu.memory_space<hbm>>) target(%arg9 : memref<8x32x128xf32, #tpu.memory_space<vmem>>) offsets(%dma_start3A_923 : memref<8xi32, #tpu.memory_space<vmem>>) semaphore(%arg12 : memref<!tpu.dma_semaphore, #tpu.memory_space<semaphore_mem>>)
    %dma_wait3A_928 = arith.constant 176 : i32
    %dma_wait3A_929 = tpu.memref_slice %arg8[%dma_wait3A_928] : memref<384xi32, #tpu.memory_space<vmem>> -> memref<8xi32, #tpu.memory_space<vmem>>
    %dma_wait3A_930 = arith.constant 0 : i32
    %dma_wait3A_931 = arith.constant 0 : i32
    %dma_wait3A_932 = arith.constant 0 : i32
    %dma_wait3A_933 = tpu.memref_slice %arg2[%dma_wait3A_930, %dma_wait3A_931, %dma_wait3A_932] : memref<24000x32x128xf32, #tpu.memory_space<hbm>> -> memref<24000x32x128xf32, #tpu.memory_space<hbm>>
    tpu.wait_indirect_dma semaphore(%arg13 : memref<!tpu.dma_semaphore, #tpu.memory_space<semaphore_mem>>) src(%dma_wait3A_933 : memref<24000x32x128xf32, #tpu.memory_space<hbm>>) dst(%arg10 : memref<8x32x128xf32, #tpu.memory_space<vmem>>)
    %add3A_934 = arith.constant 176 : i32
    %add3A_935 = arith.addi %mul3A_2, %add3A_934 : i32
    %dma_start3A_936 = arith.constant 0 : i32
    %dma_start3A_937 = arith.constant 0 : i32
    %dma_start3A_938 = tpu.memref_slice %arg5[%add3A_935, %dma_start3A_936, %dma_start3A_937] : memref<12288x32x128xf32, #tpu.memory_space<hbm>> -> memref<8x32x128xf32, #tpu.memory_space<hbm>>
    %dma_start3A_939 = arith.constant 0 : i32
    %dma_start3A_940 = arith.constant 0 : i32
    %dma_start3A_941 = tpu.memref_slice %arg5[%add3A_935, %dma_start3A_939, %dma_start3A_940] : memref<12288x32x128xf32, #tpu.memory_space<hbm>> -> memref<8x32x128xf32, #tpu.memory_space<hbm>>
    tpu.enqueue_dma source(%arg10 : memref<8x32x128xf32, #tpu.memory_space<vmem>>) target(%dma_start3A_941 : memref<8x32x128xf32, #tpu.memory_space<hbm>>) target_semaphore(%arg16 : memref<!tpu.dma_semaphore, #tpu.memory_space<semaphore_mem>>)
    %dma_wait3A_942 = arith.constant 0 : i32
    %dma_wait3A_943 = arith.constant 0 : i32
    %dma_wait3A_944 = tpu.memref_slice %arg5[%add3A_935, %dma_wait3A_942, %dma_wait3A_943] : memref<12288x32x128xf32, #tpu.memory_space<hbm>> -> memref<8x32x128xf32, #tpu.memory_space<hbm>>
    %dma_wait3A_945 = arith.constant 0 : i32
    %dma_wait3A_946 = arith.constant 0 : i32
    %dma_wait3A_947 = tpu.memref_slice %arg5[%add3A_935, %dma_wait3A_945, %dma_wait3A_946] : memref<12288x32x128xf32, #tpu.memory_space<hbm>> -> memref<8x32x128xf32, #tpu.memory_space<hbm>>
    tpu.wait_dma2 semaphore(%arg16 : memref<!tpu.dma_semaphore, #tpu.memory_space<semaphore_mem>>) src(%arg10 : memref<8x32x128xf32, #tpu.memory_space<vmem>>) dst(%dma_wait3A_947 : memref<8x32x128xf32, #tpu.memory_space<hbm>>)
    %dma_start3A_948 = arith.constant 200 : i32
    %dma_start3A_949 = tpu.memref_slice %arg8[%dma_start3A_948] : memref<384xi32, #tpu.memory_space<vmem>> -> memref<8xi32, #tpu.memory_space<vmem>>
    %dma_start3A_950 = arith.constant 0 : i32
    %dma_start3A_951 = arith.constant 0 : i32
    %dma_start3A_952 = arith.constant 0 : i32
    %dma_start3A_953 = tpu.memref_slice %arg2[%dma_start3A_950, %dma_start3A_951, %dma_start3A_952] : memref<24000x32x128xf32, #tpu.memory_space<hbm>> -> memref<24000x32x128xf32, #tpu.memory_space<hbm>>
    tpu.enqueue_indirect_dma source(%dma_start3A_953 : memref<24000x32x128xf32, #tpu.memory_space<hbm>>) target(%arg10 : memref<8x32x128xf32, #tpu.memory_space<vmem>>) offsets(%dma_start3A_949 : memref<8xi32, #tpu.memory_space<vmem>>) semaphore(%arg13 : memref<!tpu.dma_semaphore, #tpu.memory_space<semaphore_mem>>)
    %dma_wait3A_954 = arith.constant 184 : i32
    %dma_wait3A_955 = tpu.memref_slice %arg8[%dma_wait3A_954] : memref<384xi32, #tpu.memory_space<vmem>> -> memref<8xi32, #tpu.memory_space<vmem>>
    %dma_wait3A_956 = arith.constant 0 : i32
    %dma_wait3A_957 = arith.constant 0 : i32
    %dma_wait3A_958 = arith.constant 0 : i32
    %dma_wait3A_959 = tpu.memref_slice %arg2[%dma_wait3A_956, %dma_wait3A_957, %dma_wait3A_958] : memref<24000x32x128xf32, #tpu.memory_space<hbm>> -> memref<24000x32x128xf32, #tpu.memory_space<hbm>>
    tpu.wait_indirect_dma semaphore(%arg14 : memref<!tpu.dma_semaphore, #tpu.memory_space<semaphore_mem>>) src(%dma_wait3A_959 : memref<24000x32x128xf32, #tpu.memory_space<hbm>>) dst(%arg11 : memref<8x32x128xf32, #tpu.memory_space<vmem>>)
    %add3A_960 = arith.constant 184 : i32
    %add3A_961 = arith.addi %mul3A_2, %add3A_960 : i32
    %dma_start3A_962 = arith.constant 0 : i32
    %dma_start3A_963 = arith.constant 0 : i32
    %dma_start3A_964 = tpu.memref_slice %arg5[%add3A_961, %dma_start3A_962, %dma_start3A_963] : memref<12288x32x128xf32, #tpu.memory_space<hbm>> -> memref<8x32x128xf32, #tpu.memory_space<hbm>>
    %dma_start3A_965 = arith.constant 0 : i32
    %dma_start3A_966 = arith.constant 0 : i32
    %dma_start3A_967 = tpu.memref_slice %arg5[%add3A_961, %dma_start3A_965, %dma_start3A_966] : memref<12288x32x128xf32, #tpu.memory_space<hbm>> -> memref<8x32x128xf32, #tpu.memory_space<hbm>>
    tpu.enqueue_dma source(%arg11 : memref<8x32x128xf32, #tpu.memory_space<vmem>>) target(%dma_start3A_967 : memref<8x32x128xf32, #tpu.memory_space<hbm>>) target_semaphore(%arg17 : memref<!tpu.dma_semaphore, #tpu.memory_space<semaphore_mem>>)
    %dma_wait3A_968 = arith.constant 0 : i32
    %dma_wait3A_969 = arith.constant 0 : i32
    %dma_wait3A_970 = tpu.memref_slice %arg5[%add3A_961, %dma_wait3A_968, %dma_wait3A_969] : memref<12288x32x128xf32, #tpu.memory_space<hbm>> -> memref<8x32x128xf32, #tpu.memory_space<hbm>>
    %dma_wait3A_971 = arith.constant 0 : i32
    %dma_wait3A_972 = arith.constant 0 : i32
    %dma_wait3A_973 = tpu.memref_slice %arg5[%add3A_961, %dma_wait3A_971, %dma_wait3A_972] : memref<12288x32x128xf32, #tpu.memory_space<hbm>> -> memref<8x32x128xf32, #tpu.memory_space<hbm>>
    tpu.wait_dma2 semaphore(%arg17 : memref<!tpu.dma_semaphore, #tpu.memory_space<semaphore_mem>>) src(%arg11 : memref<8x32x128xf32, #tpu.memory_space<vmem>>) dst(%dma_wait3A_973 : memref<8x32x128xf32, #tpu.memory_space<hbm>>)
    %dma_start3A_974 = arith.constant 208 : i32
    %dma_start3A_975 = tpu.memref_slice %arg8[%dma_start3A_974] : memref<384xi32, #tpu.memory_space<vmem>> -> memref<8xi32, #tpu.memory_space<vmem>>
    %dma_start3A_976 = arith.constant 0 : i32
    %dma_start3A_977 = arith.constant 0 : i32
    %dma_start3A_978 = arith.constant 0 : i32
    %dma_start3A_979 = tpu.memref_slice %arg2[%dma_start3A_976, %dma_start3A_977, %dma_start3A_978] : memref<24000x32x128xf32, #tpu.memory_space<hbm>> -> memref<24000x32x128xf32, #tpu.memory_space<hbm>>
    tpu.enqueue_indirect_dma source(%dma_start3A_979 : memref<24000x32x128xf32, #tpu.memory_space<hbm>>) target(%arg11 : memref<8x32x128xf32, #tpu.memory_space<vmem>>) offsets(%dma_start3A_975 : memref<8xi32, #tpu.memory_space<vmem>>) semaphore(%arg14 : memref<!tpu.dma_semaphore, #tpu.memory_space<semaphore_mem>>)
    %dma_wait3A_980 = arith.constant 192 : i32
    %dma_wait3A_981 = tpu.memref_slice %arg8[%dma_wait3A_980] : memref<384xi32, #tpu.memory_space<vmem>> -> memref<8xi32, #tpu.memory_space<vmem>>
    %dma_wait3A_982 = arith.constant 0 : i32
    %dma_wait3A_983 = arith.constant 0 : i32
    %dma_wait3A_984 = arith.constant 0 : i32
    %dma_wait3A_985 = tpu.memref_slice %arg2[%dma_wait3A_982, %dma_wait3A_983, %dma_wait3A_984] : memref<24000x32x128xf32, #tpu.memory_space<hbm>> -> memref<24000x32x128xf32, #tpu.memory_space<hbm>>
    tpu.wait_indirect_dma semaphore(%arg12 : memref<!tpu.dma_semaphore, #tpu.memory_space<semaphore_mem>>) src(%dma_wait3A_985 : memref<24000x32x128xf32, #tpu.memory_space<hbm>>) dst(%arg9 : memref<8x32x128xf32, #tpu.memory_space<vmem>>)
    %add3A_986 = arith.constant 192 : i32
    %add3A_987 = arith.addi %mul3A_2, %add3A_986 : i32
    %dma_start3A_988 = arith.constant 0 : i32
    %dma_start3A_989 = arith.constant 0 : i32
    %dma_start3A_990 = tpu.memref_slice %arg5[%add3A_987, %dma_start3A_988, %dma_start3A_989] : memref<12288x32x128xf32, #tpu.memory_space<hbm>> -> memref<8x32x128xf32, #tpu.memory_space<hbm>>
    %dma_start3A_991 = arith.constant 0 : i32
    %dma_start3A_992 = arith.constant 0 : i32
    %dma_start3A_993 = tpu.memref_slice %arg5[%add3A_987, %dma_start3A_991, %dma_start3A_992] : memref<12288x32x128xf32, #tpu.memory_space<hbm>> -> memref<8x32x128xf32, #tpu.memory_space<hbm>>
    tpu.enqueue_dma source(%arg9 : memref<8x32x128xf32, #tpu.memory_space<vmem>>) target(%dma_start3A_993 : memref<8x32x128xf32, #tpu.memory_space<hbm>>) target_semaphore(%arg15 : memref<!tpu.dma_semaphore, #tpu.memory_space<semaphore_mem>>)
    %dma_wait3A_994 = arith.constant 0 : i32
    %dma_wait3A_995 = arith.constant 0 : i32
    %dma_wait3A_996 = tpu.memref_slice %arg5[%add3A_987, %dma_wait3A_994, %dma_wait3A_995] : memref<12288x32x128xf32, #tpu.memory_space<hbm>> -> memref<8x32x128xf32, #tpu.memory_space<hbm>>
    %dma_wait3A_997 = arith.constant 0 : i32
    %dma_wait3A_998 = arith.constant 0 : i32
    %dma_wait3A_999 = tpu.memref_slice %arg5[%add3A_987, %dma_wait3A_997, %dma_wait3A_998] : memref<12288x32x128xf32, #tpu.memory_space<hbm>> -> memref<8x32x128xf32, #tpu.memory_space<hbm>>
    tpu.wait_dma2 semaphore(%arg15 : memref<!tpu.dma_semaphore, #tpu.memory_space<semaphore_mem>>) src(%arg9 : memref<8x32x128xf32, #tpu.memory_space<vmem>>) dst(%dma_wait3A_999 : memref<8x32x128xf32, #tpu.memory_space<hbm>>)
    %dma_start3A_1000 = arith.constant 216 : i32
    %dma_start3A_1001 = tpu.memref_slice %arg8[%dma_start3A_1000] : memref<384xi32, #tpu.memory_space<vmem>> -> memref<8xi32, #tpu.memory_space<vmem>>
    %dma_start3A_1002 = arith.constant 0 : i32
    %dma_start3A_1003 = arith.constant 0 : i32
    %dma_start3A_1004 = arith.constant 0 : i32
    %dma_start3A_1005 = tpu.memref_slice %arg2[%dma_start3A_1002, %dma_start3A_1003, %dma_start3A_1004] : memref<24000x32x128xf32, #tpu.memory_space<hbm>> -> memref<24000x32x128xf32, #tpu.memory_space<hbm>>
    tpu.enqueue_indirect_dma source(%dma_start3A_1005 : memref<24000x32x128xf32, #tpu.memory_space<hbm>>) target(%arg9 : memref<8x32x128xf32, #tpu.memory_space<vmem>>) offsets(%dma_start3A_1001 : memref<8xi32, #tpu.memory_space<vmem>>) semaphore(%arg12 : memref<!tpu.dma_semaphore, #tpu.memory_space<semaphore_mem>>)
    %dma_wait3A_1006 = arith.constant 200 : i32
    %dma_wait3A_1007 = tpu.memref_slice %arg8[%dma_wait3A_1006] : memref<384xi32, #tpu.memory_space<vmem>> -> memref<8xi32, #tpu.memory_space<vmem>>
    %dma_wait3A_1008 = arith.constant 0 : i32
    %dma_wait3A_1009 = arith.constant 0 : i32
    %dma_wait3A_1010 = arith.constant 0 : i32
    %dma_wait3A_1011 = tpu.memref_slice %arg2[%dma_wait3A_1008, %dma_wait3A_1009, %dma_wait3A_1010] : memref<24000x32x128xf32, #tpu.memory_space<hbm>> -> memref<24000x32x128xf32, #tpu.memory_space<hbm>>
    tpu.wait_indirect_dma semaphore(%arg13 : memref<!tpu.dma_semaphore, #tpu.memory_space<semaphore_mem>>) src(%dma_wait3A_1011 : memref<24000x32x128xf32, #tpu.memory_space<hbm>>) dst(%arg10 : memref<8x32x128xf32, #tpu.memory_space<vmem>>)
    %add3A_1012 = arith.constant 200 : i32
    %add3A_1013 = arith.addi %mul3A_2, %add3A_1012 : i32
    %dma_start3A_1014 = arith.constant 0 : i32
    %dma_start3A_1015 = arith.constant 0 : i32
    %dma_start3A_1016 = tpu.memref_slice %arg5[%add3A_1013, %dma_start3A_1014, %dma_start3A_1015] : memref<12288x32x128xf32, #tpu.memory_space<hbm>> -> memref<8x32x128xf32, #tpu.memory_space<hbm>>
    %dma_start3A_1017 = arith.constant 0 : i32
    %dma_start3A_1018 = arith.constant 0 : i32
    %dma_start3A_1019 = tpu.memref_slice %arg5[%add3A_1013, %dma_start3A_1017, %dma_start3A_1018] : memref<12288x32x128xf32, #tpu.memory_space<hbm>> -> memref<8x32x128xf32, #tpu.memory_space<hbm>>
    tpu.enqueue_dma source(%arg10 : memref<8x32x128xf32, #tpu.memory_space<vmem>>) target(%dma_start3A_1019 : memref<8x32x128xf32, #tpu.memory_space<hbm>>) target_semaphore(%arg16 : memref<!tpu.dma_semaphore, #tpu.memory_space<semaphore_mem>>)
    %dma_wait3A_1020 = arith.constant 0 : i32
    %dma_wait3A_1021 = arith.constant 0 : i32
    %dma_wait3A_1022 = tpu.memref_slice %arg5[%add3A_1013, %dma_wait3A_1020, %dma_wait3A_1021] : memref<12288x32x128xf32, #tpu.memory_space<hbm>> -> memref<8x32x128xf32, #tpu.memory_space<hbm>>
    %dma_wait3A_1023 = arith.constant 0 : i32
    %dma_wait3A_1024 = arith.constant 0 : i32
    %dma_wait3A_1025 = tpu.memref_slice %arg5[%add3A_1013, %dma_wait3A_1023, %dma_wait3A_1024] : memref<12288x32x128xf32, #tpu.memory_space<hbm>> -> memref<8x32x128xf32, #tpu.memory_space<hbm>>
    tpu.wait_dma2 semaphore(%arg16 : memref<!tpu.dma_semaphore, #tpu.memory_space<semaphore_mem>>) src(%arg10 : memref<8x32x128xf32, #tpu.memory_space<vmem>>) dst(%dma_wait3A_1025 : memref<8x32x128xf32, #tpu.memory_space<hbm>>)
    %dma_start3A_1026 = arith.constant 224 : i32
    %dma_start3A_1027 = tpu.memref_slice %arg8[%dma_start3A_1026] : memref<384xi32, #tpu.memory_space<vmem>> -> memref<8xi32, #tpu.memory_space<vmem>>
    %dma_start3A_1028 = arith.constant 0 : i32
    %dma_start3A_1029 = arith.constant 0 : i32
    %dma_start3A_1030 = arith.constant 0 : i32
    %dma_start3A_1031 = tpu.memref_slice %arg2[%dma_start3A_1028, %dma_start3A_1029, %dma_start3A_1030] : memref<24000x32x128xf32, #tpu.memory_space<hbm>> -> memref<24000x32x128xf32, #tpu.memory_space<hbm>>
    tpu.enqueue_indirect_dma source(%dma_start3A_1031 : memref<24000x32x128xf32, #tpu.memory_space<hbm>>) target(%arg10 : memref<8x32x128xf32, #tpu.memory_space<vmem>>) offsets(%dma_start3A_1027 : memref<8xi32, #tpu.memory_space<vmem>>) semaphore(%arg13 : memref<!tpu.dma_semaphore, #tpu.memory_space<semaphore_mem>>)
    %dma_wait3A_1032 = arith.constant 208 : i32
    %dma_wait3A_1033 = tpu.memref_slice %arg8[%dma_wait3A_1032] : memref<384xi32, #tpu.memory_space<vmem>> -> memref<8xi32, #tpu.memory_space<vmem>>
    %dma_wait3A_1034 = arith.constant 0 : i32
    %dma_wait3A_1035 = arith.constant 0 : i32
    %dma_wait3A_1036 = arith.constant 0 : i32
    %dma_wait3A_1037 = tpu.memref_slice %arg2[%dma_wait3A_1034, %dma_wait3A_1035, %dma_wait3A_1036] : memref<24000x32x128xf32, #tpu.memory_space<hbm>> -> memref<24000x32x128xf32, #tpu.memory_space<hbm>>
    tpu.wait_indirect_dma semaphore(%arg14 : memref<!tpu.dma_semaphore, #tpu.memory_space<semaphore_mem>>) src(%dma_wait3A_1037 : memref<24000x32x128xf32, #tpu.memory_space<hbm>>) dst(%arg11 : memref<8x32x128xf32, #tpu.memory_space<vmem>>)
    %add3A_1038 = arith.constant 208 : i32
    %add3A_1039 = arith.addi %mul3A_2, %add3A_1038 : i32
    %dma_start3A_1040 = arith.constant 0 : i32
    %dma_start3A_1041 = arith.constant 0 : i32
    %dma_start3A_1042 = tpu.memref_slice %arg5[%add3A_1039, %dma_start3A_1040, %dma_start3A_1041] : memref<12288x32x128xf32, #tpu.memory_space<hbm>> -> memref<8x32x128xf32, #tpu.memory_space<hbm>>
    %dma_start3A_1043 = arith.constant 0 : i32
    %dma_start3A_1044 = arith.constant 0 : i32
    %dma_start3A_1045 = tpu.memref_slice %arg5[%add3A_1039, %dma_start3A_1043, %dma_start3A_1044] : memref<12288x32x128xf32, #tpu.memory_space<hbm>> -> memref<8x32x128xf32, #tpu.memory_space<hbm>>
    tpu.enqueue_dma source(%arg11 : memref<8x32x128xf32, #tpu.memory_space<vmem>>) target(%dma_start3A_1045 : memref<8x32x128xf32, #tpu.memory_space<hbm>>) target_semaphore(%arg17 : memref<!tpu.dma_semaphore, #tpu.memory_space<semaphore_mem>>)
    %dma_wait3A_1046 = arith.constant 0 : i32
    %dma_wait3A_1047 = arith.constant 0 : i32
    %dma_wait3A_1048 = tpu.memref_slice %arg5[%add3A_1039, %dma_wait3A_1046, %dma_wait3A_1047] : memref<12288x32x128xf32, #tpu.memory_space<hbm>> -> memref<8x32x128xf32, #tpu.memory_space<hbm>>
    %dma_wait3A_1049 = arith.constant 0 : i32
    %dma_wait3A_1050 = arith.constant 0 : i32
    %dma_wait3A_1051 = tpu.memref_slice %arg5[%add3A_1039, %dma_wait3A_1049, %dma_wait3A_1050] : memref<12288x32x128xf32, #tpu.memory_space<hbm>> -> memref<8x32x128xf32, #tpu.memory_space<hbm>>
    tpu.wait_dma2 semaphore(%arg17 : memref<!tpu.dma_semaphore, #tpu.memory_space<semaphore_mem>>) src(%arg11 : memref<8x32x128xf32, #tpu.memory_space<vmem>>) dst(%dma_wait3A_1051 : memref<8x32x128xf32, #tpu.memory_space<hbm>>)
    %dma_start3A_1052 = arith.constant 232 : i32
    %dma_start3A_1053 = tpu.memref_slice %arg8[%dma_start3A_1052] : memref<384xi32, #tpu.memory_space<vmem>> -> memref<8xi32, #tpu.memory_space<vmem>>
    %dma_start3A_1054 = arith.constant 0 : i32
    %dma_start3A_1055 = arith.constant 0 : i32
    %dma_start3A_1056 = arith.constant 0 : i32
    %dma_start3A_1057 = tpu.memref_slice %arg2[%dma_start3A_1054, %dma_start3A_1055, %dma_start3A_1056] : memref<24000x32x128xf32, #tpu.memory_space<hbm>> -> memref<24000x32x128xf32, #tpu.memory_space<hbm>>
    tpu.enqueue_indirect_dma source(%dma_start3A_1057 : memref<24000x32x128xf32, #tpu.memory_space<hbm>>) target(%arg11 : memref<8x32x128xf32, #tpu.memory_space<vmem>>) offsets(%dma_start3A_1053 : memref<8xi32, #tpu.memory_space<vmem>>) semaphore(%arg14 : memref<!tpu.dma_semaphore, #tpu.memory_space<semaphore_mem>>)
    %dma_wait3A_1058 = arith.constant 216 : i32
    %dma_wait3A_1059 = tpu.memref_slice %arg8[%dma_wait3A_1058] : memref<384xi32, #tpu.memory_space<vmem>> -> memref<8xi32, #tpu.memory_space<vmem>>
    %dma_wait3A_1060 = arith.constant 0 : i32
    %dma_wait3A_1061 = arith.constant 0 : i32
    %dma_wait3A_1062 = arith.constant 0 : i32
    %dma_wait3A_1063 = tpu.memref_slice %arg2[%dma_wait3A_1060, %dma_wait3A_1061, %dma_wait3A_1062] : memref<24000x32x128xf32, #tpu.memory_space<hbm>> -> memref<24000x32x128xf32, #tpu.memory_space<hbm>>
    tpu.wait_indirect_dma semaphore(%arg12 : memref<!tpu.dma_semaphore, #tpu.memory_space<semaphore_mem>>) src(%dma_wait3A_1063 : memref<24000x32x128xf32, #tpu.memory_space<hbm>>) dst(%arg9 : memref<8x32x128xf32, #tpu.memory_space<vmem>>)
    %add3A_1064 = arith.constant 216 : i32
    %add3A_1065 = arith.addi %mul3A_2, %add3A_1064 : i32
    %dma_start3A_1066 = arith.constant 0 : i32
    %dma_start3A_1067 = arith.constant 0 : i32
    %dma_start3A_1068 = tpu.memref_slice %arg5[%add3A_1065, %dma_start3A_1066, %dma_start3A_1067] : memref<12288x32x128xf32, #tpu.memory_space<hbm>> -> memref<8x32x128xf32, #tpu.memory_space<hbm>>
    %dma_start3A_1069 = arith.constant 0 : i32
    %dma_start3A_1070 = arith.constant 0 : i32
    %dma_start3A_1071 = tpu.memref_slice %arg5[%add3A_1065, %dma_start3A_1069, %dma_start3A_1070] : memref<12288x32x128xf32, #tpu.memory_space<hbm>> -> memref<8x32x128xf32, #tpu.memory_space<hbm>>
    tpu.enqueue_dma source(%arg9 : memref<8x32x128xf32, #tpu.memory_space<vmem>>) target(%dma_start3A_1071 : memref<8x32x128xf32, #tpu.memory_space<hbm>>) target_semaphore(%arg15 : memref<!tpu.dma_semaphore, #tpu.memory_space<semaphore_mem>>)
    %dma_wait3A_1072 = arith.constant 0 : i32
    %dma_wait3A_1073 = arith.constant 0 : i32
    %dma_wait3A_1074 = tpu.memref_slice %arg5[%add3A_1065, %dma_wait3A_1072, %dma_wait3A_1073] : memref<12288x32x128xf32, #tpu.memory_space<hbm>> -> memref<8x32x128xf32, #tpu.memory_space<hbm>>
    %dma_wait3A_1075 = arith.constant 0 : i32
    %dma_wait3A_1076 = arith.constant 0 : i32
    %dma_wait3A_1077 = tpu.memref_slice %arg5[%add3A_1065, %dma_wait3A_1075, %dma_wait3A_1076] : memref<12288x32x128xf32, #tpu.memory_space<hbm>> -> memref<8x32x128xf32, #tpu.memory_space<hbm>>
    tpu.wait_dma2 semaphore(%arg15 : memref<!tpu.dma_semaphore, #tpu.memory_space<semaphore_mem>>) src(%arg9 : memref<8x32x128xf32, #tpu.memory_space<vmem>>) dst(%dma_wait3A_1077 : memref<8x32x128xf32, #tpu.memory_space<hbm>>)
    %dma_start3A_1078 = arith.constant 240 : i32
    %dma_start3A_1079 = tpu.memref_slice %arg8[%dma_start3A_1078] : memref<384xi32, #tpu.memory_space<vmem>> -> memref<8xi32, #tpu.memory_space<vmem>>
    %dma_start3A_1080 = arith.constant 0 : i32
    %dma_start3A_1081 = arith.constant 0 : i32
    %dma_start3A_1082 = arith.constant 0 : i32
    %dma_start3A_1083 = tpu.memref_slice %arg2[%dma_start3A_1080, %dma_start3A_1081, %dma_start3A_1082] : memref<24000x32x128xf32, #tpu.memory_space<hbm>> -> memref<24000x32x128xf32, #tpu.memory_space<hbm>>
    tpu.enqueue_indirect_dma source(%dma_start3A_1083 : memref<24000x32x128xf32, #tpu.memory_space<hbm>>) target(%arg9 : memref<8x32x128xf32, #tpu.memory_space<vmem>>) offsets(%dma_start3A_1079 : memref<8xi32, #tpu.memory_space<vmem>>) semaphore(%arg12 : memref<!tpu.dma_semaphore, #tpu.memory_space<semaphore_mem>>)
    %dma_wait3A_1084 = arith.constant 224 : i32
    %dma_wait3A_1085 = tpu.memref_slice %arg8[%dma_wait3A_1084] : memref<384xi32, #tpu.memory_space<vmem>> -> memref<8xi32, #tpu.memory_space<vmem>>
    %dma_wait3A_1086 = arith.constant 0 : i32
    %dma_wait3A_1087 = arith.constant 0 : i32
    %dma_wait3A_1088 = arith.constant 0 : i32
    %dma_wait3A_1089 = tpu.memref_slice %arg2[%dma_wait3A_1086, %dma_wait3A_1087, %dma_wait3A_1088] : memref<24000x32x128xf32, #tpu.memory_space<hbm>> -> memref<24000x32x128xf32, #tpu.memory_space<hbm>>
    tpu.wait_indirect_dma semaphore(%arg13 : memref<!tpu.dma_semaphore, #tpu.memory_space<semaphore_mem>>) src(%dma_wait3A_1089 : memref<24000x32x128xf32, #tpu.memory_space<hbm>>) dst(%arg10 : memref<8x32x128xf32, #tpu.memory_space<vmem>>)
    %add3A_1090 = arith.constant 224 : i32
    %add3A_1091 = arith.addi %mul3A_2, %add3A_1090 : i32
    %dma_start3A_1092 = arith.constant 0 : i32
    %dma_start3A_1093 = arith.constant 0 : i32
    %dma_start3A_1094 = tpu.memref_slice %arg5[%add3A_1091, %dma_start3A_1092, %dma_start3A_1093] : memref<12288x32x128xf32, #tpu.memory_space<hbm>> -> memref<8x32x128xf32, #tpu.memory_space<hbm>>
    %dma_start3A_1095 = arith.constant 0 : i32
    %dma_start3A_1096 = arith.constant 0 : i32
    %dma_start3A_1097 = tpu.memref_slice %arg5[%add3A_1091, %dma_start3A_1095, %dma_start3A_1096] : memref<12288x32x128xf32, #tpu.memory_space<hbm>> -> memref<8x32x128xf32, #tpu.memory_space<hbm>>
    tpu.enqueue_dma source(%arg10 : memref<8x32x128xf32, #tpu.memory_space<vmem>>) target(%dma_start3A_1097 : memref<8x32x128xf32, #tpu.memory_space<hbm>>) target_semaphore(%arg16 : memref<!tpu.dma_semaphore, #tpu.memory_space<semaphore_mem>>)
    %dma_wait3A_1098 = arith.constant 0 : i32
    %dma_wait3A_1099 = arith.constant 0 : i32
    %dma_wait3A_1100 = tpu.memref_slice %arg5[%add3A_1091, %dma_wait3A_1098, %dma_wait3A_1099] : memref<12288x32x128xf32, #tpu.memory_space<hbm>> -> memref<8x32x128xf32, #tpu.memory_space<hbm>>
    %dma_wait3A_1101 = arith.constant 0 : i32
    %dma_wait3A_1102 = arith.constant 0 : i32
    %dma_wait3A_1103 = tpu.memref_slice %arg5[%add3A_1091, %dma_wait3A_1101, %dma_wait3A_1102] : memref<12288x32x128xf32, #tpu.memory_space<hbm>> -> memref<8x32x128xf32, #tpu.memory_space<hbm>>
    tpu.wait_dma2 semaphore(%arg16 : memref<!tpu.dma_semaphore, #tpu.memory_space<semaphore_mem>>) src(%arg10 : memref<8x32x128xf32, #tpu.memory_space<vmem>>) dst(%dma_wait3A_1103 : memref<8x32x128xf32, #tpu.memory_space<hbm>>)
    %dma_start3A_1104 = arith.constant 248 : i32
    %dma_start3A_1105 = tpu.memref_slice %arg8[%dma_start3A_1104] : memref<384xi32, #tpu.memory_space<vmem>> -> memref<8xi32, #tpu.memory_space<vmem>>
    %dma_start3A_1106 = arith.constant 0 : i32
    %dma_start3A_1107 = arith.constant 0 : i32
    %dma_start3A_1108 = arith.constant 0 : i32
    %dma_start3A_1109 = tpu.memref_slice %arg2[%dma_start3A_1106, %dma_start3A_1107, %dma_start3A_1108] : memref<24000x32x128xf32, #tpu.memory_space<hbm>> -> memref<24000x32x128xf32, #tpu.memory_space<hbm>>
    tpu.enqueue_indirect_dma source(%dma_start3A_1109 : memref<24000x32x128xf32, #tpu.memory_space<hbm>>) target(%arg10 : memref<8x32x128xf32, #tpu.memory_space<vmem>>) offsets(%dma_start3A_1105 : memref<8xi32, #tpu.memory_space<vmem>>) semaphore(%arg13 : memref<!tpu.dma_semaphore, #tpu.memory_space<semaphore_mem>>)
    %dma_wait3A_1110 = arith.constant 232 : i32
    %dma_wait3A_1111 = tpu.memref_slice %arg8[%dma_wait3A_1110] : memref<384xi32, #tpu.memory_space<vmem>> -> memref<8xi32, #tpu.memory_space<vmem>>
    %dma_wait3A_1112 = arith.constant 0 : i32
    %dma_wait3A_1113 = arith.constant 0 : i32
    %dma_wait3A_1114 = arith.constant 0 : i32
    %dma_wait3A_1115 = tpu.memref_slice %arg2[%dma_wait3A_1112, %dma_wait3A_1113, %dma_wait3A_1114] : memref<24000x32x128xf32, #tpu.memory_space<hbm>> -> memref<24000x32x128xf32, #tpu.memory_space<hbm>>
    tpu.wait_indirect_dma semaphore(%arg14 : memref<!tpu.dma_semaphore, #tpu.memory_space<semaphore_mem>>) src(%dma_wait3A_1115 : memref<24000x32x128xf32, #tpu.memory_space<hbm>>) dst(%arg11 : memref<8x32x128xf32, #tpu.memory_space<vmem>>)
    %add3A_1116 = arith.constant 232 : i32
    %add3A_1117 = arith.addi %mul3A_2, %add3A_1116 : i32
    %dma_start3A_1118 = arith.constant 0 : i32
    %dma_start3A_1119 = arith.constant 0 : i32
    %dma_start3A_1120 = tpu.memref_slice %arg5[%add3A_1117, %dma_start3A_1118, %dma_start3A_1119] : memref<12288x32x128xf32, #tpu.memory_space<hbm>> -> memref<8x32x128xf32, #tpu.memory_space<hbm>>
    %dma_start3A_1121 = arith.constant 0 : i32
    %dma_start3A_1122 = arith.constant 0 : i32
    %dma_start3A_1123 = tpu.memref_slice %arg5[%add3A_1117, %dma_start3A_1121, %dma_start3A_1122] : memref<12288x32x128xf32, #tpu.memory_space<hbm>> -> memref<8x32x128xf32, #tpu.memory_space<hbm>>
    tpu.enqueue_dma source(%arg11 : memref<8x32x128xf32, #tpu.memory_space<vmem>>) target(%dma_start3A_1123 : memref<8x32x128xf32, #tpu.memory_space<hbm>>) target_semaphore(%arg17 : memref<!tpu.dma_semaphore, #tpu.memory_space<semaphore_mem>>)
    %dma_wait3A_1124 = arith.constant 0 : i32
    %dma_wait3A_1125 = arith.constant 0 : i32
    %dma_wait3A_1126 = tpu.memref_slice %arg5[%add3A_1117, %dma_wait3A_1124, %dma_wait3A_1125] : memref<12288x32x128xf32, #tpu.memory_space<hbm>> -> memref<8x32x128xf32, #tpu.memory_space<hbm>>
    %dma_wait3A_1127 = arith.constant 0 : i32
    %dma_wait3A_1128 = arith.constant 0 : i32
    %dma_wait3A_1129 = tpu.memref_slice %arg5[%add3A_1117, %dma_wait3A_1127, %dma_wait3A_1128] : memref<12288x32x128xf32, #tpu.memory_space<hbm>> -> memref<8x32x128xf32, #tpu.memory_space<hbm>>
    tpu.wait_dma2 semaphore(%arg17 : memref<!tpu.dma_semaphore, #tpu.memory_space<semaphore_mem>>) src(%arg11 : memref<8x32x128xf32, #tpu.memory_space<vmem>>) dst(%dma_wait3A_1129 : memref<8x32x128xf32, #tpu.memory_space<hbm>>)
    %dma_start3A_1130 = arith.constant 256 : i32
    %dma_start3A_1131 = tpu.memref_slice %arg8[%dma_start3A_1130] : memref<384xi32, #tpu.memory_space<vmem>> -> memref<8xi32, #tpu.memory_space<vmem>>
    %dma_start3A_1132 = arith.constant 0 : i32
    %dma_start3A_1133 = arith.constant 0 : i32
    %dma_start3A_1134 = arith.constant 0 : i32
    %dma_start3A_1135 = tpu.memref_slice %arg2[%dma_start3A_1132, %dma_start3A_1133, %dma_start3A_1134] : memref<24000x32x128xf32, #tpu.memory_space<hbm>> -> memref<24000x32x128xf32, #tpu.memory_space<hbm>>
    tpu.enqueue_indirect_dma source(%dma_start3A_1135 : memref<24000x32x128xf32, #tpu.memory_space<hbm>>) target(%arg11 : memref<8x32x128xf32, #tpu.memory_space<vmem>>) offsets(%dma_start3A_1131 : memref<8xi32, #tpu.memory_space<vmem>>) semaphore(%arg14 : memref<!tpu.dma_semaphore, #tpu.memory_space<semaphore_mem>>)
    %dma_wait3A_1136 = arith.constant 240 : i32
    %dma_wait3A_1137 = tpu.memref_slice %arg8[%dma_wait3A_1136] : memref<384xi32, #tpu.memory_space<vmem>> -> memref<8xi32, #tpu.memory_space<vmem>>
    %dma_wait3A_1138 = arith.constant 0 : i32
    %dma_wait3A_1139 = arith.constant 0 : i32
    %dma_wait3A_1140 = arith.constant 0 : i32
    %dma_wait3A_1141 = tpu.memref_slice %arg2[%dma_wait3A_1138, %dma_wait3A_1139, %dma_wait3A_1140] : memref<24000x32x128xf32, #tpu.memory_space<hbm>> -> memref<24000x32x128xf32, #tpu.memory_space<hbm>>
    tpu.wait_indirect_dma semaphore(%arg12 : memref<!tpu.dma_semaphore, #tpu.memory_space<semaphore_mem>>) src(%dma_wait3A_1141 : memref<24000x32x128xf32, #tpu.memory_space<hbm>>) dst(%arg9 : memref<8x32x128xf32, #tpu.memory_space<vmem>>)
    %add3A_1142 = arith.constant 240 : i32
    %add3A_1143 = arith.addi %mul3A_2, %add3A_1142 : i32
    %dma_start3A_1144 = arith.constant 0 : i32
    %dma_start3A_1145 = arith.constant 0 : i32
    %dma_start3A_1146 = tpu.memref_slice %arg5[%add3A_1143, %dma_start3A_1144, %dma_start3A_1145] : memref<12288x32x128xf32, #tpu.memory_space<hbm>> -> memref<8x32x128xf32, #tpu.memory_space<hbm>>
    %dma_start3A_1147 = arith.constant 0 : i32
    %dma_start3A_1148 = arith.constant 0 : i32
    %dma_start3A_1149 = tpu.memref_slice %arg5[%add3A_1143, %dma_start3A_1147, %dma_start3A_1148] : memref<12288x32x128xf32, #tpu.memory_space<hbm>> -> memref<8x32x128xf32, #tpu.memory_space<hbm>>
    tpu.enqueue_dma source(%arg9 : memref<8x32x128xf32, #tpu.memory_space<vmem>>) target(%dma_start3A_1149 : memref<8x32x128xf32, #tpu.memory_space<hbm>>) target_semaphore(%arg15 : memref<!tpu.dma_semaphore, #tpu.memory_space<semaphore_mem>>)
    %dma_wait3A_1150 = arith.constant 0 : i32
    %dma_wait3A_1151 = arith.constant 0 : i32
    %dma_wait3A_1152 = tpu.memref_slice %arg5[%add3A_1143, %dma_wait3A_1150, %dma_wait3A_1151] : memref<12288x32x128xf32, #tpu.memory_space<hbm>> -> memref<8x32x128xf32, #tpu.memory_space<hbm>>
    %dma_wait3A_1153 = arith.constant 0 : i32
    %dma_wait3A_1154 = arith.constant 0 : i32
    %dma_wait3A_1155 = tpu.memref_slice %arg5[%add3A_1143, %dma_wait3A_1153, %dma_wait3A_1154] : memref<12288x32x128xf32, #tpu.memory_space<hbm>> -> memref<8x32x128xf32, #tpu.memory_space<hbm>>
    tpu.wait_dma2 semaphore(%arg15 : memref<!tpu.dma_semaphore, #tpu.memory_space<semaphore_mem>>) src(%arg9 : memref<8x32x128xf32, #tpu.memory_space<vmem>>) dst(%dma_wait3A_1155 : memref<8x32x128xf32, #tpu.memory_space<hbm>>)
    %dma_start3A_1156 = arith.constant 264 : i32
    %dma_start3A_1157 = tpu.memref_slice %arg8[%dma_start3A_1156] : memref<384xi32, #tpu.memory_space<vmem>> -> memref<8xi32, #tpu.memory_space<vmem>>
    %dma_start3A_1158 = arith.constant 0 : i32
    %dma_start3A_1159 = arith.constant 0 : i32
    %dma_start3A_1160 = arith.constant 0 : i32
    %dma_start3A_1161 = tpu.memref_slice %arg2[%dma_start3A_1158, %dma_start3A_1159, %dma_start3A_1160] : memref<24000x32x128xf32, #tpu.memory_space<hbm>> -> memref<24000x32x128xf32, #tpu.memory_space<hbm>>
    tpu.enqueue_indirect_dma source(%dma_start3A_1161 : memref<24000x32x128xf32, #tpu.memory_space<hbm>>) target(%arg9 : memref<8x32x128xf32, #tpu.memory_space<vmem>>) offsets(%dma_start3A_1157 : memref<8xi32, #tpu.memory_space<vmem>>) semaphore(%arg12 : memref<!tpu.dma_semaphore, #tpu.memory_space<semaphore_mem>>)
    %dma_wait3A_1162 = arith.constant 248 : i32
    %dma_wait3A_1163 = tpu.memref_slice %arg8[%dma_wait3A_1162] : memref<384xi32, #tpu.memory_space<vmem>> -> memref<8xi32, #tpu.memory_space<vmem>>
    %dma_wait3A_1164 = arith.constant 0 : i32
    %dma_wait3A_1165 = arith.constant 0 : i32
    %dma_wait3A_1166 = arith.constant 0 : i32
    %dma_wait3A_1167 = tpu.memref_slice %arg2[%dma_wait3A_1164, %dma_wait3A_1165, %dma_wait3A_1166] : memref<24000x32x128xf32, #tpu.memory_space<hbm>> -> memref<24000x32x128xf32, #tpu.memory_space<hbm>>
    tpu.wait_indirect_dma semaphore(%arg13 : memref<!tpu.dma_semaphore, #tpu.memory_space<semaphore_mem>>) src(%dma_wait3A_1167 : memref<24000x32x128xf32, #tpu.memory_space<hbm>>) dst(%arg10 : memref<8x32x128xf32, #tpu.memory_space<vmem>>)
    %add3A_1168 = arith.constant 248 : i32
    %add3A_1169 = arith.addi %mul3A_2, %add3A_1168 : i32
    %dma_start3A_1170 = arith.constant 0 : i32
    %dma_start3A_1171 = arith.constant 0 : i32
    %dma_start3A_1172 = tpu.memref_slice %arg5[%add3A_1169, %dma_start3A_1170, %dma_start3A_1171] : memref<12288x32x128xf32, #tpu.memory_space<hbm>> -> memref<8x32x128xf32, #tpu.memory_space<hbm>>
    %dma_start3A_1173 = arith.constant 0 : i32
    %dma_start3A_1174 = arith.constant 0 : i32
    %dma_start3A_1175 = tpu.memref_slice %arg5[%add3A_1169, %dma_start3A_1173, %dma_start3A_1174] : memref<12288x32x128xf32, #tpu.memory_space<hbm>> -> memref<8x32x128xf32, #tpu.memory_space<hbm>>
    tpu.enqueue_dma source(%arg10 : memref<8x32x128xf32, #tpu.memory_space<vmem>>) target(%dma_start3A_1175 : memref<8x32x128xf32, #tpu.memory_space<hbm>>) target_semaphore(%arg16 : memref<!tpu.dma_semaphore, #tpu.memory_space<semaphore_mem>>)
    %dma_wait3A_1176 = arith.constant 0 : i32
    %dma_wait3A_1177 = arith.constant 0 : i32
    %dma_wait3A_1178 = tpu.memref_slice %arg5[%add3A_1169, %dma_wait3A_1176, %dma_wait3A_1177] : memref<12288x32x128xf32, #tpu.memory_space<hbm>> -> memref<8x32x128xf32, #tpu.memory_space<hbm>>
    %dma_wait3A_1179 = arith.constant 0 : i32
    %dma_wait3A_1180 = arith.constant 0 : i32
    %dma_wait3A_1181 = tpu.memref_slice %arg5[%add3A_1169, %dma_wait3A_1179, %dma_wait3A_1180] : memref<12288x32x128xf32, #tpu.memory_space<hbm>> -> memref<8x32x128xf32, #tpu.memory_space<hbm>>
    tpu.wait_dma2 semaphore(%arg16 : memref<!tpu.dma_semaphore, #tpu.memory_space<semaphore_mem>>) src(%arg10 : memref<8x32x128xf32, #tpu.memory_space<vmem>>) dst(%dma_wait3A_1181 : memref<8x32x128xf32, #tpu.memory_space<hbm>>)
    %dma_start3A_1182 = arith.constant 272 : i32
    %dma_start3A_1183 = tpu.memref_slice %arg8[%dma_start3A_1182] : memref<384xi32, #tpu.memory_space<vmem>> -> memref<8xi32, #tpu.memory_space<vmem>>
    %dma_start3A_1184 = arith.constant 0 : i32
    %dma_start3A_1185 = arith.constant 0 : i32
    %dma_start3A_1186 = arith.constant 0 : i32
    %dma_start3A_1187 = tpu.memref_slice %arg2[%dma_start3A_1184, %dma_start3A_1185, %dma_start3A_1186] : memref<24000x32x128xf32, #tpu.memory_space<hbm>> -> memref<24000x32x128xf32, #tpu.memory_space<hbm>>
    tpu.enqueue_indirect_dma source(%dma_start3A_1187 : memref<24000x32x128xf32, #tpu.memory_space<hbm>>) target(%arg10 : memref<8x32x128xf32, #tpu.memory_space<vmem>>) offsets(%dma_start3A_1183 : memref<8xi32, #tpu.memory_space<vmem>>) semaphore(%arg13 : memref<!tpu.dma_semaphore, #tpu.memory_space<semaphore_mem>>)
    %dma_wait3A_1188 = arith.constant 256 : i32
    %dma_wait3A_1189 = tpu.memref_slice %arg8[%dma_wait3A_1188] : memref<384xi32, #tpu.memory_space<vmem>> -> memref<8xi32, #tpu.memory_space<vmem>>
    %dma_wait3A_1190 = arith.constant 0 : i32
    %dma_wait3A_1191 = arith.constant 0 : i32
    %dma_wait3A_1192 = arith.constant 0 : i32
    %dma_wait3A_1193 = tpu.memref_slice %arg2[%dma_wait3A_1190, %dma_wait3A_1191, %dma_wait3A_1192] : memref<24000x32x128xf32, #tpu.memory_space<hbm>> -> memref<24000x32x128xf32, #tpu.memory_space<hbm>>
    tpu.wait_indirect_dma semaphore(%arg14 : memref<!tpu.dma_semaphore, #tpu.memory_space<semaphore_mem>>) src(%dma_wait3A_1193 : memref<24000x32x128xf32, #tpu.memory_space<hbm>>) dst(%arg11 : memref<8x32x128xf32, #tpu.memory_space<vmem>>)
    %add3A_1194 = arith.constant 256 : i32
    %add3A_1195 = arith.addi %mul3A_2, %add3A_1194 : i32
    %dma_start3A_1196 = arith.constant 0 : i32
    %dma_start3A_1197 = arith.constant 0 : i32
    %dma_start3A_1198 = tpu.memref_slice %arg5[%add3A_1195, %dma_start3A_1196, %dma_start3A_1197] : memref<12288x32x128xf32, #tpu.memory_space<hbm>> -> memref<8x32x128xf32, #tpu.memory_space<hbm>>
    %dma_start3A_1199 = arith.constant 0 : i32
    %dma_start3A_1200 = arith.constant 0 : i32
    %dma_start3A_1201 = tpu.memref_slice %arg5[%add3A_1195, %dma_start3A_1199, %dma_start3A_1200] : memref<12288x32x128xf32, #tpu.memory_space<hbm>> -> memref<8x32x128xf32, #tpu.memory_space<hbm>>
    tpu.enqueue_dma source(%arg11 : memref<8x32x128xf32, #tpu.memory_space<vmem>>) target(%dma_start3A_1201 : memref<8x32x128xf32, #tpu.memory_space<hbm>>) target_semaphore(%arg17 : memref<!tpu.dma_semaphore, #tpu.memory_space<semaphore_mem>>)
    %dma_wait3A_1202 = arith.constant 0 : i32
    %dma_wait3A_1203 = arith.constant 0 : i32
    %dma_wait3A_1204 = tpu.memref_slice %arg5[%add3A_1195, %dma_wait3A_1202, %dma_wait3A_1203] : memref<12288x32x128xf32, #tpu.memory_space<hbm>> -> memref<8x32x128xf32, #tpu.memory_space<hbm>>
    %dma_wait3A_1205 = arith.constant 0 : i32
    %dma_wait3A_1206 = arith.constant 0 : i32
    %dma_wait3A_1207 = tpu.memref_slice %arg5[%add3A_1195, %dma_wait3A_1205, %dma_wait3A_1206] : memref<12288x32x128xf32, #tpu.memory_space<hbm>> -> memref<8x32x128xf32, #tpu.memory_space<hbm>>
    tpu.wait_dma2 semaphore(%arg17 : memref<!tpu.dma_semaphore, #tpu.memory_space<semaphore_mem>>) src(%arg11 : memref<8x32x128xf32, #tpu.memory_space<vmem>>) dst(%dma_wait3A_1207 : memref<8x32x128xf32, #tpu.memory_space<hbm>>)
    %dma_start3A_1208 = arith.constant 280 : i32
    %dma_start3A_1209 = tpu.memref_slice %arg8[%dma_start3A_1208] : memref<384xi32, #tpu.memory_space<vmem>> -> memref<8xi32, #tpu.memory_space<vmem>>
    %dma_start3A_1210 = arith.constant 0 : i32
    %dma_start3A_1211 = arith.constant 0 : i32
    %dma_start3A_1212 = arith.constant 0 : i32
    %dma_start3A_1213 = tpu.memref_slice %arg2[%dma_start3A_1210, %dma_start3A_1211, %dma_start3A_1212] : memref<24000x32x128xf32, #tpu.memory_space<hbm>> -> memref<24000x32x128xf32, #tpu.memory_space<hbm>>
    tpu.enqueue_indirect_dma source(%dma_start3A_1213 : memref<24000x32x128xf32, #tpu.memory_space<hbm>>) target(%arg11 : memref<8x32x128xf32, #tpu.memory_space<vmem>>) offsets(%dma_start3A_1209 : memref<8xi32, #tpu.memory_space<vmem>>) semaphore(%arg14 : memref<!tpu.dma_semaphore, #tpu.memory_space<semaphore_mem>>)
    %dma_wait3A_1214 = arith.constant 264 : i32
    %dma_wait3A_1215 = tpu.memref_slice %arg8[%dma_wait3A_1214] : memref<384xi32, #tpu.memory_space<vmem>> -> memref<8xi32, #tpu.memory_space<vmem>>
    %dma_wait3A_1216 = arith.constant 0 : i32
    %dma_wait3A_1217 = arith.constant 0 : i32
    %dma_wait3A_1218 = arith.constant 0 : i32
    %dma_wait3A_1219 = tpu.memref_slice %arg2[%dma_wait3A_1216, %dma_wait3A_1217, %dma_wait3A_1218] : memref<24000x32x128xf32, #tpu.memory_space<hbm>> -> memref<24000x32x128xf32, #tpu.memory_space<hbm>>
    tpu.wait_indirect_dma semaphore(%arg12 : memref<!tpu.dma_semaphore, #tpu.memory_space<semaphore_mem>>) src(%dma_wait3A_1219 : memref<24000x32x128xf32, #tpu.memory_space<hbm>>) dst(%arg9 : memref<8x32x128xf32, #tpu.memory_space<vmem>>)
    %add3A_1220 = arith.constant 264 : i32
    %add3A_1221 = arith.addi %mul3A_2, %add3A_1220 : i32
    %dma_start3A_1222 = arith.constant 0 : i32
    %dma_start3A_1223 = arith.constant 0 : i32
    %dma_start3A_1224 = tpu.memref_slice %arg5[%add3A_1221, %dma_start3A_1222, %dma_start3A_1223] : memref<12288x32x128xf32, #tpu.memory_space<hbm>> -> memref<8x32x128xf32, #tpu.memory_space<hbm>>
    %dma_start3A_1225 = arith.constant 0 : i32
    %dma_start3A_1226 = arith.constant 0 : i32
    %dma_start3A_1227 = tpu.memref_slice %arg5[%add3A_1221, %dma_start3A_1225, %dma_start3A_1226] : memref<12288x32x128xf32, #tpu.memory_space<hbm>> -> memref<8x32x128xf32, #tpu.memory_space<hbm>>
    tpu.enqueue_dma source(%arg9 : memref<8x32x128xf32, #tpu.memory_space<vmem>>) target(%dma_start3A_1227 : memref<8x32x128xf32, #tpu.memory_space<hbm>>) target_semaphore(%arg15 : memref<!tpu.dma_semaphore, #tpu.memory_space<semaphore_mem>>)
    %dma_wait3A_1228 = arith.constant 0 : i32
    %dma_wait3A_1229 = arith.constant 0 : i32
    %dma_wait3A_1230 = tpu.memref_slice %arg5[%add3A_1221, %dma_wait3A_1228, %dma_wait3A_1229] : memref<12288x32x128xf32, #tpu.memory_space<hbm>> -> memref<8x32x128xf32, #tpu.memory_space<hbm>>
    %dma_wait3A_1231 = arith.constant 0 : i32
    %dma_wait3A_1232 = arith.constant 0 : i32
    %dma_wait3A_1233 = tpu.memref_slice %arg5[%add3A_1221, %dma_wait3A_1231, %dma_wait3A_1232] : memref<12288x32x128xf32, #tpu.memory_space<hbm>> -> memref<8x32x128xf32, #tpu.memory_space<hbm>>
    tpu.wait_dma2 semaphore(%arg15 : memref<!tpu.dma_semaphore, #tpu.memory_space<semaphore_mem>>) src(%arg9 : memref<8x32x128xf32, #tpu.memory_space<vmem>>) dst(%dma_wait3A_1233 : memref<8x32x128xf32, #tpu.memory_space<hbm>>)
    %dma_start3A_1234 = arith.constant 288 : i32
    %dma_start3A_1235 = tpu.memref_slice %arg8[%dma_start3A_1234] : memref<384xi32, #tpu.memory_space<vmem>> -> memref<8xi32, #tpu.memory_space<vmem>>
    %dma_start3A_1236 = arith.constant 0 : i32
    %dma_start3A_1237 = arith.constant 0 : i32
    %dma_start3A_1238 = arith.constant 0 : i32
    %dma_start3A_1239 = tpu.memref_slice %arg2[%dma_start3A_1236, %dma_start3A_1237, %dma_start3A_1238] : memref<24000x32x128xf32, #tpu.memory_space<hbm>> -> memref<24000x32x128xf32, #tpu.memory_space<hbm>>
    tpu.enqueue_indirect_dma source(%dma_start3A_1239 : memref<24000x32x128xf32, #tpu.memory_space<hbm>>) target(%arg9 : memref<8x32x128xf32, #tpu.memory_space<vmem>>) offsets(%dma_start3A_1235 : memref<8xi32, #tpu.memory_space<vmem>>) semaphore(%arg12 : memref<!tpu.dma_semaphore, #tpu.memory_space<semaphore_mem>>)
    %dma_wait3A_1240 = arith.constant 272 : i32
    %dma_wait3A_1241 = tpu.memref_slice %arg8[%dma_wait3A_1240] : memref<384xi32, #tpu.memory_space<vmem>> -> memref<8xi32, #tpu.memory_space<vmem>>
    %dma_wait3A_1242 = arith.constant 0 : i32
    %dma_wait3A_1243 = arith.constant 0 : i32
    %dma_wait3A_1244 = arith.constant 0 : i32
    %dma_wait3A_1245 = tpu.memref_slice %arg2[%dma_wait3A_1242, %dma_wait3A_1243, %dma_wait3A_1244] : memref<24000x32x128xf32, #tpu.memory_space<hbm>> -> memref<24000x32x128xf32, #tpu.memory_space<hbm>>
    tpu.wait_indirect_dma semaphore(%arg13 : memref<!tpu.dma_semaphore, #tpu.memory_space<semaphore_mem>>) src(%dma_wait3A_1245 : memref<24000x32x128xf32, #tpu.memory_space<hbm>>) dst(%arg10 : memref<8x32x128xf32, #tpu.memory_space<vmem>>)
    %add3A_1246 = arith.constant 272 : i32
    %add3A_1247 = arith.addi %mul3A_2, %add3A_1246 : i32
    %dma_start3A_1248 = arith.constant 0 : i32
    %dma_start3A_1249 = arith.constant 0 : i32
    %dma_start3A_1250 = tpu.memref_slice %arg5[%add3A_1247, %dma_start3A_1248, %dma_start3A_1249] : memref<12288x32x128xf32, #tpu.memory_space<hbm>> -> memref<8x32x128xf32, #tpu.memory_space<hbm>>
    %dma_start3A_1251 = arith.constant 0 : i32
    %dma_start3A_1252 = arith.constant 0 : i32
    %dma_start3A_1253 = tpu.memref_slice %arg5[%add3A_1247, %dma_start3A_1251, %dma_start3A_1252] : memref<12288x32x128xf32, #tpu.memory_space<hbm>> -> memref<8x32x128xf32, #tpu.memory_space<hbm>>
    tpu.enqueue_dma source(%arg10 : memref<8x32x128xf32, #tpu.memory_space<vmem>>) target(%dma_start3A_1253 : memref<8x32x128xf32, #tpu.memory_space<hbm>>) target_semaphore(%arg16 : memref<!tpu.dma_semaphore, #tpu.memory_space<semaphore_mem>>)
    %dma_wait3A_1254 = arith.constant 0 : i32
    %dma_wait3A_1255 = arith.constant 0 : i32
    %dma_wait3A_1256 = tpu.memref_slice %arg5[%add3A_1247, %dma_wait3A_1254, %dma_wait3A_1255] : memref<12288x32x128xf32, #tpu.memory_space<hbm>> -> memref<8x32x128xf32, #tpu.memory_space<hbm>>
    %dma_wait3A_1257 = arith.constant 0 : i32
    %dma_wait3A_1258 = arith.constant 0 : i32
    %dma_wait3A_1259 = tpu.memref_slice %arg5[%add3A_1247, %dma_wait3A_1257, %dma_wait3A_1258] : memref<12288x32x128xf32, #tpu.memory_space<hbm>> -> memref<8x32x128xf32, #tpu.memory_space<hbm>>
    tpu.wait_dma2 semaphore(%arg16 : memref<!tpu.dma_semaphore, #tpu.memory_space<semaphore_mem>>) src(%arg10 : memref<8x32x128xf32, #tpu.memory_space<vmem>>) dst(%dma_wait3A_1259 : memref<8x32x128xf32, #tpu.memory_space<hbm>>)
    %dma_start3A_1260 = arith.constant 296 : i32
    %dma_start3A_1261 = tpu.memref_slice %arg8[%dma_start3A_1260] : memref<384xi32, #tpu.memory_space<vmem>> -> memref<8xi32, #tpu.memory_space<vmem>>
    %dma_start3A_1262 = arith.constant 0 : i32
    %dma_start3A_1263 = arith.constant 0 : i32
    %dma_start3A_1264 = arith.constant 0 : i32
    %dma_start3A_1265 = tpu.memref_slice %arg2[%dma_start3A_1262, %dma_start3A_1263, %dma_start3A_1264] : memref<24000x32x128xf32, #tpu.memory_space<hbm>> -> memref<24000x32x128xf32, #tpu.memory_space<hbm>>
    tpu.enqueue_indirect_dma source(%dma_start3A_1265 : memref<24000x32x128xf32, #tpu.memory_space<hbm>>) target(%arg10 : memref<8x32x128xf32, #tpu.memory_space<vmem>>) offsets(%dma_start3A_1261 : memref<8xi32, #tpu.memory_space<vmem>>) semaphore(%arg13 : memref<!tpu.dma_semaphore, #tpu.memory_space<semaphore_mem>>)
    %dma_wait3A_1266 = arith.constant 280 : i32
    %dma_wait3A_1267 = tpu.memref_slice %arg8[%dma_wait3A_1266] : memref<384xi32, #tpu.memory_space<vmem>> -> memref<8xi32, #tpu.memory_space<vmem>>
    %dma_wait3A_1268 = arith.constant 0 : i32
    %dma_wait3A_1269 = arith.constant 0 : i32
    %dma_wait3A_1270 = arith.constant 0 : i32
    %dma_wait3A_1271 = tpu.memref_slice %arg2[%dma_wait3A_1268, %dma_wait3A_1269, %dma_wait3A_1270] : memref<24000x32x128xf32, #tpu.memory_space<hbm>> -> memref<24000x32x128xf32, #tpu.memory_space<hbm>>
    tpu.wait_indirect_dma semaphore(%arg14 : memref<!tpu.dma_semaphore, #tpu.memory_space<semaphore_mem>>) src(%dma_wait3A_1271 : memref<24000x32x128xf32, #tpu.memory_space<hbm>>) dst(%arg11 : memref<8x32x128xf32, #tpu.memory_space<vmem>>)
    %add3A_1272 = arith.constant 280 : i32
    %add3A_1273 = arith.addi %mul3A_2, %add3A_1272 : i32
    %dma_start3A_1274 = arith.constant 0 : i32
    %dma_start3A_1275 = arith.constant 0 : i32
    %dma_start3A_1276 = tpu.memref_slice %arg5[%add3A_1273, %dma_start3A_1274, %dma_start3A_1275] : memref<12288x32x128xf32, #tpu.memory_space<hbm>> -> memref<8x32x128xf32, #tpu.memory_space<hbm>>
    %dma_start3A_1277 = arith.constant 0 : i32
    %dma_start3A_1278 = arith.constant 0 : i32
    %dma_start3A_1279 = tpu.memref_slice %arg5[%add3A_1273, %dma_start3A_1277, %dma_start3A_1278] : memref<12288x32x128xf32, #tpu.memory_space<hbm>> -> memref<8x32x128xf32, #tpu.memory_space<hbm>>
    tpu.enqueue_dma source(%arg11 : memref<8x32x128xf32, #tpu.memory_space<vmem>>) target(%dma_start3A_1279 : memref<8x32x128xf32, #tpu.memory_space<hbm>>) target_semaphore(%arg17 : memref<!tpu.dma_semaphore, #tpu.memory_space<semaphore_mem>>)
    %dma_wait3A_1280 = arith.constant 0 : i32
    %dma_wait3A_1281 = arith.constant 0 : i32
    %dma_wait3A_1282 = tpu.memref_slice %arg5[%add3A_1273, %dma_wait3A_1280, %dma_wait3A_1281] : memref<12288x32x128xf32, #tpu.memory_space<hbm>> -> memref<8x32x128xf32, #tpu.memory_space<hbm>>
    %dma_wait3A_1283 = arith.constant 0 : i32
    %dma_wait3A_1284 = arith.constant 0 : i32
    %dma_wait3A_1285 = tpu.memref_slice %arg5[%add3A_1273, %dma_wait3A_1283, %dma_wait3A_1284] : memref<12288x32x128xf32, #tpu.memory_space<hbm>> -> memref<8x32x128xf32, #tpu.memory_space<hbm>>
    tpu.wait_dma2 semaphore(%arg17 : memref<!tpu.dma_semaphore, #tpu.memory_space<semaphore_mem>>) src(%arg11 : memref<8x32x128xf32, #tpu.memory_space<vmem>>) dst(%dma_wait3A_1285 : memref<8x32x128xf32, #tpu.memory_space<hbm>>)
    %dma_start3A_1286 = arith.constant 304 : i32
    %dma_start3A_1287 = tpu.memref_slice %arg8[%dma_start3A_1286] : memref<384xi32, #tpu.memory_space<vmem>> -> memref<8xi32, #tpu.memory_space<vmem>>
    %dma_start3A_1288 = arith.constant 0 : i32
    %dma_start3A_1289 = arith.constant 0 : i32
    %dma_start3A_1290 = arith.constant 0 : i32
    %dma_start3A_1291 = tpu.memref_slice %arg2[%dma_start3A_1288, %dma_start3A_1289, %dma_start3A_1290] : memref<24000x32x128xf32, #tpu.memory_space<hbm>> -> memref<24000x32x128xf32, #tpu.memory_space<hbm>>
    tpu.enqueue_indirect_dma source(%dma_start3A_1291 : memref<24000x32x128xf32, #tpu.memory_space<hbm>>) target(%arg11 : memref<8x32x128xf32, #tpu.memory_space<vmem>>) offsets(%dma_start3A_1287 : memref<8xi32, #tpu.memory_space<vmem>>) semaphore(%arg14 : memref<!tpu.dma_semaphore, #tpu.memory_space<semaphore_mem>>)
    %dma_wait3A_1292 = arith.constant 288 : i32
    %dma_wait3A_1293 = tpu.memref_slice %arg8[%dma_wait3A_1292] : memref<384xi32, #tpu.memory_space<vmem>> -> memref<8xi32, #tpu.memory_space<vmem>>
    %dma_wait3A_1294 = arith.constant 0 : i32
    %dma_wait3A_1295 = arith.constant 0 : i32
    %dma_wait3A_1296 = arith.constant 0 : i32
    %dma_wait3A_1297 = tpu.memref_slice %arg2[%dma_wait3A_1294, %dma_wait3A_1295, %dma_wait3A_1296] : memref<24000x32x128xf32, #tpu.memory_space<hbm>> -> memref<24000x32x128xf32, #tpu.memory_space<hbm>>
    tpu.wait_indirect_dma semaphore(%arg12 : memref<!tpu.dma_semaphore, #tpu.memory_space<semaphore_mem>>) src(%dma_wait3A_1297 : memref<24000x32x128xf32, #tpu.memory_space<hbm>>) dst(%arg9 : memref<8x32x128xf32, #tpu.memory_space<vmem>>)
    %add3A_1298 = arith.constant 288 : i32
    %add3A_1299 = arith.addi %mul3A_2, %add3A_1298 : i32
    %dma_start3A_1300 = arith.constant 0 : i32
    %dma_start3A_1301 = arith.constant 0 : i32
    %dma_start3A_1302 = tpu.memref_slice %arg5[%add3A_1299, %dma_start3A_1300, %dma_start3A_1301] : memref<12288x32x128xf32, #tpu.memory_space<hbm>> -> memref<8x32x128xf32, #tpu.memory_space<hbm>>
    %dma_start3A_1303 = arith.constant 0 : i32
    %dma_start3A_1304 = arith.constant 0 : i32
    %dma_start3A_1305 = tpu.memref_slice %arg5[%add3A_1299, %dma_start3A_1303, %dma_start3A_1304] : memref<12288x32x128xf32, #tpu.memory_space<hbm>> -> memref<8x32x128xf32, #tpu.memory_space<hbm>>
    tpu.enqueue_dma source(%arg9 : memref<8x32x128xf32, #tpu.memory_space<vmem>>) target(%dma_start3A_1305 : memref<8x32x128xf32, #tpu.memory_space<hbm>>) target_semaphore(%arg15 : memref<!tpu.dma_semaphore, #tpu.memory_space<semaphore_mem>>)
    %dma_wait3A_1306 = arith.constant 0 : i32
    %dma_wait3A_1307 = arith.constant 0 : i32
    %dma_wait3A_1308 = tpu.memref_slice %arg5[%add3A_1299, %dma_wait3A_1306, %dma_wait3A_1307] : memref<12288x32x128xf32, #tpu.memory_space<hbm>> -> memref<8x32x128xf32, #tpu.memory_space<hbm>>
    %dma_wait3A_1309 = arith.constant 0 : i32
    %dma_wait3A_1310 = arith.constant 0 : i32
    %dma_wait3A_1311 = tpu.memref_slice %arg5[%add3A_1299, %dma_wait3A_1309, %dma_wait3A_1310] : memref<12288x32x128xf32, #tpu.memory_space<hbm>> -> memref<8x32x128xf32, #tpu.memory_space<hbm>>
    tpu.wait_dma2 semaphore(%arg15 : memref<!tpu.dma_semaphore, #tpu.memory_space<semaphore_mem>>) src(%arg9 : memref<8x32x128xf32, #tpu.memory_space<vmem>>) dst(%dma_wait3A_1311 : memref<8x32x128xf32, #tpu.memory_space<hbm>>)
    %dma_start3A_1312 = arith.constant 312 : i32
    %dma_start3A_1313 = tpu.memref_slice %arg8[%dma_start3A_1312] : memref<384xi32, #tpu.memory_space<vmem>> -> memref<8xi32, #tpu.memory_space<vmem>>
    %dma_start3A_1314 = arith.constant 0 : i32
    %dma_start3A_1315 = arith.constant 0 : i32
    %dma_start3A_1316 = arith.constant 0 : i32
    %dma_start3A_1317 = tpu.memref_slice %arg2[%dma_start3A_1314, %dma_start3A_1315, %dma_start3A_1316] : memref<24000x32x128xf32, #tpu.memory_space<hbm>> -> memref<24000x32x128xf32, #tpu.memory_space<hbm>>
    tpu.enqueue_indirect_dma source(%dma_start3A_1317 : memref<24000x32x128xf32, #tpu.memory_space<hbm>>) target(%arg9 : memref<8x32x128xf32, #tpu.memory_space<vmem>>) offsets(%dma_start3A_1313 : memref<8xi32, #tpu.memory_space<vmem>>) semaphore(%arg12 : memref<!tpu.dma_semaphore, #tpu.memory_space<semaphore_mem>>)
    %dma_wait3A_1318 = arith.constant 296 : i32
    %dma_wait3A_1319 = tpu.memref_slice %arg8[%dma_wait3A_1318] : memref<384xi32, #tpu.memory_space<vmem>> -> memref<8xi32, #tpu.memory_space<vmem>>
    %dma_wait3A_1320 = arith.constant 0 : i32
    %dma_wait3A_1321 = arith.constant 0 : i32
    %dma_wait3A_1322 = arith.constant 0 : i32
    %dma_wait3A_1323 = tpu.memref_slice %arg2[%dma_wait3A_1320, %dma_wait3A_1321, %dma_wait3A_1322] : memref<24000x32x128xf32, #tpu.memory_space<hbm>> -> memref<24000x32x128xf32, #tpu.memory_space<hbm>>
    tpu.wait_indirect_dma semaphore(%arg13 : memref<!tpu.dma_semaphore, #tpu.memory_space<semaphore_mem>>) src(%dma_wait3A_1323 : memref<24000x32x128xf32, #tpu.memory_space<hbm>>) dst(%arg10 : memref<8x32x128xf32, #tpu.memory_space<vmem>>)
    %add3A_1324 = arith.constant 296 : i32
    %add3A_1325 = arith.addi %mul3A_2, %add3A_1324 : i32
    %dma_start3A_1326 = arith.constant 0 : i32
    %dma_start3A_1327 = arith.constant 0 : i32
    %dma_start3A_1328 = tpu.memref_slice %arg5[%add3A_1325, %dma_start3A_1326, %dma_start3A_1327] : memref<12288x32x128xf32, #tpu.memory_space<hbm>> -> memref<8x32x128xf32, #tpu.memory_space<hbm>>
    %dma_start3A_1329 = arith.constant 0 : i32
    %dma_start3A_1330 = arith.constant 0 : i32
    %dma_start3A_1331 = tpu.memref_slice %arg5[%add3A_1325, %dma_start3A_1329, %dma_start3A_1330] : memref<12288x32x128xf32, #tpu.memory_space<hbm>> -> memref<8x32x128xf32, #tpu.memory_space<hbm>>
    tpu.enqueue_dma source(%arg10 : memref<8x32x128xf32, #tpu.memory_space<vmem>>) target(%dma_start3A_1331 : memref<8x32x128xf32, #tpu.memory_space<hbm>>) target_semaphore(%arg16 : memref<!tpu.dma_semaphore, #tpu.memory_space<semaphore_mem>>)
    %dma_wait3A_1332 = arith.constant 0 : i32
    %dma_wait3A_1333 = arith.constant 0 : i32
    %dma_wait3A_1334 = tpu.memref_slice %arg5[%add3A_1325, %dma_wait3A_1332, %dma_wait3A_1333] : memref<12288x32x128xf32, #tpu.memory_space<hbm>> -> memref<8x32x128xf32, #tpu.memory_space<hbm>>
    %dma_wait3A_1335 = arith.constant 0 : i32
    %dma_wait3A_1336 = arith.constant 0 : i32
    %dma_wait3A_1337 = tpu.memref_slice %arg5[%add3A_1325, %dma_wait3A_1335, %dma_wait3A_1336] : memref<12288x32x128xf32, #tpu.memory_space<hbm>> -> memref<8x32x128xf32, #tpu.memory_space<hbm>>
    tpu.wait_dma2 semaphore(%arg16 : memref<!tpu.dma_semaphore, #tpu.memory_space<semaphore_mem>>) src(%arg10 : memref<8x32x128xf32, #tpu.memory_space<vmem>>) dst(%dma_wait3A_1337 : memref<8x32x128xf32, #tpu.memory_space<hbm>>)
    %dma_start3A_1338 = arith.constant 320 : i32
    %dma_start3A_1339 = tpu.memref_slice %arg8[%dma_start3A_1338] : memref<384xi32, #tpu.memory_space<vmem>> -> memref<8xi32, #tpu.memory_space<vmem>>
    %dma_start3A_1340 = arith.constant 0 : i32
    %dma_start3A_1341 = arith.constant 0 : i32
    %dma_start3A_1342 = arith.constant 0 : i32
    %dma_start3A_1343 = tpu.memref_slice %arg2[%dma_start3A_1340, %dma_start3A_1341, %dma_start3A_1342] : memref<24000x32x128xf32, #tpu.memory_space<hbm>> -> memref<24000x32x128xf32, #tpu.memory_space<hbm>>
    tpu.enqueue_indirect_dma source(%dma_start3A_1343 : memref<24000x32x128xf32, #tpu.memory_space<hbm>>) target(%arg10 : memref<8x32x128xf32, #tpu.memory_space<vmem>>) offsets(%dma_start3A_1339 : memref<8xi32, #tpu.memory_space<vmem>>) semaphore(%arg13 : memref<!tpu.dma_semaphore, #tpu.memory_space<semaphore_mem>>)
    %dma_wait3A_1344 = arith.constant 304 : i32
    %dma_wait3A_1345 = tpu.memref_slice %arg8[%dma_wait3A_1344] : memref<384xi32, #tpu.memory_space<vmem>> -> memref<8xi32, #tpu.memory_space<vmem>>
    %dma_wait3A_1346 = arith.constant 0 : i32
    %dma_wait3A_1347 = arith.constant 0 : i32
    %dma_wait3A_1348 = arith.constant 0 : i32
    %dma_wait3A_1349 = tpu.memref_slice %arg2[%dma_wait3A_1346, %dma_wait3A_1347, %dma_wait3A_1348] : memref<24000x32x128xf32, #tpu.memory_space<hbm>> -> memref<24000x32x128xf32, #tpu.memory_space<hbm>>
    tpu.wait_indirect_dma semaphore(%arg14 : memref<!tpu.dma_semaphore, #tpu.memory_space<semaphore_mem>>) src(%dma_wait3A_1349 : memref<24000x32x128xf32, #tpu.memory_space<hbm>>) dst(%arg11 : memref<8x32x128xf32, #tpu.memory_space<vmem>>)
    %add3A_1350 = arith.constant 304 : i32
    %add3A_1351 = arith.addi %mul3A_2, %add3A_1350 : i32
    %dma_start3A_1352 = arith.constant 0 : i32
    %dma_start3A_1353 = arith.constant 0 : i32
    %dma_start3A_1354 = tpu.memref_slice %arg5[%add3A_1351, %dma_start3A_1352, %dma_start3A_1353] : memref<12288x32x128xf32, #tpu.memory_space<hbm>> -> memref<8x32x128xf32, #tpu.memory_space<hbm>>
    %dma_start3A_1355 = arith.constant 0 : i32
    %dma_start3A_1356 = arith.constant 0 : i32
    %dma_start3A_1357 = tpu.memref_slice %arg5[%add3A_1351, %dma_start3A_1355, %dma_start3A_1356] : memref<12288x32x128xf32, #tpu.memory_space<hbm>> -> memref<8x32x128xf32, #tpu.memory_space<hbm>>
    tpu.enqueue_dma source(%arg11 : memref<8x32x128xf32, #tpu.memory_space<vmem>>) target(%dma_start3A_1357 : memref<8x32x128xf32, #tpu.memory_space<hbm>>) target_semaphore(%arg17 : memref<!tpu.dma_semaphore, #tpu.memory_space<semaphore_mem>>)
    %dma_wait3A_1358 = arith.constant 0 : i32
    %dma_wait3A_1359 = arith.constant 0 : i32
    %dma_wait3A_1360 = tpu.memref_slice %arg5[%add3A_1351, %dma_wait3A_1358, %dma_wait3A_1359] : memref<12288x32x128xf32, #tpu.memory_space<hbm>> -> memref<8x32x128xf32, #tpu.memory_space<hbm>>
    %dma_wait3A_1361 = arith.constant 0 : i32
    %dma_wait3A_1362 = arith.constant 0 : i32
    %dma_wait3A_1363 = tpu.memref_slice %arg5[%add3A_1351, %dma_wait3A_1361, %dma_wait3A_1362] : memref<12288x32x128xf32, #tpu.memory_space<hbm>> -> memref<8x32x128xf32, #tpu.memory_space<hbm>>
    tpu.wait_dma2 semaphore(%arg17 : memref<!tpu.dma_semaphore, #tpu.memory_space<semaphore_mem>>) src(%arg11 : memref<8x32x128xf32, #tpu.memory_space<vmem>>) dst(%dma_wait3A_1363 : memref<8x32x128xf32, #tpu.memory_space<hbm>>)
    %dma_start3A_1364 = arith.constant 328 : i32
    %dma_start3A_1365 = tpu.memref_slice %arg8[%dma_start3A_1364] : memref<384xi32, #tpu.memory_space<vmem>> -> memref<8xi32, #tpu.memory_space<vmem>>
    %dma_start3A_1366 = arith.constant 0 : i32
    %dma_start3A_1367 = arith.constant 0 : i32
    %dma_start3A_1368 = arith.constant 0 : i32
    %dma_start3A_1369 = tpu.memref_slice %arg2[%dma_start3A_1366, %dma_start3A_1367, %dma_start3A_1368] : memref<24000x32x128xf32, #tpu.memory_space<hbm>> -> memref<24000x32x128xf32, #tpu.memory_space<hbm>>
    tpu.enqueue_indirect_dma source(%dma_start3A_1369 : memref<24000x32x128xf32, #tpu.memory_space<hbm>>) target(%arg11 : memref<8x32x128xf32, #tpu.memory_space<vmem>>) offsets(%dma_start3A_1365 : memref<8xi32, #tpu.memory_space<vmem>>) semaphore(%arg14 : memref<!tpu.dma_semaphore, #tpu.memory_space<semaphore_mem>>)
    %dma_wait3A_1370 = arith.constant 312 : i32
    %dma_wait3A_1371 = tpu.memref_slice %arg8[%dma_wait3A_1370] : memref<384xi32, #tpu.memory_space<vmem>> -> memref<8xi32, #tpu.memory_space<vmem>>
    %dma_wait3A_1372 = arith.constant 0 : i32
    %dma_wait3A_1373 = arith.constant 0 : i32
    %dma_wait3A_1374 = arith.constant 0 : i32
    %dma_wait3A_1375 = tpu.memref_slice %arg2[%dma_wait3A_1372, %dma_wait3A_1373, %dma_wait3A_1374] : memref<24000x32x128xf32, #tpu.memory_space<hbm>> -> memref<24000x32x128xf32, #tpu.memory_space<hbm>>
    tpu.wait_indirect_dma semaphore(%arg12 : memref<!tpu.dma_semaphore, #tpu.memory_space<semaphore_mem>>) src(%dma_wait3A_1375 : memref<24000x32x128xf32, #tpu.memory_space<hbm>>) dst(%arg9 : memref<8x32x128xf32, #tpu.memory_space<vmem>>)
    %add3A_1376 = arith.constant 312 : i32
    %add3A_1377 = arith.addi %mul3A_2, %add3A_1376 : i32
    %dma_start3A_1378 = arith.constant 0 : i32
    %dma_start3A_1379 = arith.constant 0 : i32
    %dma_start3A_1380 = tpu.memref_slice %arg5[%add3A_1377, %dma_start3A_1378, %dma_start3A_1379] : memref<12288x32x128xf32, #tpu.memory_space<hbm>> -> memref<8x32x128xf32, #tpu.memory_space<hbm>>
    %dma_start3A_1381 = arith.constant 0 : i32
    %dma_start3A_1382 = arith.constant 0 : i32
    %dma_start3A_1383 = tpu.memref_slice %arg5[%add3A_1377, %dma_start3A_1381, %dma_start3A_1382] : memref<12288x32x128xf32, #tpu.memory_space<hbm>> -> memref<8x32x128xf32, #tpu.memory_space<hbm>>
    tpu.enqueue_dma source(%arg9 : memref<8x32x128xf32, #tpu.memory_space<vmem>>) target(%dma_start3A_1383 : memref<8x32x128xf32, #tpu.memory_space<hbm>>) target_semaphore(%arg15 : memref<!tpu.dma_semaphore, #tpu.memory_space<semaphore_mem>>)
    %dma_wait3A_1384 = arith.constant 0 : i32
    %dma_wait3A_1385 = arith.constant 0 : i32
    %dma_wait3A_1386 = tpu.memref_slice %arg5[%add3A_1377, %dma_wait3A_1384, %dma_wait3A_1385] : memref<12288x32x128xf32, #tpu.memory_space<hbm>> -> memref<8x32x128xf32, #tpu.memory_space<hbm>>
    %dma_wait3A_1387 = arith.constant 0 : i32
    %dma_wait3A_1388 = arith.constant 0 : i32
    %dma_wait3A_1389 = tpu.memref_slice %arg5[%add3A_1377, %dma_wait3A_1387, %dma_wait3A_1388] : memref<12288x32x128xf32, #tpu.memory_space<hbm>> -> memref<8x32x128xf32, #tpu.memory_space<hbm>>
    tpu.wait_dma2 semaphore(%arg15 : memref<!tpu.dma_semaphore, #tpu.memory_space<semaphore_mem>>) src(%arg9 : memref<8x32x128xf32, #tpu.memory_space<vmem>>) dst(%dma_wait3A_1389 : memref<8x32x128xf32, #tpu.memory_space<hbm>>)
    %dma_start3A_1390 = arith.constant 336 : i32
    %dma_start3A_1391 = tpu.memref_slice %arg8[%dma_start3A_1390] : memref<384xi32, #tpu.memory_space<vmem>> -> memref<8xi32, #tpu.memory_space<vmem>>
    %dma_start3A_1392 = arith.constant 0 : i32
    %dma_start3A_1393 = arith.constant 0 : i32
    %dma_start3A_1394 = arith.constant 0 : i32
    %dma_start3A_1395 = tpu.memref_slice %arg2[%dma_start3A_1392, %dma_start3A_1393, %dma_start3A_1394] : memref<24000x32x128xf32, #tpu.memory_space<hbm>> -> memref<24000x32x128xf32, #tpu.memory_space<hbm>>
    tpu.enqueue_indirect_dma source(%dma_start3A_1395 : memref<24000x32x128xf32, #tpu.memory_space<hbm>>) target(%arg9 : memref<8x32x128xf32, #tpu.memory_space<vmem>>) offsets(%dma_start3A_1391 : memref<8xi32, #tpu.memory_space<vmem>>) semaphore(%arg12 : memref<!tpu.dma_semaphore, #tpu.memory_space<semaphore_mem>>)
    %dma_wait3A_1396 = arith.constant 320 : i32
    %dma_wait3A_1397 = tpu.memref_slice %arg8[%dma_wait3A_1396] : memref<384xi32, #tpu.memory_space<vmem>> -> memref<8xi32, #tpu.memory_space<vmem>>
    %dma_wait3A_1398 = arith.constant 0 : i32
    %dma_wait3A_1399 = arith.constant 0 : i32
    %dma_wait3A_1400 = arith.constant 0 : i32
    %dma_wait3A_1401 = tpu.memref_slice %arg2[%dma_wait3A_1398, %dma_wait3A_1399, %dma_wait3A_1400] : memref<24000x32x128xf32, #tpu.memory_space<hbm>> -> memref<24000x32x128xf32, #tpu.memory_space<hbm>>
    tpu.wait_indirect_dma semaphore(%arg13 : memref<!tpu.dma_semaphore, #tpu.memory_space<semaphore_mem>>) src(%dma_wait3A_1401 : memref<24000x32x128xf32, #tpu.memory_space<hbm>>) dst(%arg10 : memref<8x32x128xf32, #tpu.memory_space<vmem>>)
    %add3A_1402 = arith.constant 320 : i32
    %add3A_1403 = arith.addi %mul3A_2, %add3A_1402 : i32
    %dma_start3A_1404 = arith.constant 0 : i32
    %dma_start3A_1405 = arith.constant 0 : i32
    %dma_start3A_1406 = tpu.memref_slice %arg5[%add3A_1403, %dma_start3A_1404, %dma_start3A_1405] : memref<12288x32x128xf32, #tpu.memory_space<hbm>> -> memref<8x32x128xf32, #tpu.memory_space<hbm>>
    %dma_start3A_1407 = arith.constant 0 : i32
    %dma_start3A_1408 = arith.constant 0 : i32
    %dma_start3A_1409 = tpu.memref_slice %arg5[%add3A_1403, %dma_start3A_1407, %dma_start3A_1408] : memref<12288x32x128xf32, #tpu.memory_space<hbm>> -> memref<8x32x128xf32, #tpu.memory_space<hbm>>
    tpu.enqueue_dma source(%arg10 : memref<8x32x128xf32, #tpu.memory_space<vmem>>) target(%dma_start3A_1409 : memref<8x32x128xf32, #tpu.memory_space<hbm>>) target_semaphore(%arg16 : memref<!tpu.dma_semaphore, #tpu.memory_space<semaphore_mem>>)
    %dma_wait3A_1410 = arith.constant 0 : i32
    %dma_wait3A_1411 = arith.constant 0 : i32
    %dma_wait3A_1412 = tpu.memref_slice %arg5[%add3A_1403, %dma_wait3A_1410, %dma_wait3A_1411] : memref<12288x32x128xf32, #tpu.memory_space<hbm>> -> memref<8x32x128xf32, #tpu.memory_space<hbm>>
    %dma_wait3A_1413 = arith.constant 0 : i32
    %dma_wait3A_1414 = arith.constant 0 : i32
    %dma_wait3A_1415 = tpu.memref_slice %arg5[%add3A_1403, %dma_wait3A_1413, %dma_wait3A_1414] : memref<12288x32x128xf32, #tpu.memory_space<hbm>> -> memref<8x32x128xf32, #tpu.memory_space<hbm>>
    tpu.wait_dma2 semaphore(%arg16 : memref<!tpu.dma_semaphore, #tpu.memory_space<semaphore_mem>>) src(%arg10 : memref<8x32x128xf32, #tpu.memory_space<vmem>>) dst(%dma_wait3A_1415 : memref<8x32x128xf32, #tpu.memory_space<hbm>>)
    %dma_start3A_1416 = arith.constant 344 : i32
    %dma_start3A_1417 = tpu.memref_slice %arg8[%dma_start3A_1416] : memref<384xi32, #tpu.memory_space<vmem>> -> memref<8xi32, #tpu.memory_space<vmem>>
    %dma_start3A_1418 = arith.constant 0 : i32
    %dma_start3A_1419 = arith.constant 0 : i32
    %dma_start3A_1420 = arith.constant 0 : i32
    %dma_start3A_1421 = tpu.memref_slice %arg2[%dma_start3A_1418, %dma_start3A_1419, %dma_start3A_1420] : memref<24000x32x128xf32, #tpu.memory_space<hbm>> -> memref<24000x32x128xf32, #tpu.memory_space<hbm>>
    tpu.enqueue_indirect_dma source(%dma_start3A_1421 : memref<24000x32x128xf32, #tpu.memory_space<hbm>>) target(%arg10 : memref<8x32x128xf32, #tpu.memory_space<vmem>>) offsets(%dma_start3A_1417 : memref<8xi32, #tpu.memory_space<vmem>>) semaphore(%arg13 : memref<!tpu.dma_semaphore, #tpu.memory_space<semaphore_mem>>)
    %dma_wait3A_1422 = arith.constant 328 : i32
    %dma_wait3A_1423 = tpu.memref_slice %arg8[%dma_wait3A_1422] : memref<384xi32, #tpu.memory_space<vmem>> -> memref<8xi32, #tpu.memory_space<vmem>>
    %dma_wait3A_1424 = arith.constant 0 : i32
    %dma_wait3A_1425 = arith.constant 0 : i32
    %dma_wait3A_1426 = arith.constant 0 : i32
    %dma_wait3A_1427 = tpu.memref_slice %arg2[%dma_wait3A_1424, %dma_wait3A_1425, %dma_wait3A_1426] : memref<24000x32x128xf32, #tpu.memory_space<hbm>> -> memref<24000x32x128xf32, #tpu.memory_space<hbm>>
    tpu.wait_indirect_dma semaphore(%arg14 : memref<!tpu.dma_semaphore, #tpu.memory_space<semaphore_mem>>) src(%dma_wait3A_1427 : memref<24000x32x128xf32, #tpu.memory_space<hbm>>) dst(%arg11 : memref<8x32x128xf32, #tpu.memory_space<vmem>>)
    %add3A_1428 = arith.constant 328 : i32
    %add3A_1429 = arith.addi %mul3A_2, %add3A_1428 : i32
    %dma_start3A_1430 = arith.constant 0 : i32
    %dma_start3A_1431 = arith.constant 0 : i32
    %dma_start3A_1432 = tpu.memref_slice %arg5[%add3A_1429, %dma_start3A_1430, %dma_start3A_1431] : memref<12288x32x128xf32, #tpu.memory_space<hbm>> -> memref<8x32x128xf32, #tpu.memory_space<hbm>>
    %dma_start3A_1433 = arith.constant 0 : i32
    %dma_start3A_1434 = arith.constant 0 : i32
    %dma_start3A_1435 = tpu.memref_slice %arg5[%add3A_1429, %dma_start3A_1433, %dma_start3A_1434] : memref<12288x32x128xf32, #tpu.memory_space<hbm>> -> memref<8x32x128xf32, #tpu.memory_space<hbm>>
    tpu.enqueue_dma source(%arg11 : memref<8x32x128xf32, #tpu.memory_space<vmem>>) target(%dma_start3A_1435 : memref<8x32x128xf32, #tpu.memory_space<hbm>>) target_semaphore(%arg17 : memref<!tpu.dma_semaphore, #tpu.memory_space<semaphore_mem>>)
    %dma_wait3A_1436 = arith.constant 0 : i32
    %dma_wait3A_1437 = arith.constant 0 : i32
    %dma_wait3A_1438 = tpu.memref_slice %arg5[%add3A_1429, %dma_wait3A_1436, %dma_wait3A_1437] : memref<12288x32x128xf32, #tpu.memory_space<hbm>> -> memref<8x32x128xf32, #tpu.memory_space<hbm>>
    %dma_wait3A_1439 = arith.constant 0 : i32
    %dma_wait3A_1440 = arith.constant 0 : i32
    %dma_wait3A_1441 = tpu.memref_slice %arg5[%add3A_1429, %dma_wait3A_1439, %dma_wait3A_1440] : memref<12288x32x128xf32, #tpu.memory_space<hbm>> -> memref<8x32x128xf32, #tpu.memory_space<hbm>>
    tpu.wait_dma2 semaphore(%arg17 : memref<!tpu.dma_semaphore, #tpu.memory_space<semaphore_mem>>) src(%arg11 : memref<8x32x128xf32, #tpu.memory_space<vmem>>) dst(%dma_wait3A_1441 : memref<8x32x128xf32, #tpu.memory_space<hbm>>)
    %dma_start3A_1442 = arith.constant 352 : i32
    %dma_start3A_1443 = tpu.memref_slice %arg8[%dma_start3A_1442] : memref<384xi32, #tpu.memory_space<vmem>> -> memref<8xi32, #tpu.memory_space<vmem>>
    %dma_start3A_1444 = arith.constant 0 : i32
    %dma_start3A_1445 = arith.constant 0 : i32
    %dma_start3A_1446 = arith.constant 0 : i32
    %dma_start3A_1447 = tpu.memref_slice %arg2[%dma_start3A_1444, %dma_start3A_1445, %dma_start3A_1446] : memref<24000x32x128xf32, #tpu.memory_space<hbm>> -> memref<24000x32x128xf32, #tpu.memory_space<hbm>>
    tpu.enqueue_indirect_dma source(%dma_start3A_1447 : memref<24000x32x128xf32, #tpu.memory_space<hbm>>) target(%arg11 : memref<8x32x128xf32, #tpu.memory_space<vmem>>) offsets(%dma_start3A_1443 : memref<8xi32, #tpu.memory_space<vmem>>) semaphore(%arg14 : memref<!tpu.dma_semaphore, #tpu.memory_space<semaphore_mem>>)
    %dma_wait3A_1448 = arith.constant 336 : i32
    %dma_wait3A_1449 = tpu.memref_slice %arg8[%dma_wait3A_1448] : memref<384xi32, #tpu.memory_space<vmem>> -> memref<8xi32, #tpu.memory_space<vmem>>
    %dma_wait3A_1450 = arith.constant 0 : i32
    %dma_wait3A_1451 = arith.constant 0 : i32
    %dma_wait3A_1452 = arith.constant 0 : i32
    %dma_wait3A_1453 = tpu.memref_slice %arg2[%dma_wait3A_1450, %dma_wait3A_1451, %dma_wait3A_1452] : memref<24000x32x128xf32, #tpu.memory_space<hbm>> -> memref<24000x32x128xf32, #tpu.memory_space<hbm>>
    tpu.wait_indirect_dma semaphore(%arg12 : memref<!tpu.dma_semaphore, #tpu.memory_space<semaphore_mem>>) src(%dma_wait3A_1453 : memref<24000x32x128xf32, #tpu.memory_space<hbm>>) dst(%arg9 : memref<8x32x128xf32, #tpu.memory_space<vmem>>)
    %add3A_1454 = arith.constant 336 : i32
    %add3A_1455 = arith.addi %mul3A_2, %add3A_1454 : i32
    %dma_start3A_1456 = arith.constant 0 : i32
    %dma_start3A_1457 = arith.constant 0 : i32
    %dma_start3A_1458 = tpu.memref_slice %arg5[%add3A_1455, %dma_start3A_1456, %dma_start3A_1457] : memref<12288x32x128xf32, #tpu.memory_space<hbm>> -> memref<8x32x128xf32, #tpu.memory_space<hbm>>
    %dma_start3A_1459 = arith.constant 0 : i32
    %dma_start3A_1460 = arith.constant 0 : i32
    %dma_start3A_1461 = tpu.memref_slice %arg5[%add3A_1455, %dma_start3A_1459, %dma_start3A_1460] : memref<12288x32x128xf32, #tpu.memory_space<hbm>> -> memref<8x32x128xf32, #tpu.memory_space<hbm>>
    tpu.enqueue_dma source(%arg9 : memref<8x32x128xf32, #tpu.memory_space<vmem>>) target(%dma_start3A_1461 : memref<8x32x128xf32, #tpu.memory_space<hbm>>) target_semaphore(%arg15 : memref<!tpu.dma_semaphore, #tpu.memory_space<semaphore_mem>>)
    %dma_wait3A_1462 = arith.constant 0 : i32
    %dma_wait3A_1463 = arith.constant 0 : i32
    %dma_wait3A_1464 = tpu.memref_slice %arg5[%add3A_1455, %dma_wait3A_1462, %dma_wait3A_1463] : memref<12288x32x128xf32, #tpu.memory_space<hbm>> -> memref<8x32x128xf32, #tpu.memory_space<hbm>>
    %dma_wait3A_1465 = arith.constant 0 : i32
    %dma_wait3A_1466 = arith.constant 0 : i32
    %dma_wait3A_1467 = tpu.memref_slice %arg5[%add3A_1455, %dma_wait3A_1465, %dma_wait3A_1466] : memref<12288x32x128xf32, #tpu.memory_space<hbm>> -> memref<8x32x128xf32, #tpu.memory_space<hbm>>
    tpu.wait_dma2 semaphore(%arg15 : memref<!tpu.dma_semaphore, #tpu.memory_space<semaphore_mem>>) src(%arg9 : memref<8x32x128xf32, #tpu.memory_space<vmem>>) dst(%dma_wait3A_1467 : memref<8x32x128xf32, #tpu.memory_space<hbm>>)
    %dma_start3A_1468 = arith.constant 360 : i32
    %dma_start3A_1469 = tpu.memref_slice %arg8[%dma_start3A_1468] : memref<384xi32, #tpu.memory_space<vmem>> -> memref<8xi32, #tpu.memory_space<vmem>>
    %dma_start3A_1470 = arith.constant 0 : i32
    %dma_start3A_1471 = arith.constant 0 : i32
    %dma_start3A_1472 = arith.constant 0 : i32
    %dma_start3A_1473 = tpu.memref_slice %arg2[%dma_start3A_1470, %dma_start3A_1471, %dma_start3A_1472] : memref<24000x32x128xf32, #tpu.memory_space<hbm>> -> memref<24000x32x128xf32, #tpu.memory_space<hbm>>
    tpu.enqueue_indirect_dma source(%dma_start3A_1473 : memref<24000x32x128xf32, #tpu.memory_space<hbm>>) target(%arg9 : memref<8x32x128xf32, #tpu.memory_space<vmem>>) offsets(%dma_start3A_1469 : memref<8xi32, #tpu.memory_space<vmem>>) semaphore(%arg12 : memref<!tpu.dma_semaphore, #tpu.memory_space<semaphore_mem>>)
    %dma_wait3A_1474 = arith.constant 344 : i32
    %dma_wait3A_1475 = tpu.memref_slice %arg8[%dma_wait3A_1474] : memref<384xi32, #tpu.memory_space<vmem>> -> memref<8xi32, #tpu.memory_space<vmem>>
    %dma_wait3A_1476 = arith.constant 0 : i32
    %dma_wait3A_1477 = arith.constant 0 : i32
    %dma_wait3A_1478 = arith.constant 0 : i32
    %dma_wait3A_1479 = tpu.memref_slice %arg2[%dma_wait3A_1476, %dma_wait3A_1477, %dma_wait3A_1478] : memref<24000x32x128xf32, #tpu.memory_space<hbm>> -> memref<24000x32x128xf32, #tpu.memory_space<hbm>>
    tpu.wait_indirect_dma semaphore(%arg13 : memref<!tpu.dma_semaphore, #tpu.memory_space<semaphore_mem>>) src(%dma_wait3A_1479 : memref<24000x32x128xf32, #tpu.memory_space<hbm>>) dst(%arg10 : memref<8x32x128xf32, #tpu.memory_space<vmem>>)
    %add3A_1480 = arith.constant 344 : i32
    %add3A_1481 = arith.addi %mul3A_2, %add3A_1480 : i32
    %dma_start3A_1482 = arith.constant 0 : i32
    %dma_start3A_1483 = arith.constant 0 : i32
    %dma_start3A_1484 = tpu.memref_slice %arg5[%add3A_1481, %dma_start3A_1482, %dma_start3A_1483] : memref<12288x32x128xf32, #tpu.memory_space<hbm>> -> memref<8x32x128xf32, #tpu.memory_space<hbm>>
    %dma_start3A_1485 = arith.constant 0 : i32
    %dma_start3A_1486 = arith.constant 0 : i32
    %dma_start3A_1487 = tpu.memref_slice %arg5[%add3A_1481, %dma_start3A_1485, %dma_start3A_1486] : memref<12288x32x128xf32, #tpu.memory_space<hbm>> -> memref<8x32x128xf32, #tpu.memory_space<hbm>>
    tpu.enqueue_dma source(%arg10 : memref<8x32x128xf32, #tpu.memory_space<vmem>>) target(%dma_start3A_1487 : memref<8x32x128xf32, #tpu.memory_space<hbm>>) target_semaphore(%arg16 : memref<!tpu.dma_semaphore, #tpu.memory_space<semaphore_mem>>)
    %dma_wait3A_1488 = arith.constant 0 : i32
    %dma_wait3A_1489 = arith.constant 0 : i32
    %dma_wait3A_1490 = tpu.memref_slice %arg5[%add3A_1481, %dma_wait3A_1488, %dma_wait3A_1489] : memref<12288x32x128xf32, #tpu.memory_space<hbm>> -> memref<8x32x128xf32, #tpu.memory_space<hbm>>
    %dma_wait3A_1491 = arith.constant 0 : i32
    %dma_wait3A_1492 = arith.constant 0 : i32
    %dma_wait3A_1493 = tpu.memref_slice %arg5[%add3A_1481, %dma_wait3A_1491, %dma_wait3A_1492] : memref<12288x32x128xf32, #tpu.memory_space<hbm>> -> memref<8x32x128xf32, #tpu.memory_space<hbm>>
    tpu.wait_dma2 semaphore(%arg16 : memref<!tpu.dma_semaphore, #tpu.memory_space<semaphore_mem>>) src(%arg10 : memref<8x32x128xf32, #tpu.memory_space<vmem>>) dst(%dma_wait3A_1493 : memref<8x32x128xf32, #tpu.memory_space<hbm>>)
    %dma_start3A_1494 = arith.constant 368 : i32
    %dma_start3A_1495 = tpu.memref_slice %arg8[%dma_start3A_1494] : memref<384xi32, #tpu.memory_space<vmem>> -> memref<8xi32, #tpu.memory_space<vmem>>
    %dma_start3A_1496 = arith.constant 0 : i32
    %dma_start3A_1497 = arith.constant 0 : i32
    %dma_start3A_1498 = arith.constant 0 : i32
    %dma_start3A_1499 = tpu.memref_slice %arg2[%dma_start3A_1496, %dma_start3A_1497, %dma_start3A_1498] : memref<24000x32x128xf32, #tpu.memory_space<hbm>> -> memref<24000x32x128xf32, #tpu.memory_space<hbm>>
    tpu.enqueue_indirect_dma source(%dma_start3A_1499 : memref<24000x32x128xf32, #tpu.memory_space<hbm>>) target(%arg10 : memref<8x32x128xf32, #tpu.memory_space<vmem>>) offsets(%dma_start3A_1495 : memref<8xi32, #tpu.memory_space<vmem>>) semaphore(%arg13 : memref<!tpu.dma_semaphore, #tpu.memory_space<semaphore_mem>>)
    %dma_wait3A_1500 = arith.constant 352 : i32
    %dma_wait3A_1501 = tpu.memref_slice %arg8[%dma_wait3A_1500] : memref<384xi32, #tpu.memory_space<vmem>> -> memref<8xi32, #tpu.memory_space<vmem>>
    %dma_wait3A_1502 = arith.constant 0 : i32
    %dma_wait3A_1503 = arith.constant 0 : i32
    %dma_wait3A_1504 = arith.constant 0 : i32
    %dma_wait3A_1505 = tpu.memref_slice %arg2[%dma_wait3A_1502, %dma_wait3A_1503, %dma_wait3A_1504] : memref<24000x32x128xf32, #tpu.memory_space<hbm>> -> memref<24000x32x128xf32, #tpu.memory_space<hbm>>
    tpu.wait_indirect_dma semaphore(%arg14 : memref<!tpu.dma_semaphore, #tpu.memory_space<semaphore_mem>>) src(%dma_wait3A_1505 : memref<24000x32x128xf32, #tpu.memory_space<hbm>>) dst(%arg11 : memref<8x32x128xf32, #tpu.memory_space<vmem>>)
    %add3A_1506 = arith.constant 352 : i32
    %add3A_1507 = arith.addi %mul3A_2, %add3A_1506 : i32
    %dma_start3A_1508 = arith.constant 0 : i32
    %dma_start3A_1509 = arith.constant 0 : i32
    %dma_start3A_1510 = tpu.memref_slice %arg5[%add3A_1507, %dma_start3A_1508, %dma_start3A_1509] : memref<12288x32x128xf32, #tpu.memory_space<hbm>> -> memref<8x32x128xf32, #tpu.memory_space<hbm>>
    %dma_start3A_1511 = arith.constant 0 : i32
    %dma_start3A_1512 = arith.constant 0 : i32
    %dma_start3A_1513 = tpu.memref_slice %arg5[%add3A_1507, %dma_start3A_1511, %dma_start3A_1512] : memref<12288x32x128xf32, #tpu.memory_space<hbm>> -> memref<8x32x128xf32, #tpu.memory_space<hbm>>
    tpu.enqueue_dma source(%arg11 : memref<8x32x128xf32, #tpu.memory_space<vmem>>) target(%dma_start3A_1513 : memref<8x32x128xf32, #tpu.memory_space<hbm>>) target_semaphore(%arg17 : memref<!tpu.dma_semaphore, #tpu.memory_space<semaphore_mem>>)
    %dma_wait3A_1514 = arith.constant 0 : i32
    %dma_wait3A_1515 = arith.constant 0 : i32
    %dma_wait3A_1516 = tpu.memref_slice %arg5[%add3A_1507, %dma_wait3A_1514, %dma_wait3A_1515] : memref<12288x32x128xf32, #tpu.memory_space<hbm>> -> memref<8x32x128xf32, #tpu.memory_space<hbm>>
    %dma_wait3A_1517 = arith.constant 0 : i32
    %dma_wait3A_1518 = arith.constant 0 : i32
    %dma_wait3A_1519 = tpu.memref_slice %arg5[%add3A_1507, %dma_wait3A_1517, %dma_wait3A_1518] : memref<12288x32x128xf32, #tpu.memory_space<hbm>> -> memref<8x32x128xf32, #tpu.memory_space<hbm>>
    tpu.wait_dma2 semaphore(%arg17 : memref<!tpu.dma_semaphore, #tpu.memory_space<semaphore_mem>>) src(%arg11 : memref<8x32x128xf32, #tpu.memory_space<vmem>>) dst(%dma_wait3A_1519 : memref<8x32x128xf32, #tpu.memory_space<hbm>>)
    %dma_start3A_1520 = arith.constant 376 : i32
    %dma_start3A_1521 = tpu.memref_slice %arg8[%dma_start3A_1520] : memref<384xi32, #tpu.memory_space<vmem>> -> memref<8xi32, #tpu.memory_space<vmem>>
    %dma_start3A_1522 = arith.constant 0 : i32
    %dma_start3A_1523 = arith.constant 0 : i32
    %dma_start3A_1524 = arith.constant 0 : i32
    %dma_start3A_1525 = tpu.memref_slice %arg2[%dma_start3A_1522, %dma_start3A_1523, %dma_start3A_1524] : memref<24000x32x128xf32, #tpu.memory_space<hbm>> -> memref<24000x32x128xf32, #tpu.memory_space<hbm>>
    tpu.enqueue_indirect_dma source(%dma_start3A_1525 : memref<24000x32x128xf32, #tpu.memory_space<hbm>>) target(%arg11 : memref<8x32x128xf32, #tpu.memory_space<vmem>>) offsets(%dma_start3A_1521 : memref<8xi32, #tpu.memory_space<vmem>>) semaphore(%arg14 : memref<!tpu.dma_semaphore, #tpu.memory_space<semaphore_mem>>)
    %dma_wait3A_1526 = arith.constant 360 : i32
    %dma_wait3A_1527 = tpu.memref_slice %arg8[%dma_wait3A_1526] : memref<384xi32, #tpu.memory_space<vmem>> -> memref<8xi32, #tpu.memory_space<vmem>>
    %dma_wait3A_1528 = arith.constant 0 : i32
    %dma_wait3A_1529 = arith.constant 0 : i32
    %dma_wait3A_1530 = arith.constant 0 : i32
    %dma_wait3A_1531 = tpu.memref_slice %arg2[%dma_wait3A_1528, %dma_wait3A_1529, %dma_wait3A_1530] : memref<24000x32x128xf32, #tpu.memory_space<hbm>> -> memref<24000x32x128xf32, #tpu.memory_space<hbm>>
    tpu.wait_indirect_dma semaphore(%arg12 : memref<!tpu.dma_semaphore, #tpu.memory_space<semaphore_mem>>) src(%dma_wait3A_1531 : memref<24000x32x128xf32, #tpu.memory_space<hbm>>) dst(%arg9 : memref<8x32x128xf32, #tpu.memory_space<vmem>>)
    %add3A_1532 = arith.constant 360 : i32
    %add3A_1533 = arith.addi %mul3A_2, %add3A_1532 : i32
    %dma_start3A_1534 = arith.constant 0 : i32
    %dma_start3A_1535 = arith.constant 0 : i32
    %dma_start3A_1536 = tpu.memref_slice %arg5[%add3A_1533, %dma_start3A_1534, %dma_start3A_1535] : memref<12288x32x128xf32, #tpu.memory_space<hbm>> -> memref<8x32x128xf32, #tpu.memory_space<hbm>>
    %dma_start3A_1537 = arith.constant 0 : i32
    %dma_start3A_1538 = arith.constant 0 : i32
    %dma_start3A_1539 = tpu.memref_slice %arg5[%add3A_1533, %dma_start3A_1537, %dma_start3A_1538] : memref<12288x32x128xf32, #tpu.memory_space<hbm>> -> memref<8x32x128xf32, #tpu.memory_space<hbm>>
    tpu.enqueue_dma source(%arg9 : memref<8x32x128xf32, #tpu.memory_space<vmem>>) target(%dma_start3A_1539 : memref<8x32x128xf32, #tpu.memory_space<hbm>>) target_semaphore(%arg15 : memref<!tpu.dma_semaphore, #tpu.memory_space<semaphore_mem>>)
    %dma_wait3A_1540 = arith.constant 368 : i32
    %dma_wait3A_1541 = tpu.memref_slice %arg8[%dma_wait3A_1540] : memref<384xi32, #tpu.memory_space<vmem>> -> memref<8xi32, #tpu.memory_space<vmem>>
    %dma_wait3A_1542 = arith.constant 0 : i32
    %dma_wait3A_1543 = arith.constant 0 : i32
    %dma_wait3A_1544 = arith.constant 0 : i32
    %dma_wait3A_1545 = tpu.memref_slice %arg2[%dma_wait3A_1542, %dma_wait3A_1543, %dma_wait3A_1544] : memref<24000x32x128xf32, #tpu.memory_space<hbm>> -> memref<24000x32x128xf32, #tpu.memory_space<hbm>>
    tpu.wait_indirect_dma semaphore(%arg13 : memref<!tpu.dma_semaphore, #tpu.memory_space<semaphore_mem>>) src(%dma_wait3A_1545 : memref<24000x32x128xf32, #tpu.memory_space<hbm>>) dst(%arg10 : memref<8x32x128xf32, #tpu.memory_space<vmem>>)
    %add3A_1546 = arith.constant 368 : i32
    %add3A_1547 = arith.addi %mul3A_2, %add3A_1546 : i32
    %dma_start3A_1548 = arith.constant 0 : i32
    %dma_start3A_1549 = arith.constant 0 : i32
    %dma_start3A_1550 = tpu.memref_slice %arg5[%add3A_1547, %dma_start3A_1548, %dma_start3A_1549] : memref<12288x32x128xf32, #tpu.memory_space<hbm>> -> memref<8x32x128xf32, #tpu.memory_space<hbm>>
    %dma_start3A_1551 = arith.constant 0 : i32
    %dma_start3A_1552 = arith.constant 0 : i32
    %dma_start3A_1553 = tpu.memref_slice %arg5[%add3A_1547, %dma_start3A_1551, %dma_start3A_1552] : memref<12288x32x128xf32, #tpu.memory_space<hbm>> -> memref<8x32x128xf32, #tpu.memory_space<hbm>>
    tpu.enqueue_dma source(%arg10 : memref<8x32x128xf32, #tpu.memory_space<vmem>>) target(%dma_start3A_1553 : memref<8x32x128xf32, #tpu.memory_space<hbm>>) target_semaphore(%arg16 : memref<!tpu.dma_semaphore, #tpu.memory_space<semaphore_mem>>)
    %dma_wait3A_1554 = arith.constant 376 : i32
    %dma_wait3A_1555 = tpu.memref_slice %arg8[%dma_wait3A_1554] : memref<384xi32, #tpu.memory_space<vmem>> -> memref<8xi32, #tpu.memory_space<vmem>>
    %dma_wait3A_1556 = arith.constant 0 : i32
    %dma_wait3A_1557 = arith.constant 0 : i32
    %dma_wait3A_1558 = arith.constant 0 : i32
    %dma_wait3A_1559 = tpu.memref_slice %arg2[%dma_wait3A_1556, %dma_wait3A_1557, %dma_wait3A_1558] : memref<24000x32x128xf32, #tpu.memory_space<hbm>> -> memref<24000x32x128xf32, #tpu.memory_space<hbm>>
    tpu.wait_indirect_dma semaphore(%arg14 : memref<!tpu.dma_semaphore, #tpu.memory_space<semaphore_mem>>) src(%dma_wait3A_1559 : memref<24000x32x128xf32, #tpu.memory_space<hbm>>) dst(%arg11 : memref<8x32x128xf32, #tpu.memory_space<vmem>>)
    %add3A_1560 = arith.constant 376 : i32
    %add3A_1561 = arith.addi %mul3A_2, %add3A_1560 : i32
    %dma_start3A_1562 = arith.constant 0 : i32
    %dma_start3A_1563 = arith.constant 0 : i32
    %dma_start3A_1564 = tpu.memref_slice %arg5[%add3A_1561, %dma_start3A_1562, %dma_start3A_1563] : memref<12288x32x128xf32, #tpu.memory_space<hbm>> -> memref<8x32x128xf32, #tpu.memory_space<hbm>>
    %dma_start3A_1565 = arith.constant 0 : i32
    %dma_start3A_1566 = arith.constant 0 : i32
    %dma_start3A_1567 = tpu.memref_slice %arg5[%add3A_1561, %dma_start3A_1565, %dma_start3A_1566] : memref<12288x32x128xf32, #tpu.memory_space<hbm>> -> memref<8x32x128xf32, #tpu.memory_space<hbm>>
    tpu.enqueue_dma source(%arg11 : memref<8x32x128xf32, #tpu.memory_space<vmem>>) target(%dma_start3A_1567 : memref<8x32x128xf32, #tpu.memory_space<hbm>>) target_semaphore(%arg17 : memref<!tpu.dma_semaphore, #tpu.memory_space<semaphore_mem>>)
    %dma_wait3A_1568 = arith.constant 0 : i32
    %dma_wait3A_1569 = arith.constant 0 : i32
    %dma_wait3A_1570 = tpu.memref_slice %arg5[%add3A_1533, %dma_wait3A_1568, %dma_wait3A_1569] : memref<12288x32x128xf32, #tpu.memory_space<hbm>> -> memref<8x32x128xf32, #tpu.memory_space<hbm>>
    %dma_wait3A_1571 = arith.constant 0 : i32
    %dma_wait3A_1572 = arith.constant 0 : i32
    %dma_wait3A_1573 = tpu.memref_slice %arg5[%add3A_1533, %dma_wait3A_1571, %dma_wait3A_1572] : memref<12288x32x128xf32, #tpu.memory_space<hbm>> -> memref<8x32x128xf32, #tpu.memory_space<hbm>>
    tpu.wait_dma2 semaphore(%arg15 : memref<!tpu.dma_semaphore, #tpu.memory_space<semaphore_mem>>) src(%arg9 : memref<8x32x128xf32, #tpu.memory_space<vmem>>) dst(%dma_wait3A_1573 : memref<8x32x128xf32, #tpu.memory_space<hbm>>)
    %dma_wait3A_1574 = arith.constant 0 : i32
    %dma_wait3A_1575 = arith.constant 0 : i32
    %dma_wait3A_1576 = tpu.memref_slice %arg5[%add3A_1547, %dma_wait3A_1574, %dma_wait3A_1575] : memref<12288x32x128xf32, #tpu.memory_space<hbm>> -> memref<8x32x128xf32, #tpu.memory_space<hbm>>
    %dma_wait3A_1577 = arith.constant 0 : i32
    %dma_wait3A_1578 = arith.constant 0 : i32
    %dma_wait3A_1579 = tpu.memref_slice %arg5[%add3A_1547, %dma_wait3A_1577, %dma_wait3A_1578] : memref<12288x32x128xf32, #tpu.memory_space<hbm>> -> memref<8x32x128xf32, #tpu.memory_space<hbm>>
    tpu.wait_dma2 semaphore(%arg16 : memref<!tpu.dma_semaphore, #tpu.memory_space<semaphore_mem>>) src(%arg10 : memref<8x32x128xf32, #tpu.memory_space<vmem>>) dst(%dma_wait3A_1579 : memref<8x32x128xf32, #tpu.memory_space<hbm>>)
    %dma_wait3A_1580 = arith.constant 0 : i32
    %dma_wait3A_1581 = arith.constant 0 : i32
    %dma_wait3A_1582 = tpu.memref_slice %arg5[%add3A_1561, %dma_wait3A_1580, %dma_wait3A_1581] : memref<12288x32x128xf32, #tpu.memory_space<hbm>> -> memref<8x32x128xf32, #tpu.memory_space<hbm>>
    %dma_wait3A_1583 = arith.constant 0 : i32
    %dma_wait3A_1584 = arith.constant 0 : i32
    %dma_wait3A_1585 = tpu.memref_slice %arg5[%add3A_1561, %dma_wait3A_1583, %dma_wait3A_1584] : memref<12288x32x128xf32, #tpu.memory_space<hbm>> -> memref<8x32x128xf32, #tpu.memory_space<hbm>>
    tpu.wait_dma2 semaphore(%arg17 : memref<!tpu.dma_semaphore, #tpu.memory_space<semaphore_mem>>) src(%arg11 : memref<8x32x128xf32, #tpu.memory_space<vmem>>) dst(%dma_wait3A_1585 : memref<8x32x128xf32, #tpu.memory_space<hbm>>)
    return
  }
}

</mosaic_0001>

<sc_bundles>
// kernel: kernel.3.cloned.1.call-start
scs
__scs_entry_jumppad:
0x0: {  	(pc) =	sbr.rel $0x88, $3  }
0x1: {  	(tag) =	ssettag $0x0;
	lr =	simm.s32 $0x1  }
0x2: {  	[smem:$0x3F9E] =	sst lr;
	_ =	strace $0xD0000000  }
0x3: {  	_ = 	snop  }
0x4: {  	_ = 	snop  }
0x5: {  	_ = 	snop  }
0x6: {  	_ = 	snop  }
0x7: {  	_ = 	snop  }
__scs_overlays_trampoline_lowered:
0x8: {  	[smem:$0x3FAD] =	sst s0  }
0x9: {  	[smem:$0x3FAE] =	sst s1  }
0xa: {  	[smem:$0x3FAF] =	sst s2  }
0xb: {  	[smem:$0x3FB0] =	sst s3  }
0xc: {  	[smem:$0x3FB1] =	sst s4  }
0xd: {  	[smem:$0x3FB2] =	sst s5  }
0xe: {  	[smem:$0x3FB3] =	sst s6  }
0xf: {  	[smem:$0x3FB4] =	sst s7  }
0x10: {  	[smem:$0x3FB5] =	sst s8  }
0x11: {  	[smem:$0x3FB6] =	sst s9;
	s0 =	simm.s32 @!p0 $0x0  }
0x12: {  	s1 =	sld [smem:$0x3F9C];
	s0 =	simm.s32 @p0 $0x1  }
0x13: {  	[smem:$0x3FB7] =	sst s0;
	s0 =	simm.s32 @!p1 $0x0  }
0x14: {  	s2 =	sld [smem:$0x3F9B];
	s0 =	simm.s32 @p1 $0x1  }
0x15: {  	[smem:$0x3FB8] =	sst s0;
	s0 =	simm.s32 @!p2 $0x0  }
0x16: {  	s3 =	sld [smem:$0x3FDB];
	s0 =	simm.s32 @p2 $0x1  }
0x17: {  	s4 =	simm.s32 $0x1BF5;
	[smem:$0x3FBA] =	sst s0  }
0x18: {  	s0 =	sld [smem:$0x3F9D];
	_ =	swait.ge [sflag:s4], $0x0  }
0x19: {  	s7 =	sld [smem:$0x3F9E]  }
0x1a: {  	s8 =	sadd.s32 $0xFFFFE003, lr  }
0x1b: {  	s9 =	sadd.s32 $0xFFFFFEF7, lr;
	s5 =	simm.s32 $0xFFFFFFFF;
	p2 =	slt.u32 s8, $0xFFFFF086  }
0x1c: {  	p1 =	slt.u32 s9, $0xF7A;
	s5 =	simm.s32 @!p2 $0x0  }
0x1d: {  	s5 =	simm.s32 @p1 $0x1;
	p0 =	seq.s32 s7, s2  }
0x1e: {  	s7 =	smul.u32 @!p0 $0xF7A, s2;
	p2 =	seq.s32 @!p0 s5, $0x0  }
0x1f: {  	s9 =	smul.u32 $0xF7A, s1;
	s8 =	simm.s32 @!p0 $0x1BF5;
	p2 =	por !p2, p0  }
0x20: {  	[sflag:s8] =	ssyncset.s32 @!p0 $0xFFFFF086;
	s6 =	sadd.s32 @!p0 s3, s7;
	s7 =	simm.s32 @!p0 $0x108  }
0x21: {  	s3 =	sadd.s32 s3, s9;
	s6 =	sadd.s32 @!p0 $0x88, s6;
	s7 =	simm.s32 @p2 $0x1082  }
0x22: {  	[simem:s7], [sflag:s8] =	dma.local @!p0 [hbm:s6], $0xF7A  }
0x23: {  	s9 =	sor.u32 $0xD0000000, s2;
	s6 =	simm.s32 $0x108;
	_ =	swait.ge @!p0 [sflag:s8], $0x0  }
0x24: {  	s3 =	sadd.s32 $0x88, s3;
	s6 =	simm.s32 @!p1 $0x1082;
	[sflag:s4] =	ssyncset.s32 $0xFFFFF086  }
0x25: {  	[simem:s6], [sflag:s4] =	dma.local [hbm:s3], $0xF7A  }
0x26: {  	[smem:$0x3F9E] =	sst s1;
	(tag) =	ssettag s2;
	_ =	strace s9  }
0x27: {  	s1 =	sld [smem:$0x3FAE]  }
0x28: {  	s2 =	sld [smem:$0x3FAF]  }
0x29: {  	s4 =	sld [smem:$0x3FB1]  }
0x2a: {  	p0 =	seq.s32 s5, $0x0;
	s5 =	sld [smem:$0x3FB2]  }
0x2b: {  	s6 =	sld [smem:$0x3FB3]  }
0x2c: {  	s7 =	sld [smem:$0x3FB4]  }
0x2d: {  	s3 =	simm.s32 $0x108;
	s8 =	sld [smem:$0x3FB5]  }
0x2e: {  	s3 =	simm.s32 @!p0 $0x1082;
	s9 =	sld [smem:$0x3FB6]  }
0x2f: {  	lr =	sadd.s32 s0, s3;
	s0 =	sld [smem:$0x3FAD]  }
0x30: {  	s3 =	sld [smem:$0x3FB0]  }
0x31: {  	[smem:$0x3FB9] =	sst s10  }
0x32: {  	s10 =	sld [smem:$0x3FB7];
	_ =	sdelay $0x3  }
0x33: {  	p0 =	seq.s32 s10, $0x1;
	s10 =	sld [smem:$0x3FB9];
	_ =	sdelay $0x3  }
0x34: {  	[smem:$0x3FB9] =	sst s10  }
0x35: {  	s10 =	sld [smem:$0x3FB8];
	_ =	sdelay $0x3  }
0x36: {  	p1 =	seq.s32 s10, $0x1;
	s10 =	sld [smem:$0x3FB9];
	_ =	sdelay $0x3  }
0x37: {  	[smem:$0x3FB9] =	sst s10  }
0x38: {  	s10 =	sld [smem:$0x3FBA]  }
0x39: {  	_ = 	snop;
	(pc) =	sbr.ind lr, $3  }
0x3a: {  	_ = 	snop  }
0x3b: {  	_ = 	snop  }
0x3c: {  	p2 =	seq.s32 s10, $0x1;
	s10 =	sld [smem:$0x3FB9]  }
0x3d: {  	_ =	shalt  }
0x3e: {  	_ =	shalt  }
0x3f: {  	_ =	shalt  }
0x40: {  	_ =	shalt  }
0x41: {  	_ =	shalt  }
0x42: {  	_ =	shalt  }
0x43: {  	_ =	shalt  }
0x44: {  	_ =	shalt  }
0x45: {  	_ =	shalt  }
0x46: {  	_ =	shalt  }
0x47: {  	_ =	shalt  }
0x48: {  	_ =	shalt  }
0x49: {  	_ =	shalt  }
0x4a: {  	_ =	shalt  }
0x4b: {  	_ =	shalt  }
0x4c: {  	_ =	shalt  }
0x4d: {  	_ =	shalt  }
0x4e: {  	_ =	shalt  }
0x4f: {  	_ =	shalt  }
0x50: {  	_ =	shalt  }
0x51: {  	_ =	shalt  }
0x52: {  	_ =	shalt  }
0x53: {  	_ =	shalt  }
0x54: {  	_ =	shalt  }
0x55: {  	_ =	shalt  }
0x56: {  	_ =	shalt  }
0x57: {  	_ =	shalt  }
0x58: {  	_ =	shalt  }
0x59: {  	_ =	shalt  }
0x5a: {  	_ =	shalt  }
0x5b: {  	_ =	shalt  }
0x5c: {  	_ =	shalt  }
0x5d: {  	_ =	shalt  }
0x5e: {  	_ =	shalt  }
0x5f: {  	_ =	shalt  }
0x60: {  	_ =	shalt  }
0x61: {  	_ =	shalt  }
0x62: {  	_ =	shalt  }
0x63: {  	_ =	shalt  }
0x64: {  	_ =	shalt  }
0x65: {  	_ =	shalt  }
0x66: {  	_ =	shalt  }
0x67: {  	_ =	shalt  }
0x68: {  	_ =	shalt  }
0x69: {  	_ =	shalt  }
0x6a: {  	_ =	shalt  }
0x6b: {  	_ =	shalt  }
0x6c: {  	_ =	shalt  }
0x6d: {  	_ =	shalt  }
0x6e: {  	_ =	shalt  }
0x6f: {  	_ =	shalt  }
0x70: {  	_ =	shalt  }
0x71: {  	_ =	shalt  }
0x72: {  	_ =	shalt  }
0x73: {  	_ =	shalt  }
0x74: {  	_ =	shalt  }
0x75: {  	_ =	shalt  }
0x76: {  	_ =	shalt  }
0x77: {  	_ =	shalt  }
0x78: {  	_ =	shalt  }
0x79: {  	_ =	shalt  }
0x7a: {  	_ =	shalt  }
0x7b: {  	_ =	shalt  }
0x7c: {  	_ =	shalt  }
0x7d: {  	_ =	shalt  }
0x7e: {  	_ =	shalt  }
0x7f: {  	_ =	shalt  }
0x80: {  	_ =	shalt  }
0x81: {  	_ =	shalt  }
0x82: {  	_ =	shalt  }
0x83: {  	_ =	shalt  }
0x84: {  	_ =	shalt  }
0x85: {  	_ =	shalt  }
0x86: {  	_ =	shalt  }
0x87: {  	_ =	shalt  }
.Lfunc_end0:
.L_simem_size_0:
called_computation_lowered:
.L_overlay_start_0:
0x88: {  	s2 =	sld [smem:$0x3FD9]  }
0x89: {  	s3 =	sld [smem:$0x3FFE];
	_ =	sdelay $0x1  }
0x8a: {  	s1 =	srdreg.scid  }
0x8b: {  	s0 =	sand.u32 $0x1, s1  }
0x8c: {  	s17 =	sshll.u32 s0, $0xA;
	s2 =	sadd.s32 s3, s2  }
0x8d: {  	s2 =	sadd.s32 s2, s17  }
0x8e: {  	[smem:$0x3FC5] =	sst s2  }
0x8f: {  	_ = 	snop  }
0x90: {  	s2 =	sld [smem:$0x3FC9]  }
0x91: {  	s18 =	sld [smem:$0x3FC7]  }
0x92: {  	s4 =	sld [smem:$0x3FD0];
	(tm) =	ssettm $0x1  }
0x93: {  	s5 =	sld [smem:$0x3FFB];
	_ =	sdelay $0x3  }
0x94: {  	_ =	strace s5  }
0x95: {  	s5 =	sld [smem:$0x3FFC];
	_ =	sdelay $0x3  }
0x96: {  	_ =	strace s5  }
0x97: {  	s5 =	sld [smem:$0x3FFD];
	_ =	sdelay $0x3  }
0x98: {  	_ =	strace s5  }
0x99: {  	_ =	strace $0x8FFFFFFF  }
0x9a: {  	s19 =	sld [smem:$0x3FDB];
	_ =	sdelay $0x1  }
0x9b: {  	s6 =	simm.s32 $_scs_section_size  }
0x9c: {  	s7 =	simm.s32 $_size__tile_overlayer_lowered;
	s8 =	simm.s32 $_tile_overlayer_lowered  }
0x9d: {  	s22 =	simm.s32 $0x1BFF;
	s21 =	sshll.u32 s8, $0x1;
	s5 =	sadd.s32 s6, s19  }
0x9e: {  	s9 =	simm.s32 $0x0;
	s20 =	sshll.u32 s7, $0x1;
	s7 =	sadd.s32 s21, s5  }
0x9f: {  	[timem:s9], [sflag:s22] =	dma.local [hbm:s7], s20  }
0xa0: {  	_ =	swait.ge [sflag:s22], s20  }
0xa1: {  	s6 =	ssub.s32 $0x0, s20;
	[sflag:s22] =	ssyncset.done $0x0  }
0xa2: {  	[sflag:s22] =	ssyncadd.s32 s6;
	_ =	sdelay $0x1  }
0xa3: {  	s23 =	simm.s32 $0x1B8B  }
0xa4: {  	_ =	swait.ge [sflag:s23], $0x1  }
0xa5: {  	[sflag:s23] =	ssyncset.done $0x0  }
0xa6: {  	s25 =	simm.s32 $0x1B8E;
	s24 =	sld [smem:$0x3FFE];
	[sflag:s23] =	ssyncadd.s32 $0xFFFFFFFF  }
0xa7: {  	s26 =	simm.s32 $execute0_lowered;
	[smem:$0x3FD2] =	sst s25  }
0xa8: {  	s7 =	sshll.u32 s26, $0x1;
	_ =	strace $0x80000046;
	[dreg:$0x1] =	wrdreg $0xFFFFFFFF  }
0xa9: {  	s28 =	simm.s32 $_size_execute0_lowered;
	s5 =	sadd.s32 s5, s7;
	[dreg:$0x0] =	wrdreg $0x0  }
0xaa: {  	s7 =	sshll.u32 s28, $0x1;
	[dreg:$0x2] =	wrdreg s5  }
0xab: {  	[dreg:$0x3] =	wrdreg s7  }
0xac: {  	[dreg:$0x4] =	wrdreg $0xC0  }
0xad: {  	_ =	task [dreg:s9], $0x5FFFF  }
0xae: {  	[dreg:$0x1] =	wrdreg $0xFFFFFFFF  }
0xaf: {  	[dreg:$0x0] =	wrdreg $0x60  }
0xb0: {  	[dreg:$0x2] =	wrdreg s18  }
0xb1: {  	[dreg:$0x3] =	wrdreg s2  }
0xb2: {  	[dreg:$0x4] =	wrdreg s24  }
0xb3: {  	[dreg:$0x5] =	wrdreg s4  }
0xb4: {  	[dreg:$0x6] =	wrdreg $0x9  }
0xb5: {  	_ =	task.clear_ibuf [dreg:s9], $0x7FFFF;
	_ =	strace $0x90000046  }
0xb6: {  	s29 =	simm.s32 $0x9;
	_ =	strace $0x80000048  }
0xb7: {  	_ =	swait.ge [sflag:s29], $0x1  }
0xb8: {  	[sflag:s29] =	ssyncadd.s32 $0xFFFFFFFF  }
0xb9: {  	_ =	strace $0x90000048  }
0xba: {  	_ =	sfence  }
0xbb: {  	s30 =	sld [smem:$0x0];
	_ =	sdelay $0x2  }
0xbc: {  	s31 =	sshll.u32 s1, $0xD;
	s1 =	sshrl.u32 s1, $0x2  }
0xbd: {  	s3 =	sand.u32 $0x4000, s31;
	s1 =	sadd.s32 s1, s30  }
0xbe: {  	s0 =	sor.u32 s3, s0;
	s1 =	sshll.u32 s1, $0x11  }
0xbf: {  	s0 =	sor.u32 s1, s0  }
0xc0: {  	s0 =	sadd.s32 $0x8F2B, s0  }
0xc1: {  	[sflag:s0] =	ssyncadd.remote.s32 $0x1  }
0xc2: {  	_ =	sfence.sel $0xFFFF  }
0xc3: {  	[dreg:$0x0] =	wrdreg $0xFFFFFFFF;
	(pc) =	sbr.abs _section_cstart, $3  }
0xc4: {  	[dreg:$0x1] =	wrdreg $0xFFFFFFFF  }
0xc5: {  	_ =	task.clear_ibuf [dreg:s9], $0x2FFFF;
	_ =	strace $0x9FFFFFFF  }
0xc6: {  	(tm) =	ssettm $0x7FFFFFFF  }
0xc7: {  	_ =	shalt  }
tec
execute0_lowered:
.L_overlay_start_1:
0x0: {  	(tag) =	ssettag $0x1  }
0x1: {  	s1 =	rddreg [dreg:$0x0]  }
0x2: {  	s4 =	rddreg [dreg:$0x1]  }
0x3: {  	s2 =	srdreg.scid;
	s0 =	stileid.u32  }
0x4: {  	s5 =	rddreg [dreg:$0x2];
	s2 =	sand.u32 $0x1, s2;
	s7 =	sshll.u32 s0, $0x1  }
0x5: {  	s6 =	rddreg [dreg:$0x3];
	s3 =	simm.s32 $0x0;
	s7 =	sor.u32 s2, s7  }
0x6: {  	[smem:$0x7FF] =	sst s3;
	s8 =	smul.u32 $0x30000, s7  }
0x7: {  	s5 =	sadd.s32 $0x400, s5;
	_ =	strace $0x80000047;
	s9 =	sshll.u32 s7, $0x2  }
0x8: {  	[dreg:$0x5] =	wrdreg s5;
	s11 =	sadd.s32 s4, s9;
	s4 =	sadd.s32 s6, s8  }
0x9: {  	[dreg:$0x6] =	wrdreg s11;
	s12 =	sadd.s32 $0x1000, s4  }
0xa: {  	s13 =	sadd.s32 $0x2000, s4;
	[dreg:$0x7] =	wrdreg s12  }
0xb: {  	s14 =	sadd.s32 $0x3000, s4;
	[dreg:$0x8] =	wrdreg s13  }
0xc: {  	s15 =	sadd.s32 $0x4000, s4;
	[dreg:$0x9] =	wrdreg s14  }
0xd: {  	s16 =	sadd.s32 $0x5000, s4;
	[dreg:$0xa] =	wrdreg s15  }
0xe: {  	s17 =	sadd.s32 $0x6000, s4;
	[dreg:$0xb] =	wrdreg s16  }
0xf: {  	s18 =	sadd.s32 $0x7000, s4;
	[dreg:$0xc] =	wrdreg s17  }
0x10: {  	s19 =	sadd.s32 $0x8000, s4;
	[dreg:$0xd] =	wrdreg s18  }
0x11: {  	s20 =	sadd.s32 $0x9000, s4;
	[dreg:$0xe] =	wrdreg s19  }
0x12: {  	s21 =	sadd.s32 $0xA000, s4;
	[dreg:$0xf] =	wrdreg s20  }
0x13: {  	s22 =	sadd.s32 $0xB000, s4;
	[dreg:$0x10] =	wrdreg s21  }
0x14: {  	s7 =	smul.u32 $0x180000, s7;
	s23 =	sadd.s32 $0xC000, s4;
	[dreg:$0x11] =	wrdreg s22  }
0x15: {  	s24 =	sadd.s32 $0xD000, s4;
	[dreg:$0x12] =	wrdreg s23  }
0x16: {  	s7 =	sshrl.u32 s7, $0x3;
	s25 =	sadd.s32 $0xE000, s4;
	[dreg:$0x13] =	wrdreg s24  }
0x17: {  	s8 =	sadd.s32 $0xF000, s4;
	s5 =	sadd.s32 s6, s7;
	[dreg:$0x14] =	wrdreg s25  }
0x18: {  	[dreg:$0x15] =	wrdreg s8;
	s6 =	sadd.s32 $0x10000, s5  }
0x19: {  	s26 =	sadd.s32 $0x11000, s5;
	[dreg:$0x16] =	wrdreg s6  }
0x1a: {  	s0 =	sadd.s32 $0x12000, s5;
	[dreg:$0x17] =	wrdreg s26  }
0x1b: {  	s7 =	sadd.s32 $0x13000, s5;
	[dreg:$0x18] =	wrdreg s0  }
0x1c: {  	s8 =	sadd.s32 $0x14000, s5;
	[dreg:$0x19] =	wrdreg s7  }
0x1d: {  	s9 =	sadd.s32 $0x15000, s5;
	[dreg:$0x1a] =	wrdreg s8  }
0x1e: {  	s10 =	sadd.s32 $0x16000, s5;
	[dreg:$0x1b] =	wrdreg s9  }
0x1f: {  	s11 =	sadd.s32 $0x17000, s5;
	[dreg:$0x1c] =	wrdreg s10  }
0x20: {  	s12 =	sadd.s32 $0x18000, s5;
	[dreg:$0x1d] =	wrdreg s11  }
0x21: {  	s13 =	sadd.s32 $0x19000, s5;
	[dreg:$0x1e] =	wrdreg s12  }
0x22: {  	s14 =	sadd.s32 $0x1A000, s5;
	[dreg:$0x1f] =	wrdreg s13  }
0x23: {  	s15 =	sadd.s32 $0x1B000, s5;
	[smem:$0x7C6] =	sst s14  }
0x24: {  	s16 =	sadd.s32 $0x1C000, s5;
	[smem:$0x7C7] =	sst s15  }
0x25: {  	s17 =	sadd.s32 $0x1D000, s5;
	[smem:$0x7C8] =	sst s16  }
0x26: {  	s18 =	sadd.s32 $0x1E000, s5;
	[smem:$0x7C9] =	sst s17  }
0x27: {  	s19 =	sadd.s32 $0x1F000, s5;
	[smem:$0x7CA] =	sst s18  }
0x28: {  	s20 =	sadd.s32 $0x20000, s5;
	[smem:$0x7CB] =	sst s19  }
0x29: {  	s21 =	sadd.s32 $0x21000, s5;
	[smem:$0x7CC] =	sst s20  }
0x2a: {  	s22 =	sadd.s32 $0x22000, s5;
	[smem:$0x7CD] =	sst s21  }
0x2b: {  	s23 =	sadd.s32 $0x23000, s5;
	[smem:$0x7CE] =	sst s22  }
0x2c: {  	s24 =	sadd.s32 $0x24000, s5;
	[smem:$0x7CF] =	sst s23  }
0x2d: {  	s25 =	sadd.s32 $0x25000, s5;
	[smem:$0x7D0] =	sst s24  }
0x2e: {  	[smem:$0x7D1] =	sst s25;
	s26 =	sadd.s32 $0x26000, s5  }
0x2f: {  	s0 =	sadd.s32 $0x27000, s5;
	[smem:$0x7D2] =	sst s26  }
0x30: {  	s7 =	sadd.s32 $0x28000, s5;
	[smem:$0x7D3] =	sst s0  }
0x31: {  	s8 =	sadd.s32 $0x29000, s5;
	[smem:$0x7D4] =	sst s7  }
0x32: {  	s9 =	sadd.s32 $0x2A000, s5;
	[smem:$0x7D5] =	sst s8  }
0x33: {  	s10 =	sadd.s32 $0x2B000, s5;
	[smem:$0x7D6] =	sst s9  }
0x34: {  	s11 =	sadd.s32 $0x2C000, s5;
	[smem:$0x7D7] =	sst s10  }
0x35: {  	s12 =	sadd.s32 $0x2D000, s5;
	[smem:$0x7D8] =	sst s11  }
0x36: {  	s13 =	sadd.s32 $0x2E000, s5;
	[smem:$0x7D9] =	sst s12  }
0x37: {  	s5 =	sadd.s32 $0x2F000, s5;
	[smem:$0x7DA] =	sst s13  }
0x38: {  	s14 =	simm.s32 $0x80;
	[smem:$0x7DB] =	sst s5  }
0x39: {  	s15 =	simm.s32 $0x100;
	[smem:$0x7DC] =	sst s14  }
0x3a: {  	s16 =	simm.s32 $0x108;
	[smem:$0x7DD] =	sst s15  }
0x3b: {  	s17 =	simm.s32 $0x110;
	[smem:$0x7DE] =	sst s16  }
0x3c: {  	s18 =	simm.s32 $0x118;
	[smem:$0x7DF] =	sst s17  }
0x3d: {  	s19 =	simm.s32 $0x120;
	[smem:$0x7E0] =	sst s18  }
0x3e: {  	s20 =	simm.s32 $0x128;
	[smem:$0x7E1] =	sst s19  }
0x3f: {  	s21 =	simm.s32 $0x130;
	[smem:$0x7E2] =	sst s20  }
0x40: {  	s22 =	simm.s32 $0x138;
	[smem:$0x7E3] =	sst s21  }
0x41: {  	s23 =	simm.s32 $0x140;
	[smem:$0x7E4] =	sst s22  }
0x42: {  	s24 =	simm.s32 $0x148;
	[smem:$0x7E5] =	sst s23  }
0x43: {  	s25 =	simm.s32 $0x150;
	[smem:$0x7E6] =	sst s24  }
0x44: {  	s6 =	simm.s32 $0x168;
	[smem:$0x7E7] =	sst s25  }
0x45: {  	s26 =	simm.s32 $0x158;
	[smem:$0x7EA] =	sst s6  }
0x46: {  	s0 =	simm.s32 $0x160;
	[smem:$0x7E8] =	sst s26  }
0x47: {  	s7 =	simm.s32 $0x170;
	[smem:$0x7E9] =	sst s0  }
0x48: {  	s8 =	simm.s32 $0x178;
	[smem:$0x7EB] =	sst s7  }
0x49: {  	s9 =	simm.s32 $0x180;
	[smem:$0x7EC] =	sst s8  }
0x4a: {  	v0 =	vimm.s32 $0x76543210;
	v1 =	vimm.s32 $0x3210BA98;
	s10 =	simm.s32 $0x188;
	[smem:$0x7ED] =	sst s9  }
0x4b: {  	v2 =	vimm.s32 $0xBA987654;
	s28 =	simm.s32 $0x258;
	s11 =	simm.s32 $0x190;
	[smem:$0x7EE] =	sst s10  }
0x4c: {  	vm0 =	vcmask $0x2F00;
	v6 =	vlaneseq.u32;
	s29 =	simm.s32 $0x260;
	s12 =	simm.s32 $0x198;
	[smem:$0x7EF] =	sst s11  }
0x4d: {  	vm1 =	vcmask $0xF00;
	v8 =	vimm.s32 $0x7;
	v9 =	vimm.s32 $0x9;
	s30 =	simm.s32 $0x268;
	s13 =	simm.s32 $0x1A0;
	[smem:$0x7F0] =	sst s12  }
0x4e: {  	v11 =	vimm.s32 $0xB;
	v12 =	vimm.s32 $0xD;
	v14 =	vimm.s32 $0xF;
	s31 =	simm.s32 $0x270;
	s15 =	simm.s32 $0x1A8;
	[smem:$0x7F1] =	sst s13  }
0x4f: {  	v15 =	vimm.s32 $0x11;
	v17 =	vimm.s32 $0x13;
	v18 =	vimm.s32 $0x15;
	s2 =	ssub.s32 $0x2, s2;
	s16 =	simm.s32 $0x1B0;
	[smem:$0x7F2] =	sst s15  }
0x50: {  	v20 =	vimm.s32 $0x17;
	v21 =	vimm.s32 $0x19;
	v23 =	vimm.s32 $0x1D;
	s14 =	sshrl.u32 s2, $0x1;
	s17 =	simm.s32 $0x1B8;
	[smem:$0x7F3] =	sst s16  }
0x51: {  	v24 =	vimm.s32 $0x1B;
	v26 =	vimm.s32 $0x1F;
	v0 =	vunpack.c.l.s4.s8 v0;
	s6 =	simm.s32 $0x7;
	s18 =	simm.s32 $0x1C0;
	[smem:$0x7F4] =	sst s17  }
0x52: {  	v1 =	vunpack.c.l.s4.s8 v1;
	v25 =	vshrl.u32 v6, $0x3;
	v8 =	vsel vm1, $0x6, v8;
	s19 =	simm.s32 $0x1C8;
	s20 =	simm.s32 $0x1D0;
	[smem:$0x7F5] =	sst s18  }
0x53: {  	v9 =	vsel vm0, $0x8, v9;
	v11 =	vsel vm1, $0xA, v11;
	v12 =	vsel vm0, $0xC, v12;
	s21 =	simm.s32 $0x1D8;
	s22 =	simm.s32 $0x1E0;
	[smem:$0x7F6] =	sst s19  }
0x54: {  	v14 =	vsel vm1, $0xE, v14;
	v15 =	vsel vm0, $0x10, v15;
	v17 =	vsel vm1, $0x12, v17;
	s23 =	simm.s32 $0x1E8;
	s24 =	simm.s32 $0x1F0;
	[smem:$0x7F7] =	sst s20  }
0x55: {  	v18 =	vsel vm0, $0x14, v18;
	v20 =	vsel vm1, $0x16, v20;
	v21 =	vsel vm0, $0x18, v21;
	s25 =	simm.s32 $0x1F8;
	s2 =	ssub.s32 s2, s14;
	[smem:$0x7F8] =	sst s21  }
0x56: {  	v23 =	vsel vm0, $0x1C, v23;
	v24 =	vsel vm1, $0x1A, v24;
	v26 =	vsel vm1, $0x1E, v26;
	s7 =	simm.s32 $0x8;
	s8 =	simm.s32 $0x280;
	[smem:$0x7F9] =	sst s22  }
0x57: {  	v3 =	vunpack.c.0.s8.s32 v0;
	v4 =	vunpack.c.0.s8.s32 v1;
	v0 =	vunpack.c.l.s4.s8 v2;
	s9 =	simm.s32 $0x8280;
	s10 =	simm.s32 $0x10280;
	[smem:$0x7FA] =	sst s23  }
0x58: {  	v7 =	vadd.s32 $0x5, v25;
	v10 =	vadd.s32 $0x9, v25;
	v13 =	vadd.s32 $0xD, v25;
	s11 =	simm.s32 $0x1;
	s12 =	simm.s32 $0x4;
	[smem:$0x7FB] =	sst s24  }
0x59: {  	v16 =	vadd.s32 $0x11, v25;
	v2 =	vcombine.low v3, v4;
	v5 =	vunpack.c.0.s8.s32 v0;
	s13 =	simm.s32 $0x2;
	s14 =	simm.s32 $0x5;
	[smem:$0x7FC] =	sst s25  }
0x5a: {  	v19 =	vadd.s32 $0x15, v25;
	v22 =	vadd.s32 $0x19, v25;
	v1 =	vimm.s32 $0x1;
	s26 =	simm.s32 $0x200;
	s15 =	simm.s32 $0x3;
	s16 =	simm.s32 $0x6  }
0x5b: {  	v0 =	vsel vm0, $0x0, v1;
	v1 =	vand.u32 $0xF, v2;
	v6 =	vand.u32 $0xF, v5;
	s18 =	simm.s32 $0x210;
	s19 =	simm.s32 $0x218;
	s20 =	simm.s32 $0x220  }
0x5c: {  	v2 =	vadd.s32 $0x1, v25;
	v5 =	vcombine.low v4, v5;
	v4 =	vimm.s32 $0x3;
	s21 =	simm.s32 $0x228;
	s22 =	simm.s32 $0x230;
	s23 =	simm.s32 $0x238  }
0x5d: {  	v25 =	vadd.s32 $0x1D, v25;
	v3 =	vcombine.low v6, v3;
	v6 =	vimm.s32 $0x5;
	s24 =	simm.s32 $0x240;
	s25 =	simm.s32 $0x248;
	s5 =	smax.u32 s2, $0x1  }
0x5e: {  	v4 =	vsel vm1, $0x2, v4;
	v5 =	vand.u32 $0xF, v5;
	v6 =	vsel vm0, $0x4, v6;
	[smem:$0x7FD] =	sst s26;
	s26 =	simm.s32 $0x250;
	s2 =	simm.s32 $0x278  }
.LBB2_1:
0x5f: {  	s0 =	rddreg [dreg:$0x6]  }
0x60: {  	[tilespmem:s3], [sflag:$0x7] =	stream.linear.gather [hbm4b:s0+s3], $0x20, $0x38;
	[tilespmem:$0x18280] =	vst v63  }
0x61: {  	_ =	swait.ge [sflag:s6], $0x20  }
0x62: {  	s17 =	sld [smem:$0x7DC]  }
0x63: {  	[sflag:s6] =	ssyncset.done $0x0  }
0x64: {  	s0 =	rddreg [dreg:$0x5];
	[sflag:s6] =	ssyncadd.s32 $0xFFFFFFE0  }
0x65: {  	[tilespmem:s17], [sflag:$0x7] =	stream.linear.gather [hbm4b:s0+s3], $0x80, $0x38;
	[tilespmem:$0x18280] =	vst v63  }
0x66: {  	_ =	swait.ge [sflag:s6], $0x80  }
0x67: {  	[sflag:s6] =	ssyncset.done $0x0  }
0x68: {  	[sflag:s6] =	ssyncadd.s32 $0xFFFFFF80  }
0x69: {  	v28 =	vld.idx.msk [tilespmem:v0+s3+$0x0], $0xffff  }
0x6a: {  	v27 =	vld [tilespmem:$0x80];
	_ =	sdelay $0x3  }
0x6b: {  	v28 =	vshll.u32 v28, $0x1  }
0x6c: {  	v28 =	vadd.s32 v27, v28  }
0x6d: {  	v28 =	vmul.u32 $0xC, v28;
	_ =	sdelay $0x1  }
0x6e: {  	v28 =	vadd.s32 v1, v28  }
0x6f: {  	[tilespmem:$0x100] =	vst v28  }
0x70: {  	v28 =	vld.idx.msk [tilespmem:v2+s3+$0x0], $0xffff;
	_ =	sdelay $0x4  }
0x71: {  	v28 =	vshll.u32 v28, $0x1  }
0x72: {  	v28 =	vadd.s32 v27, v28  }
0x73: {  	v28 =	vmul.u32 $0xC, v28;
	_ =	sdelay $0x1  }
0x74: {  	v28 =	vadd.s32 v3, v28  }
0x75: {  	[tilespmem:$0x110] =	vst v28  }
0x76: {  	v28 =	vld.idx.msk [tilespmem:v4+s3+$0x0], $0xffff;
	_ =	sdelay $0x4  }
0x77: {  	v28 =	vshll.u32 v28, $0x1  }
0x78: {  	v28 =	vadd.s32 v27, v28  }
0x79: {  	v28 =	vmul.u32 $0xC, v28;
	_ =	sdelay $0x1  }
0x7a: {  	v28 =	vadd.s32 v5, v28  }
0x7b: {  	[tilespmem:$0x120] =	vst v28  }
0x7c: {  	v28 =	vld.idx.msk [tilespmem:v6+s3+$0x0], $0xffff;
	_ =	sdelay $0x4  }
0x7d: {  	v28 =	vshll.u32 v28, $0x1  }
0x7e: {  	v28 =	vadd.s32 v27, v28  }
0x7f: {  	v28 =	vmul.u32 $0xC, v28;
	_ =	sdelay $0x1  }
0x80: {  	v28 =	vadd.s32 v1, v28  }
0x81: {  	[tilespmem:$0x130] =	vst v28  }
0x82: {  	v28 =	vld.idx.msk [tilespmem:v7+s3+$0x0], $0xffff;
	_ =	sdelay $0x4  }
0x83: {  	v28 =	vshll.u32 v28, $0x1  }
0x84: {  	v28 =	vadd.s32 v27, v28  }
0x85: {  	v28 =	vmul.u32 $0xC, v28;
	_ =	sdelay $0x1  }
0x86: {  	v28 =	vadd.s32 v3, v28  }
0x87: {  	[tilespmem:$0x140] =	vst v28  }
0x88: {  	v28 =	vld.idx.msk [tilespmem:v8+s3+$0x0], $0xffff;
	_ =	sdelay $0x4  }
0x89: {  	v28 =	vshll.u32 v28, $0x1  }
0x8a: {  	v28 =	vadd.s32 v27, v28  }
0x8b: {  	v28 =	vmul.u32 $0xC, v28;
	_ =	sdelay $0x1  }
0x8c: {  	v28 =	vadd.s32 v5, v28  }
0x8d: {  	[tilespmem:$0x150] =	vst v28  }
0x8e: {  	v28 =	vld.idx.msk [tilespmem:v9+s3+$0x0], $0xffff;
	_ =	sdelay $0x4  }
0x8f: {  	v28 =	vshll.u32 v28, $0x1  }
0x90: {  	v28 =	vadd.s32 v27, v28  }
0x91: {  	v28 =	vmul.u32 $0xC, v28;
	_ =	sdelay $0x1  }
0x92: {  	v28 =	vadd.s32 v1, v28  }
0x93: {  	[tilespmem:$0x160] =	vst v28  }
0x94: {  	v28 =	vld.idx.msk [tilespmem:v10+s3+$0x0], $0xffff;
	_ =	sdelay $0x4  }
0x95: {  	v28 =	vshll.u32 v28, $0x1  }
0x96: {  	v28 =	vadd.s32 v27, v28  }
0x97: {  	v28 =	vmul.u32 $0xC, v28;
	_ =	sdelay $0x1  }
0x98: {  	v28 =	vadd.s32 v3, v28  }
0x99: {  	[tilespmem:$0x170] =	vst v28  }
0x9a: {  	v28 =	vld.idx.msk [tilespmem:v11+s3+$0x0], $0xffff;
	_ =	sdelay $0x4  }
0x9b: {  	v28 =	vshll.u32 v28, $0x1  }
0x9c: {  	v28 =	vadd.s32 v27, v28  }
0x9d: {  	v28 =	vmul.u32 $0xC, v28;
	_ =	sdelay $0x1  }
0x9e: {  	v28 =	vadd.s32 v5, v28  }
0x9f: {  	[tilespmem:$0x180] =	vst v28  }
0xa0: {  	v28 =	vld.idx.msk [tilespmem:v12+s3+$0x0], $0xffff;
	_ =	sdelay $0x4  }
0xa1: {  	v28 =	vshll.u32 v28, $0x1  }
0xa2: {  	v28 =	vadd.s32 v27, v28  }
0xa3: {  	v28 =	vmul.u32 $0xC, v28;
	_ =	sdelay $0x1  }
0xa4: {  	v28 =	vadd.s32 v1, v28  }
0xa5: {  	[tilespmem:$0x190] =	vst v28  }
0xa6: {  	v28 =	vld.idx.msk [tilespmem:v13+s3+$0x0], $0xffff;
	_ =	sdelay $0x4  }
0xa7: {  	v28 =	vshll.u32 v28, $0x1  }
0xa8: {  	v28 =	vadd.s32 v27, v28  }
0xa9: {  	v28 =	vmul.u32 $0xC, v28;
	_ =	sdelay $0x1  }
0xaa: {  	v28 =	vadd.s32 v3, v28  }
0xab: {  	[tilespmem:$0x1A0] =	vst v28  }
0xac: {  	v28 =	vld.idx.msk [tilespmem:v14+s3+$0x0], $0xffff;
	_ =	sdelay $0x4  }
0xad: {  	v28 =	vshll.u32 v28, $0x1  }
0xae: {  	v28 =	vadd.s32 v27, v28  }
0xaf: {  	v28 =	vmul.u32 $0xC, v28;
	_ =	sdelay $0x1  }
0xb0: {  	v28 =	vadd.s32 v5, v28  }
0xb1: {  	[tilespmem:$0x1B0] =	vst v28  }
0xb2: {  	v28 =	vld.idx.msk [tilespmem:v15+s3+$0x0], $0xffff;
	_ =	sdelay $0x4  }
0xb3: {  	v28 =	vshll.u32 v28, $0x1  }
0xb4: {  	v28 =	vadd.s32 v27, v28  }
0xb5: {  	v28 =	vmul.u32 $0xC, v28;
	_ =	sdelay $0x1  }
0xb6: {  	v28 =	vadd.s32 v1, v28  }
0xb7: {  	[tilespmem:$0x1C0] =	vst v28  }
0xb8: {  	v28 =	vld.idx.msk [tilespmem:v16+s3+$0x0], $0xffff;
	_ =	sdelay $0x4  }
0xb9: {  	v28 =	vshll.u32 v28, $0x1  }
0xba: {  	v28 =	vadd.s32 v27, v28  }
0xbb: {  	v28 =	vmul.u32 $0xC, v28;
	_ =	sdelay $0x1  }
0xbc: {  	v28 =	vadd.s32 v3, v28  }
0xbd: {  	[tilespmem:$0x1D0] =	vst v28  }
0xbe: {  	v28 =	vld.idx.msk [tilespmem:v17+s3+$0x0], $0xffff;
	_ =	sdelay $0x4  }
0xbf: {  	v28 =	vshll.u32 v28, $0x1  }
0xc0: {  	v28 =	vadd.s32 v27, v28  }
0xc1: {  	v28 =	vmul.u32 $0xC, v28;
	_ =	sdelay $0x1  }
0xc2: {  	v28 =	vadd.s32 v5, v28  }
0xc3: {  	[tilespmem:$0x1E0] =	vst v28  }
0xc4: {  	v28 =	vld.idx.msk [tilespmem:v18+s3+$0x0], $0xffff;
	_ =	sdelay $0x4  }
0xc5: {  	v28 =	vshll.u32 v28, $0x1  }
0xc6: {  	v28 =	vadd.s32 v27, v28  }
0xc7: {  	v28 =	vmul.u32 $0xC, v28;
	_ =	sdelay $0x1  }
0xc8: {  	v28 =	vadd.s32 v1, v28  }
0xc9: {  	[tilespmem:$0x1F0] =	vst v28  }
0xca: {  	v28 =	vld.idx.msk [tilespmem:v19+s3+$0x0], $0xffff;
	_ =	sdelay $0x4  }
0xcb: {  	v28 =	vshll.u32 v28, $0x1  }
0xcc: {  	v28 =	vadd.s32 v27, v28  }
0xcd: {  	v28 =	vmul.u32 $0xC, v28;
	_ =	sdelay $0x1  }
0xce: {  	v28 =	vadd.s32 v3, v28  }
0xcf: {  	[tilespmem:$0x200] =	vst v28  }
0xd0: {  	v28 =	vld.idx.msk [tilespmem:v20+s3+$0x0], $0xffff;
	_ =	sdelay $0x4  }
0xd1: {  	v28 =	vshll.u32 v28, $0x1  }
0xd2: {  	v28 =	vadd.s32 v27, v28  }
0xd3: {  	v28 =	vmul.u32 $0xC, v28;
	_ =	sdelay $0x1  }
0xd4: {  	v28 =	vadd.s32 v5, v28  }
0xd5: {  	[tilespmem:$0x210] =	vst v28  }
0xd6: {  	v28 =	vld.idx.msk [tilespmem:v21+s3+$0x0], $0xffff;
	_ =	sdelay $0x4  }
0xd7: {  	v28 =	vshll.u32 v28, $0x1  }
0xd8: {  	v28 =	vadd.s32 v27, v28  }
0xd9: {  	v28 =	vmul.u32 $0xC, v28;
	_ =	sdelay $0x1  }
0xda: {  	v28 =	vadd.s32 v1, v28  }
0xdb: {  	[tilespmem:$0x220] =	vst v28  }
0xdc: {  	v28 =	vld.idx.msk [tilespmem:v22+s3+$0x0], $0xffff;
	_ =	sdelay $0x4  }
0xdd: {  	v28 =	vshll.u32 v28, $0x1  }
0xde: {  	v28 =	vadd.s32 v27, v28  }
0xdf: {  	v28 =	vmul.u32 $0xC, v28;
	_ =	sdelay $0x1  }
0xe0: {  	v28 =	vadd.s32 v3, v28  }
0xe1: {  	[tilespmem:$0x230] =	vst v28  }
0xe2: {  	v28 =	vld.idx.msk [tilespmem:v24+s3+$0x0], $0xffff;
	_ =	sdelay $0x4  }
0xe3: {  	v28 =	vshll.u32 v28, $0x1  }
0xe4: {  	v28 =	vadd.s32 v27, v28  }
0xe5: {  	v28 =	vmul.u32 $0xC, v28;
	_ =	sdelay $0x1  }
0xe6: {  	v28 =	vadd.s32 v5, v28  }
0xe7: {  	[tilespmem:$0x240] =	vst v28  }
0xe8: {  	v28 =	vld.idx.msk [tilespmem:v23+s3+$0x0], $0xffff;
	_ =	sdelay $0x4  }
0xe9: {  	v28 =	vshll.u32 v28, $0x1  }
0xea: {  	v28 =	vadd.s32 v27, v28  }
0xeb: {  	v28 =	vmul.u32 $0xC, v28;
	_ =	sdelay $0x1  }
0xec: {  	v28 =	vadd.s32 v1, v28  }
0xed: {  	[tilespmem:$0x250] =	vst v28  }
0xee: {  	v28 =	vld.idx.msk [tilespmem:v25+s3+$0x0], $0xffff;
	_ =	sdelay $0x4  }
0xef: {  	v28 =	vshll.u32 v28, $0x1  }
0xf0: {  	v28 =	vadd.s32 v27, v28  }
0xf1: {  	v28 =	vmul.u32 $0xC, v28;
	_ =	sdelay $0x1  }
0xf2: {  	v28 =	vadd.s32 v3, v28  }
0xf3: {  	[tilespmem:$0x260] =	vst v28  }
0xf4: {  	v28 =	vld.idx.msk [tilespmem:v26+s3+$0x0], $0xffff;
	_ =	sdelay $0x4  }
0xf5: {  	v28 =	vshll.u32 v28, $0x1  }
0xf6: {  	v27 =	vadd.s32 v27, v28  }
0xf7: {  	v27 =	vmul.u32 $0xC, v27  }
0xf8: {  	s0 =	sld [smem:$0x7DD]  }
0xf9: {  	v27 =	vadd.s32 v5, v27  }
0xfa: {  	s17 =	sld [smem:$0x7DE];
	[tilespmem:$0x270] =	vst v27  }
0xfb: {  	[tilespmem:s8], [sflag:$0x1] =	stream.indirect.gather [hbm4b:s1+s7], $0x1000, s0, s7, $0xb8;
	[tilespmem:$0x18280] =	vst v63  }
0xfc: {  	s0 =	sld [smem:$0x7DF]  }
0xfd: {  	[tilespmem:s9], [sflag:$0x2] =	stream.indirect.gather [hbm4b:s1+s7], $0x1000, s17, s7, $0xb8;
	[tilespmem:$0x18280] =	vst v63  }
0xfe: {  	_ = 	snop  }
0xff: {  	[tilespmem:s10], [sflag:$0x3] =	stream.indirect.gather [hbm4b:s1+s7], $0x1000, s0, s7, $0xb8;
	[tilespmem:$0x18280] =	vst v63  }
0x100: {  	_ =	swait.ge [sflag:s11], $0x8000  }
0x101: {  	[sflag:s11] =	ssyncset.done $0x0  }
0x102: {  	[sflag:s11] =	ssyncadd.s32 $0xFFFF8000  }
0x103: {  	[hbm4b:s4+s3] =	stream.linear.scatter [tilespmem:s8], [sflag:$0x4], $0x8000, $0x38;
	[tilespmem:$0x18280] =	vst v63  }
0x104: {  	_ =	swait.ge [sflag:s12], $0x8000  }
0x105: {  	s17 =	sld [smem:$0x7E0]  }
0x106: {  	[sflag:s12] =	ssyncset.done $0x0  }
0x107: {  	[sflag:s12] =	ssyncadd.s32 $0xFFFF8000  }
0x108: {  	[tilespmem:s8], [sflag:$0x1] =	stream.indirect.gather [hbm4b:s1+s7], $0x1000, s17, s7, $0xb8;
	[tilespmem:$0x18280] =	vst v63  }
0x109: {  	_ =	swait.ge [sflag:s13], $0x8000  }
0x10a: {  	[sflag:s13] =	ssyncset.done $0x0  }
0x10b: {  	s17 =	rddreg [dreg:$0x7];
	[sflag:s13] =	ssyncadd.s32 $0xFFFF8000  }
0x10c: {  	[hbm4b:s17+s3] =	stream.linear.scatter [tilespmem:s9], [sflag:$0x5], $0x8000, $0x38;
	[tilespmem:$0x18280] =	vst v63  }
0x10d: {  	_ =	swait.ge [sflag:s14], $0x8000  }
0x10e: {  	s17 =	sld [smem:$0x7E1]  }
0x10f: {  	[sflag:s14] =	ssyncset.done $0x0  }
0x110: {  	[sflag:s14] =	ssyncadd.s32 $0xFFFF8000  }
0x111: {  	[tilespmem:s9], [sflag:$0x2] =	stream.indirect.gather [hbm4b:s1+s7], $0x1000, s17, s7, $0xb8;
	[tilespmem:$0x18280] =	vst v63  }
0x112: {  	_ =	swait.ge [sflag:s15], $0x8000  }
0x113: {  	[sflag:s15] =	ssyncset.done $0x0  }
0x114: {  	s17 =	rddreg [dreg:$0x8];
	[sflag:s15] =	ssyncadd.s32 $0xFFFF8000  }
0x115: {  	[hbm4b:s17+s3] =	stream.linear.scatter [tilespmem:s10], [sflag:$0x6], $0x8000, $0x38;
	[tilespmem:$0x18280] =	vst v63  }
0x116: {  	_ =	swait.ge [sflag:s16], $0x8000  }
0x117: {  	s17 =	sld [smem:$0x7E2]  }
0x118: {  	[sflag:s16] =	ssyncset.done $0x0  }
0x119: {  	[sflag:s16] =	ssyncadd.s32 $0xFFFF8000  }
0x11a: {  	[tilespmem:s10], [sflag:$0x3] =	stream.indirect.gather [hbm4b:s1+s7], $0x1000, s17, s7, $0xb8;
	[tilespmem:$0x18280] =	vst v63  }
0x11b: {  	_ =	swait.ge [sflag:s11], $0x8000  }
0x11c: {  	[sflag:s11] =	ssyncset.done $0x0  }
0x11d: {  	s17 =	rddreg [dreg:$0x9];
	[sflag:s11] =	ssyncadd.s32 $0xFFFF8000  }
0x11e: {  	[hbm4b:s17+s3] =	stream.linear.scatter [tilespmem:s8], [sflag:$0x4], $0x8000, $0x38;
	[tilespmem:$0x18280] =	vst v63  }
0x11f: {  	_ =	swait.ge [sflag:s12], $0x8000  }
0x120: {  	s17 =	sld [smem:$0x7E3]  }
0x121: {  	[sflag:s12] =	ssyncset.done $0x0  }
0x122: {  	[sflag:s12] =	ssyncadd.s32 $0xFFFF8000  }
0x123: {  	[tilespmem:s8], [sflag:$0x1] =	stream.indirect.gather [hbm4b:s1+s7], $0x1000, s17, s7, $0xb8;
	[tilespmem:$0x18280] =	vst v63  }
0x124: {  	_ =	swait.ge [sflag:s13], $0x8000  }
0x125: {  	[sflag:s13] =	ssyncset.done $0x0  }
0x126: {  	s17 =	rddreg [dreg:$0xa];
	[sflag:s13] =	ssyncadd.s32 $0xFFFF8000  }
0x127: {  	[hbm4b:s17+s3] =	stream.linear.scatter [tilespmem:s9], [sflag:$0x5], $0x8000, $0x38;
	[tilespmem:$0x18280] =	vst v63  }
0x128: {  	_ =	swait.ge [sflag:s14], $0x8000  }
0x129: {  	s17 =	sld [smem:$0x7E4]  }
0x12a: {  	[sflag:s14] =	ssyncset.done $0x0  }
0x12b: {  	[sflag:s14] =	ssyncadd.s32 $0xFFFF8000  }
0x12c: {  	[tilespmem:s9], [sflag:$0x2] =	stream.indirect.gather [hbm4b:s1+s7], $0x1000, s17, s7, $0xb8;
	[tilespmem:$0x18280] =	vst v63  }
0x12d: {  	_ =	swait.ge [sflag:s15], $0x8000  }
0x12e: {  	[sflag:s15] =	ssyncset.done $0x0  }
0x12f: {  	s17 =	rddreg [dreg:$0xb];
	[sflag:s15] =	ssyncadd.s32 $0xFFFF8000  }
0x130: {  	[hbm4b:s17+s3] =	stream.linear.scatter [tilespmem:s10], [sflag:$0x6], $0x8000, $0x38;
	[tilespmem:$0x18280] =	vst v63  }
0x131: {  	_ =	swait.ge [sflag:s16], $0x8000  }
0x132: {  	s17 =	sld [smem:$0x7E5]  }
0x133: {  	[sflag:s16] =	ssyncset.done $0x0  }
0x134: {  	[sflag:s16] =	ssyncadd.s32 $0xFFFF8000  }
0x135: {  	[tilespmem:s10], [sflag:$0x3] =	stream.indirect.gather [hbm4b:s1+s7], $0x1000, s17, s7, $0xb8;
	[tilespmem:$0x18280] =	vst v63  }
0x136: {  	_ =	swait.ge [sflag:s11], $0x8000  }
0x137: {  	[sflag:s11] =	ssyncset.done $0x0  }
0x138: {  	s17 =	rddreg [dreg:$0xc];
	[sflag:s11] =	ssyncadd.s32 $0xFFFF8000  }
0x139: {  	[hbm4b:s17+s3] =	stream.linear.scatter [tilespmem:s8], [sflag:$0x4], $0x8000, $0x38;
	[tilespmem:$0x18280] =	vst v63  }
0x13a: {  	_ =	swait.ge [sflag:s12], $0x8000  }
0x13b: {  	s17 =	sld [smem:$0x7E6]  }
0x13c: {  	[sflag:s12] =	ssyncset.done $0x0  }
0x13d: {  	[sflag:s12] =	ssyncadd.s32 $0xFFFF8000  }
0x13e: {  	[tilespmem:s8], [sflag:$0x1] =	stream.indirect.gather [hbm4b:s1+s7], $0x1000, s17, s7, $0xb8;
	[tilespmem:$0x18280] =	vst v63  }
0x13f: {  	_ =	swait.ge [sflag:s13], $0x8000  }
0x140: {  	[sflag:s13] =	ssyncset.done $0x0  }
0x141: {  	s17 =	rddreg [dreg:$0xd];
	[sflag:s13] =	ssyncadd.s32 $0xFFFF8000  }
0x142: {  	[hbm4b:s17+s3] =	stream.linear.scatter [tilespmem:s9], [sflag:$0x5], $0x8000, $0x38;
	[tilespmem:$0x18280] =	vst v63  }
0x143: {  	_ =	swait.ge [sflag:s14], $0x8000  }
0x144: {  	s17 =	sld [smem:$0x7E7]  }
0x145: {  	[sflag:s14] =	ssyncset.done $0x0  }
0x146: {  	[sflag:s14] =	ssyncadd.s32 $0xFFFF8000  }
0x147: {  	[tilespmem:s9], [sflag:$0x2] =	stream.indirect.gather [hbm4b:s1+s7], $0x1000, s17, s7, $0xb8;
	[tilespmem:$0x18280] =	vst v63  }
0x148: {  	_ =	swait.ge [sflag:s15], $0x8000  }
0x149: {  	[sflag:s15] =	ssyncset.done $0x0  }
0x14a: {  	s17 =	rddreg [dreg:$0xe];
	[sflag:s15] =	ssyncadd.s32 $0xFFFF8000  }
0x14b: {  	[hbm4b:s17+s3] =	stream.linear.scatter [tilespmem:s10], [sflag:$0x6], $0x8000, $0x38;
	[tilespmem:$0x18280] =	vst v63  }
0x14c: {  	_ =	swait.ge [sflag:s16], $0x8000  }
0x14d: {  	s17 =	sld [smem:$0x7E8]  }
0x14e: {  	[sflag:s16] =	ssyncset.done $0x0  }
0x14f: {  	[sflag:s16] =	ssyncadd.s32 $0xFFFF8000  }
0x150: {  	[tilespmem:s10], [sflag:$0x3] =	stream.indirect.gather [hbm4b:s1+s7], $0x1000, s17, s7, $0xb8;
	[tilespmem:$0x18280] =	vst v63  }
0x151: {  	_ =	swait.ge [sflag:s11], $0x8000  }
0x152: {  	[sflag:s11] =	ssyncset.done $0x0  }
0x153: {  	s17 =	rddreg [dreg:$0xf];
	[sflag:s11] =	ssyncadd.s32 $0xFFFF8000  }
0x154: {  	[hbm4b:s17+s3] =	stream.linear.scatter [tilespmem:s8], [sflag:$0x4], $0x8000, $0x38;
	[tilespmem:$0x18280] =	vst v63  }
0x155: {  	_ =	swait.ge [sflag:s12], $0x8000  }
0x156: {  	s17 =	sld [smem:$0x7E9]  }
0x157: {  	[sflag:s12] =	ssyncset.done $0x0  }
0x158: {  	[sflag:s12] =	ssyncadd.s32 $0xFFFF8000  }
0x159: {  	[tilespmem:s8], [sflag:$0x1] =	stream.indirect.gather [hbm4b:s1+s7], $0x1000, s17, s7, $0xb8;
	[tilespmem:$0x18280] =	vst v63  }
0x15a: {  	_ =	swait.ge [sflag:s13], $0x8000  }
0x15b: {  	[sflag:s13] =	ssyncset.done $0x0  }
0x15c: {  	s17 =	rddreg [dreg:$0x10];
	[sflag:s13] =	ssyncadd.s32 $0xFFFF8000  }
0x15d: {  	[hbm4b:s17+s3] =	stream.linear.scatter [tilespmem:s9], [sflag:$0x5], $0x8000, $0x38;
	[tilespmem:$0x18280] =	vst v63  }
0x15e: {  	_ =	swait.ge [sflag:s14], $0x8000  }
0x15f: {  	s17 =	sld [smem:$0x7EA]  }
0x160: {  	[sflag:s14] =	ssyncset.done $0x0  }
0x161: {  	[sflag:s14] =	ssyncadd.s32 $0xFFFF8000  }
0x162: {  	[tilespmem:s9], [sflag:$0x2] =	stream.indirect.gather [hbm4b:s1+s7], $0x1000, s17, s7, $0xb8;
	[tilespmem:$0x18280] =	vst v63  }
0x163: {  	_ =	swait.ge [sflag:s15], $0x8000  }
0x164: {  	[sflag:s15] =	ssyncset.done $0x0  }
0x165: {  	s17 =	rddreg [dreg:$0x11];
	[sflag:s15] =	ssyncadd.s32 $0xFFFF8000  }
0x166: {  	[hbm4b:s17+s3] =	stream.linear.scatter [tilespmem:s10], [sflag:$0x6], $0x8000, $0x38;
	[tilespmem:$0x18280] =	vst v63  }
0x167: {  	_ =	swait.ge [sflag:s16], $0x8000  }
0x168: {  	s17 =	sld [smem:$0x7EB]  }
0x169: {  	[sflag:s16] =	ssyncset.done $0x0  }
0x16a: {  	[sflag:s16] =	ssyncadd.s32 $0xFFFF8000  }
0x16b: {  	[tilespmem:s10], [sflag:$0x3] =	stream.indirect.gather [hbm4b:s1+s7], $0x1000, s17, s7, $0xb8;
	[tilespmem:$0x18280] =	vst v63  }
0x16c: {  	_ =	swait.ge [sflag:s11], $0x8000  }
0x16d: {  	[sflag:s11] =	ssyncset.done $0x0  }
0x16e: {  	s17 =	rddreg [dreg:$0x12];
	[sflag:s11] =	ssyncadd.s32 $0xFFFF8000  }
0x16f: {  	[hbm4b:s17+s3] =	stream.linear.scatter [tilespmem:s8], [sflag:$0x4], $0x8000, $0x38;
	[tilespmem:$0x18280] =	vst v63  }
0x170: {  	_ =	swait.ge [sflag:s12], $0x8000  }
0x171: {  	s17 =	sld [smem:$0x7EC]  }
0x172: {  	[sflag:s12] =	ssyncset.done $0x0  }
0x173: {  	[sflag:s12] =	ssyncadd.s32 $0xFFFF8000  }
0x174: {  	[tilespmem:s8], [sflag:$0x1] =	stream.indirect.gather [hbm4b:s1+s7], $0x1000, s17, s7, $0xb8;
	[tilespmem:$0x18280] =	vst v63  }
0x175: {  	_ =	swait.ge [sflag:s13], $0x8000  }
0x176: {  	[sflag:s13] =	ssyncset.done $0x0  }
0x177: {  	s17 =	rddreg [dreg:$0x13];
	[sflag:s13] =	ssyncadd.s32 $0xFFFF8000  }
0x178: {  	[hbm4b:s17+s3] =	stream.linear.scatter [tilespmem:s9], [sflag:$0x5], $0x8000, $0x38;
	[tilespmem:$0x18280] =	vst v63  }
0x179: {  	_ =	swait.ge [sflag:s14], $0x8000  }
0x17a: {  	s17 =	sld [smem:$0x7ED]  }
0x17b: {  	[sflag:s14] =	ssyncset.done $0x0  }
0x17c: {  	[sflag:s14] =	ssyncadd.s32 $0xFFFF8000  }
0x17d: {  	[tilespmem:s9], [sflag:$0x2] =	stream.indirect.gather [hbm4b:s1+s7], $0x1000, s17, s7, $0xb8;
	[tilespmem:$0x18280] =	vst v63  }
0x17e: {  	_ =	swait.ge [sflag:s15], $0x8000  }
0x17f: {  	[sflag:s15] =	ssyncset.done $0x0  }
0x180: {  	s17 =	rddreg [dreg:$0x14];
	[sflag:s15] =	ssyncadd.s32 $0xFFFF8000  }
0x181: {  	[hbm4b:s17+s3] =	stream.linear.scatter [tilespmem:s10], [sflag:$0x6], $0x8000, $0x38;
	[tilespmem:$0x18280] =	vst v63  }
0x182: {  	_ =	swait.ge [sflag:s16], $0x8000  }
0x183: {  	s17 =	sld [smem:$0x7EE]  }
0x184: {  	[sflag:s16] =	ssyncset.done $0x0  }
0x185: {  	[sflag:s16] =	ssyncadd.s32 $0xFFFF8000  }
0x186: {  	[tilespmem:s10], [sflag:$0x3] =	stream.indirect.gather [hbm4b:s1+s7], $0x1000, s17, s7, $0xb8;
	[tilespmem:$0x18280] =	vst v63  }
0x187: {  	_ =	swait.ge [sflag:s11], $0x8000  }
0x188: {  	[sflag:s11] =	ssyncset.done $0x0  }
0x189: {  	s17 =	rddreg [dreg:$0x15];
	[sflag:s11] =	ssyncadd.s32 $0xFFFF8000  }
0x18a: {  	[hbm4b:s17+s3] =	stream.linear.scatter [tilespmem:s8], [sflag:$0x4], $0x8000, $0x38;
	[tilespmem:$0x18280] =	vst v63  }
0x18b: {  	_ =	swait.ge [sflag:s12], $0x8000  }
0x18c: {  	s17 =	sld [smem:$0x7EF]  }
0x18d: {  	[sflag:s12] =	ssyncset.done $0x0  }
0x18e: {  	[sflag:s12] =	ssyncadd.s32 $0xFFFF8000  }
0x18f: {  	[tilespmem:s8], [sflag:$0x1] =	stream.indirect.gather [hbm4b:s1+s7], $0x1000, s17, s7, $0xb8;
	[tilespmem:$0x18280] =	vst v63  }
0x190: {  	_ =	swait.ge [sflag:s13], $0x8000  }
0x191: {  	[sflag:s13] =	ssyncset.done $0x0  }
0x192: {  	s17 =	rddreg [dreg:$0x16];
	[sflag:s13] =	ssyncadd.s32 $0xFFFF8000  }
0x193: {  	[hbm4b:s17+s3] =	stream.linear.scatter [tilespmem:s9], [sflag:$0x5], $0x8000, $0x38;
	[tilespmem:$0x18280] =	vst v63  }
0x194: {  	_ =	swait.ge [sflag:s14], $0x8000  }
0x195: {  	s17 =	sld [smem:$0x7F0]  }
0x196: {  	[sflag:s14] =	ssyncset.done $0x0  }
0x197: {  	[sflag:s14] =	ssyncadd.s32 $0xFFFF8000  }
0x198: {  	[tilespmem:s9], [sflag:$0x2] =	stream.indirect.gather [hbm4b:s1+s7], $0x1000, s17, s7, $0xb8;
	[tilespmem:$0x18280] =	vst v63  }
0x199: {  	_ =	swait.ge [sflag:s15], $0x8000  }
0x19a: {  	[sflag:s15] =	ssyncset.done $0x0  }
0x19b: {  	s17 =	rddreg [dreg:$0x17];
	[sflag:s15] =	ssyncadd.s32 $0xFFFF8000  }
0x19c: {  	[hbm4b:s17+s3] =	stream.linear.scatter [tilespmem:s10], [sflag:$0x6], $0x8000, $0x38;
	[tilespmem:$0x18280] =	vst v63  }
0x19d: {  	_ =	swait.ge [sflag:s16], $0x8000  }
0x19e: {  	s17 =	sld [smem:$0x7F1]  }
0x19f: {  	[sflag:s16] =	ssyncset.done $0x0  }
0x1a0: {  	[sflag:s16] =	ssyncadd.s32 $0xFFFF8000  }
0x1a1: {  	[tilespmem:s10], [sflag:$0x3] =	stream.indirect.gather [hbm4b:s1+s7], $0x1000, s17, s7, $0xb8;
	[tilespmem:$0x18280] =	vst v63  }
0x1a2: {  	_ =	swait.ge [sflag:s11], $0x8000  }
0x1a3: {  	[sflag:s11] =	ssyncset.done $0x0  }
0x1a4: {  	s17 =	rddreg [dreg:$0x18];
	[sflag:s11] =	ssyncadd.s32 $0xFFFF8000  }
0x1a5: {  	[hbm4b:s17+s3] =	stream.linear.scatter [tilespmem:s8], [sflag:$0x4], $0x8000, $0x38;
	[tilespmem:$0x18280] =	vst v63  }
0x1a6: {  	_ =	swait.ge [sflag:s12], $0x8000  }
0x1a7: {  	s17 =	sld [smem:$0x7F2]  }
0x1a8: {  	[sflag:s12] =	ssyncset.done $0x0  }
0x1a9: {  	[sflag:s12] =	ssyncadd.s32 $0xFFFF8000  }
0x1aa: {  	[tilespmem:s8], [sflag:$0x1] =	stream.indirect.gather [hbm4b:s1+s7], $0x1000, s17, s7, $0xb8;
	[tilespmem:$0x18280] =	vst v63  }
0x1ab: {  	_ =	swait.ge [sflag:s13], $0x8000  }
0x1ac: {  	[sflag:s13] =	ssyncset.done $0x0  }
0x1ad: {  	s17 =	rddreg [dreg:$0x19];
	[sflag:s13] =	ssyncadd.s32 $0xFFFF8000  }
0x1ae: {  	[hbm4b:s17+s3] =	stream.linear.scatter [tilespmem:s9], [sflag:$0x5], $0x8000, $0x38;
	[tilespmem:$0x18280] =	vst v63  }
0x1af: {  	_ =	swait.ge [sflag:s14], $0x8000  }
0x1b0: {  	s17 =	sld [smem:$0x7F3]  }
0x1b1: {  	[sflag:s14] =	ssyncset.done $0x0  }
0x1b2: {  	[sflag:s14] =	ssyncadd.s32 $0xFFFF8000  }
0x1b3: {  	[tilespmem:s9], [sflag:$0x2] =	stream.indirect.gather [hbm4b:s1+s7], $0x1000, s17, s7, $0xb8;
	[tilespmem:$0x18280] =	vst v63  }
0x1b4: {  	_ =	swait.ge [sflag:s15], $0x8000  }
0x1b5: {  	[sflag:s15] =	ssyncset.done $0x0  }
0x1b6: {  	s17 =	rddreg [dreg:$0x1a];
	[sflag:s15] =	ssyncadd.s32 $0xFFFF8000  }
0x1b7: {  	[hbm4b:s17+s3] =	stream.linear.scatter [tilespmem:s10], [sflag:$0x6], $0x8000, $0x38;
	[tilespmem:$0x18280] =	vst v63  }
0x1b8: {  	_ =	swait.ge [sflag:s16], $0x8000  }
0x1b9: {  	s17 =	sld [smem:$0x7F4]  }
0x1ba: {  	[sflag:s16] =	ssyncset.done $0x0  }
0x1bb: {  	[sflag:s16] =	ssyncadd.s32 $0xFFFF8000  }
0x1bc: {  	[tilespmem:s10], [sflag:$0x3] =	stream.indirect.gather [hbm4b:s1+s7], $0x1000, s17, s7, $0xb8;
	[tilespmem:$0x18280] =	vst v63  }
0x1bd: {  	_ =	swait.ge [sflag:s11], $0x8000  }
0x1be: {  	[sflag:s11] =	ssyncset.done $0x0  }
0x1bf: {  	s17 =	rddreg [dreg:$0x1b];
	[sflag:s11] =	ssyncadd.s32 $0xFFFF8000  }
0x1c0: {  	[hbm4b:s17+s3] =	stream.linear.scatter [tilespmem:s8], [sflag:$0x4], $0x8000, $0x38;
	[tilespmem:$0x18280] =	vst v63  }
0x1c1: {  	_ =	swait.ge [sflag:s12], $0x8000  }
0x1c2: {  	s17 =	sld [smem:$0x7F5]  }
0x1c3: {  	[sflag:s12] =	ssyncset.done $0x0  }
0x1c4: {  	[sflag:s12] =	ssyncadd.s32 $0xFFFF8000  }
0x1c5: {  	[tilespmem:s8], [sflag:$0x1] =	stream.indirect.gather [hbm4b:s1+s7], $0x1000, s17, s7, $0xb8;
	[tilespmem:$0x18280] =	vst v63  }
0x1c6: {  	_ =	swait.ge [sflag:s13], $0x8000  }
0x1c7: {  	[sflag:s13] =	ssyncset.done $0x0  }
0x1c8: {  	s17 =	rddreg [dreg:$0x1c];
	[sflag:s13] =	ssyncadd.s32 $0xFFFF8000  }
0x1c9: {  	[hbm4b:s17+s3] =	stream.linear.scatter [tilespmem:s9], [sflag:$0x5], $0x8000, $0x38;
	[tilespmem:$0x18280] =	vst v63  }
0x1ca: {  	_ =	swait.ge [sflag:s14], $0x8000  }
0x1cb: {  	s17 =	sld [smem:$0x7F6]  }
0x1cc: {  	[sflag:s14] =	ssyncset.done $0x0  }
0x1cd: {  	[sflag:s14] =	ssyncadd.s32 $0xFFFF8000  }
0x1ce: {  	[tilespmem:s9], [sflag:$0x2] =	stream.indirect.gather [hbm4b:s1+s7], $0x1000, s17, s7, $0xb8;
	[tilespmem:$0x18280] =	vst v63  }
0x1cf: {  	_ =	swait.ge [sflag:s15], $0x8000  }
0x1d0: {  	[sflag:s15] =	ssyncset.done $0x0  }
0x1d1: {  	s17 =	rddreg [dreg:$0x1d];
	[sflag:s15] =	ssyncadd.s32 $0xFFFF8000  }
0x1d2: {  	[hbm4b:s17+s3] =	stream.linear.scatter [tilespmem:s10], [sflag:$0x6], $0x8000, $0x38;
	[tilespmem:$0x18280] =	vst v63  }
0x1d3: {  	_ =	swait.ge [sflag:s16], $0x8000  }
0x1d4: {  	s17 =	sld [smem:$0x7F7]  }
0x1d5: {  	[sflag:s16] =	ssyncset.done $0x0  }
0x1d6: {  	[sflag:s16] =	ssyncadd.s32 $0xFFFF8000  }
0x1d7: {  	[tilespmem:s10], [sflag:$0x3] =	stream.indirect.gather [hbm4b:s1+s7], $0x1000, s17, s7, $0xb8;
	[tilespmem:$0x18280] =	vst v63  }
0x1d8: {  	_ =	swait.ge [sflag:s11], $0x8000  }
0x1d9: {  	[sflag:s11] =	ssyncset.done $0x0  }
0x1da: {  	s17 =	rddreg [dreg:$0x1e];
	[sflag:s11] =	ssyncadd.s32 $0xFFFF8000  }
0x1db: {  	[hbm4b:s17+s3] =	stream.linear.scatter [tilespmem:s8], [sflag:$0x4], $0x8000, $0x38;
	[tilespmem:$0x18280] =	vst v63  }
0x1dc: {  	_ =	swait.ge [sflag:s12], $0x8000  }
0x1dd: {  	s17 =	sld [smem:$0x7F8]  }
0x1de: {  	[sflag:s12] =	ssyncset.done $0x0  }
0x1df: {  	[sflag:s12] =	ssyncadd.s32 $0xFFFF8000  }
0x1e0: {  	[tilespmem:s8], [sflag:$0x1] =	stream.indirect.gather [hbm4b:s1+s7], $0x1000, s17, s7, $0xb8;
	[tilespmem:$0x18280] =	vst v63  }
0x1e1: {  	_ =	swait.ge [sflag:s13], $0x8000  }
0x1e2: {  	[sflag:s13] =	ssyncset.done $0x0  }
0x1e3: {  	s17 =	rddreg [dreg:$0x1f];
	[sflag:s13] =	ssyncadd.s32 $0xFFFF8000  }
0x1e4: {  	[hbm4b:s17+s3] =	stream.linear.scatter [tilespmem:s9], [sflag:$0x5], $0x8000, $0x38;
	[tilespmem:$0x18280] =	vst v63  }
0x1e5: {  	_ =	swait.ge [sflag:s14], $0x8000  }
0x1e6: {  	s17 =	sld [smem:$0x7F9]  }
0x1e7: {  	[sflag:s14] =	ssyncset.done $0x0  }
0x1e8: {  	[sflag:s14] =	ssyncadd.s32 $0xFFFF8000  }
0x1e9: {  	[tilespmem:s9], [sflag:$0x2] =	stream.indirect.gather [hbm4b:s1+s7], $0x1000, s17, s7, $0xb8;
	[tilespmem:$0x18280] =	vst v63  }
0x1ea: {  	_ =	swait.ge [sflag:s15], $0x8000  }
0x1eb: {  	s17 =	sld [smem:$0x7C6]  }
0x1ec: {  	[sflag:s15] =	ssyncset.done $0x0  }
0x1ed: {  	[sflag:s15] =	ssyncadd.s32 $0xFFFF8000  }
0x1ee: {  	[hbm4b:s17+s3] =	stream.linear.scatter [tilespmem:s10], [sflag:$0x6], $0x8000, $0x38;
	[tilespmem:$0x18280] =	vst v63  }
0x1ef: {  	_ =	swait.ge [sflag:s16], $0x8000  }
0x1f0: {  	s17 =	sld [smem:$0x7FA]  }
0x1f1: {  	[sflag:s16] =	ssyncset.done $0x0  }
0x1f2: {  	[sflag:s16] =	ssyncadd.s32 $0xFFFF8000  }
0x1f3: {  	[tilespmem:s10], [sflag:$0x3] =	stream.indirect.gather [hbm4b:s1+s7], $0x1000, s17, s7, $0xb8;
	[tilespmem:$0x18280] =	vst v63  }
0x1f4: {  	_ =	swait.ge [sflag:s11], $0x8000  }
0x1f5: {  	s17 =	sld [smem:$0x7C7]  }
0x1f6: {  	[sflag:s11] =	ssyncset.done $0x0  }
0x1f7: {  	[sflag:s11] =	ssyncadd.s32 $0xFFFF8000  }
0x1f8: {  	[hbm4b:s17+s3] =	stream.linear.scatter [tilespmem:s8], [sflag:$0x4], $0x8000, $0x38;
	[tilespmem:$0x18280] =	vst v63  }
0x1f9: {  	_ =	swait.ge [sflag:s12], $0x8000  }
0x1fa: {  	s17 =	sld [smem:$0x7FB]  }
0x1fb: {  	[sflag:s12] =	ssyncset.done $0x0  }
0x1fc: {  	[sflag:s12] =	ssyncadd.s32 $0xFFFF8000  }
0x1fd: {  	[tilespmem:s8], [sflag:$0x1] =	stream.indirect.gather [hbm4b:s1+s7], $0x1000, s17, s7, $0xb8;
	[tilespmem:$0x18280] =	vst v63  }
0x1fe: {  	_ =	swait.ge [sflag:s13], $0x8000  }
0x1ff: {  	s17 =	sld [smem:$0x7C8]  }
0x200: {  	[sflag:s13] =	ssyncset.done $0x0  }
0x201: {  	[sflag:s13] =	ssyncadd.s32 $0xFFFF8000  }
0x202: {  	[hbm4b:s17+s3] =	stream.linear.scatter [tilespmem:s9], [sflag:$0x5], $0x8000, $0x38;
	[tilespmem:$0x18280] =	vst v63  }
0x203: {  	_ =	swait.ge [sflag:s14], $0x8000  }
0x204: {  	s17 =	sld [smem:$0x7FC]  }
0x205: {  	[sflag:s14] =	ssyncset.done $0x0  }
0x206: {  	[sflag:s14] =	ssyncadd.s32 $0xFFFF8000  }
0x207: {  	[tilespmem:s9], [sflag:$0x2] =	stream.indirect.gather [hbm4b:s1+s7], $0x1000, s17, s7, $0xb8;
	[tilespmem:$0x18280] =	vst v63  }
0x208: {  	_ =	swait.ge [sflag:s15], $0x8000  }
0x209: {  	s17 =	sld [smem:$0x7C9]  }
0x20a: {  	[sflag:s15] =	ssyncset.done $0x0  }
0x20b: {  	[sflag:s15] =	ssyncadd.s32 $0xFFFF8000  }
0x20c: {  	[hbm4b:s17+s3] =	stream.linear.scatter [tilespmem:s10], [sflag:$0x6], $0x8000, $0x38;
	[tilespmem:$0x18280] =	vst v63  }
0x20d: {  	_ =	swait.ge [sflag:s16], $0x8000  }
0x20e: {  	s17 =	sld [smem:$0x7FD]  }
0x20f: {  	[sflag:s16] =	ssyncset.done $0x0  }
0x210: {  	[sflag:s16] =	ssyncadd.s32 $0xFFFF8000  }
0x211: {  	[tilespmem:s10], [sflag:$0x3] =	stream.indirect.gather [hbm4b:s1+s7], $0x1000, s17, s7, $0xb8;
	[tilespmem:$0x18280] =	vst v63  }
0x212: {  	_ =	swait.ge [sflag:s11], $0x8000  }
0x213: {  	s17 =	sld [smem:$0x7CA]  }
0x214: {  	[sflag:s11] =	ssyncset.done $0x0  }
0x215: {  	[sflag:s11] =	ssyncadd.s32 $0xFFFF8000  }
0x216: {  	[hbm4b:s17+s3] =	stream.linear.scatter [tilespmem:s8], [sflag:$0x4], $0x8000, $0x38;
	[tilespmem:$0x18280] =	vst v63  }
0x217: {  	_ =	swait.ge [sflag:s12], $0x8000  }
0x218: {  	[sflag:s12] =	ssyncset.done $0x0  }
0x219: {  	s17 =	simm.s32 $0x208;
	[sflag:s12] =	ssyncadd.s32 $0xFFFF8000  }
0x21a: {  	[tilespmem:s8], [sflag:$0x1] =	stream.indirect.gather [hbm4b:s1+s7], $0x1000, s17, s7, $0xb8;
	[tilespmem:$0x18280] =	vst v63  }
0x21b: {  	_ =	swait.ge [sflag:s13], $0x8000  }
0x21c: {  	s17 =	sld [smem:$0x7CB]  }
0x21d: {  	[sflag:s13] =	ssyncset.done $0x0  }
0x21e: {  	[sflag:s13] =	ssyncadd.s32 $0xFFFF8000  }
0x21f: {  	[hbm4b:s17+s3] =	stream.linear.scatter [tilespmem:s9], [sflag:$0x5], $0x8000, $0x38;
	[tilespmem:$0x18280] =	vst v63  }
0x220: {  	_ =	swait.ge [sflag:s14], $0x8000  }
0x221: {  	[sflag:s14] =	ssyncset.done $0x0  }
0x222: {  	[sflag:s14] =	ssyncadd.s32 $0xFFFF8000  }
0x223: {  	[tilespmem:s9], [sflag:$0x2] =	stream.indirect.gather [hbm4b:s1+s7], $0x1000, s18, s7, $0xb8;
	[tilespmem:$0x18280] =	vst v63  }
0x224: {  	_ =	swait.ge [sflag:s15], $0x8000  }
0x225: {  	s17 =	sld [smem:$0x7CC]  }
0x226: {  	[sflag:s15] =	ssyncset.done $0x0  }
0x227: {  	[sflag:s15] =	ssyncadd.s32 $0xFFFF8000  }
0x228: {  	[hbm4b:s17+s3] =	stream.linear.scatter [tilespmem:s10], [sflag:$0x6], $0x8000, $0x38;
	[tilespmem:$0x18280] =	vst v63  }
0x229: {  	_ =	swait.ge [sflag:s16], $0x8000  }
0x22a: {  	[sflag:s16] =	ssyncset.done $0x0  }
0x22b: {  	[sflag:s16] =	ssyncadd.s32 $0xFFFF8000  }
0x22c: {  	[tilespmem:s10], [sflag:$0x3] =	stream.indirect.gather [hbm4b:s1+s7], $0x1000, s19, s7, $0xb8;
	[tilespmem:$0x18280] =	vst v63  }
0x22d: {  	_ =	swait.ge [sflag:s11], $0x8000  }
0x22e: {  	s17 =	sld [smem:$0x7CD]  }
0x22f: {  	[sflag:s11] =	ssyncset.done $0x0  }
0x230: {  	[sflag:s11] =	ssyncadd.s32 $0xFFFF8000  }
0x231: {  	[hbm4b:s17+s3] =	stream.linear.scatter [tilespmem:s8], [sflag:$0x4], $0x8000, $0x38;
	[tilespmem:$0x18280] =	vst v63  }
0x232: {  	_ =	swait.ge [sflag:s12], $0x8000  }
0x233: {  	[sflag:s12] =	ssyncset.done $0x0  }
0x234: {  	[sflag:s12] =	ssyncadd.s32 $0xFFFF8000  }
0x235: {  	[tilespmem:s8], [sflag:$0x1] =	stream.indirect.gather [hbm4b:s1+s7], $0x1000, s20, s7, $0xb8;
	[tilespmem:$0x18280] =	vst v63  }
0x236: {  	_ =	swait.ge [sflag:s13], $0x8000  }
0x237: {  	s17 =	sld [smem:$0x7CE]  }
0x238: {  	[sflag:s13] =	ssyncset.done $0x0  }
0x239: {  	[sflag:s13] =	ssyncadd.s32 $0xFFFF8000  }
0x23a: {  	[hbm4b:s17+s3] =	stream.linear.scatter [tilespmem:s9], [sflag:$0x5], $0x8000, $0x38;
	[tilespmem:$0x18280] =	vst v63  }
0x23b: {  	_ =	swait.ge [sflag:s14], $0x8000  }
0x23c: {  	[sflag:s14] =	ssyncset.done $0x0  }
0x23d: {  	[sflag:s14] =	ssyncadd.s32 $0xFFFF8000  }
0x23e: {  	[tilespmem:s9], [sflag:$0x2] =	stream.indirect.gather [hbm4b:s1+s7], $0x1000, s21, s7, $0xb8;
	[tilespmem:$0x18280] =	vst v63  }
0x23f: {  	_ =	swait.ge [sflag:s15], $0x8000  }
0x240: {  	s17 =	sld [smem:$0x7CF]  }
0x241: {  	[sflag:s15] =	ssyncset.done $0x0  }
0x242: {  	[sflag:s15] =	ssyncadd.s32 $0xFFFF8000  }
0x243: {  	[hbm4b:s17+s3] =	stream.linear.scatter [tilespmem:s10], [sflag:$0x6], $0x8000, $0x38;
	[tilespmem:$0x18280] =	vst v63  }
0x244: {  	_ =	swait.ge [sflag:s16], $0x8000  }
0x245: {  	[sflag:s16] =	ssyncset.done $0x0  }
0x246: {  	[sflag:s16] =	ssyncadd.s32 $0xFFFF8000  }
0x247: {  	[tilespmem:s10], [sflag:$0x3] =	stream.indirect.gather [hbm4b:s1+s7], $0x1000, s22, s7, $0xb8;
	[tilespmem:$0x18280] =	vst v63  }
0x248: {  	_ =	swait.ge [sflag:s11], $0x8000  }
0x249: {  	s17 =	sld [smem:$0x7D0]  }
0x24a: {  	[sflag:s11] =	ssyncset.done $0x0  }
0x24b: {  	[sflag:s11] =	ssyncadd.s32 $0xFFFF8000  }
0x24c: {  	[hbm4b:s17+s3] =	stream.linear.scatter [tilespmem:s8], [sflag:$0x4], $0x8000, $0x38;
	[tilespmem:$0x18280] =	vst v63  }
0x24d: {  	_ =	swait.ge [sflag:s12], $0x8000  }
0x24e: {  	[sflag:s12] =	ssyncset.done $0x0  }
0x24f: {  	[sflag:s12] =	ssyncadd.s32 $0xFFFF8000  }
0x250: {  	[tilespmem:s8], [sflag:$0x1] =	stream.indirect.gather [hbm4b:s1+s7], $0x1000, s23, s7, $0xb8;
	[tilespmem:$0x18280] =	vst v63  }
0x251: {  	_ =	swait.ge [sflag:s13], $0x8000  }
0x252: {  	s17 =	sld [smem:$0x7D1]  }
0x253: {  	[sflag:s13] =	ssyncset.done $0x0  }
0x254: {  	[sflag:s13] =	ssyncadd.s32 $0xFFFF8000  }
0x255: {  	[hbm4b:s17+s3] =	stream.linear.scatter [tilespmem:s9], [sflag:$0x5], $0x8000, $0x38;
	[tilespmem:$0x18280] =	vst v63  }
0x256: {  	_ =	swait.ge [sflag:s14], $0x8000  }
0x257: {  	[sflag:s14] =	ssyncset.done $0x0  }
0x258: {  	[sflag:s14] =	ssyncadd.s32 $0xFFFF8000  }
0x259: {  	[tilespmem:s9], [sflag:$0x2] =	stream.indirect.gather [hbm4b:s1+s7], $0x1000, s24, s7, $0xb8;
	[tilespmem:$0x18280] =	vst v63  }
0x25a: {  	_ =	swait.ge [sflag:s15], $0x8000  }
0x25b: {  	s17 =	sld [smem:$0x7D2]  }
0x25c: {  	[sflag:s15] =	ssyncset.done $0x0  }
0x25d: {  	[sflag:s15] =	ssyncadd.s32 $0xFFFF8000  }
0x25e: {  	[hbm4b:s17+s3] =	stream.linear.scatter [tilespmem:s10], [sflag:$0x6], $0x8000, $0x38;
	[tilespmem:$0x18280] =	vst v63  }
0x25f: {  	_ =	swait.ge [sflag:s16], $0x8000  }
0x260: {  	[sflag:s16] =	ssyncset.done $0x0  }
0x261: {  	[sflag:s16] =	ssyncadd.s32 $0xFFFF8000  }
0x262: {  	[tilespmem:s10], [sflag:$0x3] =	stream.indirect.gather [hbm4b:s1+s7], $0x1000, s25, s7, $0xb8;
	[tilespmem:$0x18280] =	vst v63  }
0x263: {  	_ =	swait.ge [sflag:s11], $0x8000  }
0x264: {  	s17 =	sld [smem:$0x7D3]  }
0x265: {  	[sflag:s11] =	ssyncset.done $0x0  }
0x266: {  	[sflag:s11] =	ssyncadd.s32 $0xFFFF8000  }
0x267: {  	[hbm4b:s17+s3] =	stream.linear.scatter [tilespmem:s8], [sflag:$0x4], $0x8000, $0x38;
	[tilespmem:$0x18280] =	vst v63  }
0x268: {  	_ =	swait.ge [sflag:s12], $0x8000  }
0x269: {  	[sflag:s12] =	ssyncset.done $0x0  }
0x26a: {  	[sflag:s12] =	ssyncadd.s32 $0xFFFF8000  }
0x26b: {  	[tilespmem:s8], [sflag:$0x1] =	stream.indirect.gather [hbm4b:s1+s7], $0x1000, s26, s7, $0xb8;
	[tilespmem:$0x18280] =	vst v63  }
0x26c: {  	_ =	swait.ge [sflag:s13], $0x8000  }
0x26d: {  	s17 =	sld [smem:$0x7D4]  }
0x26e: {  	[sflag:s13] =	ssyncset.done $0x0  }
0x26f: {  	[sflag:s13] =	ssyncadd.s32 $0xFFFF8000  }
0x270: {  	[hbm4b:s17+s3] =	stream.linear.scatter [tilespmem:s9], [sflag:$0x5], $0x8000, $0x38;
	[tilespmem:$0x18280] =	vst v63  }
0x271: {  	_ =	swait.ge [sflag:s14], $0x8000  }
0x272: {  	[sflag:s14] =	ssyncset.done $0x0  }
0x273: {  	[sflag:s14] =	ssyncadd.s32 $0xFFFF8000  }
0x274: {  	[tilespmem:s9], [sflag:$0x2] =	stream.indirect.gather [hbm4b:s1+s7], $0x1000, s28, s7, $0xb8;
	[tilespmem:$0x18280] =	vst v63  }
0x275: {  	_ =	swait.ge [sflag:s15], $0x8000  }
0x276: {  	s17 =	sld [smem:$0x7D5]  }
0x277: {  	[sflag:s15] =	ssyncset.done $0x0  }
0x278: {  	[sflag:s15] =	ssyncadd.s32 $0xFFFF8000  }
0x279: {  	[hbm4b:s17+s3] =	stream.linear.scatter [tilespmem:s10], [sflag:$0x6], $0x8000, $0x38;
	[tilespmem:$0x18280] =	vst v63  }
0x27a: {  	_ =	swait.ge [sflag:s16], $0x8000  }
0x27b: {  	[sflag:s16] =	ssyncset.done $0x0  }
0x27c: {  	[sflag:s16] =	ssyncadd.s32 $0xFFFF8000  }
0x27d: {  	[tilespmem:s10], [sflag:$0x3] =	stream.indirect.gather [hbm4b:s1+s7], $0x1000, s29, s7, $0xb8;
	[tilespmem:$0x18280] =	vst v63  }
0x27e: {  	_ =	swait.ge [sflag:s11], $0x8000  }
0x27f: {  	s17 =	sld [smem:$0x7D6]  }
0x280: {  	[sflag:s11] =	ssyncset.done $0x0  }
0x281: {  	[sflag:s11] =	ssyncadd.s32 $0xFFFF8000  }
0x282: {  	[hbm4b:s17+s3] =	stream.linear.scatter [tilespmem:s8], [sflag:$0x4], $0x8000, $0x38;
	[tilespmem:$0x18280] =	vst v63  }
0x283: {  	_ =	swait.ge [sflag:s12], $0x8000  }
0x284: {  	[sflag:s12] =	ssyncset.done $0x0  }
0x285: {  	[sflag:s12] =	ssyncadd.s32 $0xFFFF8000  }
0x286: {  	[tilespmem:s8], [sflag:$0x1] =	stream.indirect.gather [hbm4b:s1+s7], $0x1000, s30, s7, $0xb8;
	[tilespmem:$0x18280] =	vst v63  }
0x287: {  	_ =	swait.ge [sflag:s13], $0x8000  }
0x288: {  	s17 =	sld [smem:$0x7D7]  }
0x289: {  	[sflag:s13] =	ssyncset.done $0x0  }
0x28a: {  	[sflag:s13] =	ssyncadd.s32 $0xFFFF8000  }
0x28b: {  	[hbm4b:s17+s3] =	stream.linear.scatter [tilespmem:s9], [sflag:$0x5], $0x8000, $0x38;
	[tilespmem:$0x18280] =	vst v63  }
0x28c: {  	_ =	swait.ge [sflag:s14], $0x8000  }
0x28d: {  	[sflag:s14] =	ssyncset.done $0x0  }
0x28e: {  	[sflag:s14] =	ssyncadd.s32 $0xFFFF8000  }
0x28f: {  	[tilespmem:s9], [sflag:$0x2] =	stream.indirect.gather [hbm4b:s1+s7], $0x1000, s31, s7, $0xb8;
	[tilespmem:$0x18280] =	vst v63  }
0x290: {  	_ =	swait.ge [sflag:s15], $0x8000  }
0x291: {  	s17 =	sld [smem:$0x7D8]  }
0x292: {  	[sflag:s15] =	ssyncset.done $0x0  }
0x293: {  	[sflag:s15] =	ssyncadd.s32 $0xFFFF8000  }
0x294: {  	[hbm4b:s17+s3] =	stream.linear.scatter [tilespmem:s10], [sflag:$0x6], $0x8000, $0x38;
	[tilespmem:$0x18280] =	vst v63  }
0x295: {  	_ =	swait.ge [sflag:s16], $0x8000  }
0x296: {  	[sflag:s16] =	ssyncset.done $0x0  }
0x297: {  	[sflag:s16] =	ssyncadd.s32 $0xFFFF8000  }
0x298: {  	[tilespmem:s10], [sflag:$0x3] =	stream.indirect.gather [hbm4b:s1+s7], $0x1000, s2, s7, $0xb8;
	[tilespmem:$0x18280] =	vst v63  }
0x299: {  	_ =	swait.ge [sflag:s11], $0x8000  }
0x29a: {  	s17 =	sld [smem:$0x7D9]  }
0x29b: {  	[sflag:s11] =	ssyncset.done $0x0  }
0x29c: {  	[sflag:s11] =	ssyncadd.s32 $0xFFFF8000  }
0x29d: {  	[hbm4b:s17+s3] =	stream.linear.scatter [tilespmem:s8], [sflag:$0x4], $0x8000, $0x38;
	[tilespmem:$0x18280] =	vst v63  }
0x29e: {  	_ =	swait.ge [sflag:s13], $0x8000  }
0x29f: {  	s17 =	sld [smem:$0x7DA]  }
0x2a0: {  	[sflag:s13] =	ssyncset.done $0x0  }
0x2a1: {  	[sflag:s13] =	ssyncadd.s32 $0xFFFF8000  }
0x2a2: {  	[hbm4b:s17+s3] =	stream.linear.scatter [tilespmem:s9], [sflag:$0x5], $0x8000, $0x38;
	[tilespmem:$0x18280] =	vst v63  }
0x2a3: {  	_ =	swait.ge [sflag:s15], $0x8000  }
0x2a4: {  	s17 =	sld [smem:$0x7DB]  }
0x2a5: {  	[sflag:s15] =	ssyncset.done $0x0  }
0x2a6: {  	[sflag:s15] =	ssyncadd.s32 $0xFFFF8000  }
0x2a7: {  	[hbm4b:s17+s3] =	stream.linear.scatter [tilespmem:s10], [sflag:$0x6], $0x8000, $0x38;
	[tilespmem:$0x18280] =	vst v63  }
0x2a8: {  	_ =	swait.ge [sflag:s12], $0x8000  }
0x2a9: {  	[sflag:s12] =	ssyncset.done $0x0  }
0x2aa: {  	[sflag:s12] =	ssyncadd.s32 $0xFFFF8000  }
0x2ab: {  	p0 =	sne.s32 s5, $0x1;
	_ =	swait.ge [sflag:s14], $0x8000  }
.Ltmp0:
0x2ac: {  	[sflag:s14] =	ssyncset.done $0x0;
	(pc) =	sbr.rel @p0 .LBB2_1-.Ltmp0, $4  }
0x2ad: {  	[sflag:s14] =	ssyncadd.s32 $0xFFFF8000  }
0x2ae: {  	_ =	swait.ge [sflag:s16], $0x8000  }
0x2af: {  	[sflag:s16] =	ssyncset.done $0x0  }
0x2b0: {  	s5 =	sadd.s32 $0xFFFFFFFF, s5;
	[sflag:s16] =	ssyncadd.s32 $0xFFFF8000  }
0x2b1: {  	_ =	sfence.sel $0x180000  }
0x2b2: {  	[bflag:$0x0] =	sbarrier.arrive $0xFFFF  }
0x2b3: {  	_ =	strace $0x90000047  }
0x2b4: {  	s0 =	stileid.u32;
	[bflag:$0x2] =	sbarrier.arrive $0xFFFF  }
0x2b5: {  	p0 =	sne.s32 s0, $0x0;
	s0 =	rddreg [dreg:$0x4]  }
0x2b6: {  	s0 =	sadd.s32 @!p0 $0x100000, s0  }
0x2b7: {  	[sflag:s0] =	ssyncadd.tile.s32 @!p0 $0x1;
	_ =	shalt  }
.Lfunc_end2:
_tile_overlayer_lowered:
.L_overlay_start_2:
0x2b8: {  	(tag) =	ssettag $0x2  }
0x2b9: {  	s0 =	rddreg [dreg:$0x0];
	s2 =	stileid.u32  }
0x2ba: {  	s1 =	rddreg [dreg:$0x1];
	p0 =	sne.s32 s2, $0x0  }
0x2bb: {  	s3 =	rddreg [dreg:$0x2];
	[bflag:$0x3] =	sbarrier.arrive $0xFFFF;
	s2 =	simm.s32 @!p0 $0x1C07  }
0x2bc: {  	[timem:s3], [sflag:s2] =	dma.local @!p0 [hbm:s0], s1  }
0x2bd: {  	s0 =	simm.s32 @!p0 $0x7  }
0x2be: {  	_ =	swait.ge @!p0 [sflag:s0], s1  }
0x2bf: {  	s1 =	ssub.s32 @!p0 $0x0, s1;
	[sflag:s0] =	ssyncset.done @!p0 $0x0  }
0x2c0: {  	[sflag:s0] =	ssyncadd.s32 @!p0 s1  }
0x2c1: {  	[bflag:$0x3] =	sbarrier.arrive $0xFFFF  }
0x2c2: {  	_ =	shalt  }

</sc_bundles>
